<compile_context>
chip_gen: v7x
topology: tpu7x:2x2x1
jax: 0.10.2.dev20260603
libtpu: 0.0.44.dev20260713+nightly
codegen_flags: <defaults>
</compile_context>

<pallas_src>
import functools

import jax
import jax.numpy as jnp
import numpy as np
from jax import lax
from jax.experimental import pallas as pl
from jax.experimental.pallas import tpu as pltpu
from jax.experimental.pallas import tpu_sc as plsc

B, L, D = 1024, 50, 512
NT = B * L

LPAD = 56
N_T1, N_T2, N_T3 = 16 * 32, 64 * LPAD, 256 * 96

NC, NS = 2, 16
NW = NC * NS
PER_W = NT // NW
T = 32
NCHUNK = PER_W // T
NPAIR = NCHUNK // 2


def _pos_enc(seq_len, d):
    channels = int(np.ceil(d / 2) * 2)
    inv_freq = 1.0 / (10000.0 ** (np.arange(0, channels, 2, dtype=np.float32) / np.float32(channels)))
    pos = jnp.arange(seq_len, dtype=jnp.float32)
    sin_inp = pos[:, None] * jnp.asarray(inv_freq, dtype=jnp.float32)[None, :]
    emb = jnp.reshape(jnp.stack((jnp.sin(sin_inp), jnp.cos(sin_inp)), axis=-1), (seq_len, channels))
    return emb[:, :d]


def _prep_body(wbar, wpos, wtok, wdur, wphr, wproj, bias, pe,
               t1_ref, t2_ref, ptok_ref, pdur_ref):
    dn = (((1,), (1,)), ((), ()))

    def proj(tab, seg):
        w = wproj[:, seg * D:(seg + 1) * D]
        return lax.dot_general(tab[...], w, dn, preferred_element_type=jnp.float32)

    pbar = proj(wbar, 0)
    pphr = proj(wphr, 4)
    t1_ref[...] = pbar[:, None, :] + pphr[None, :, :]

    ppos = proj(wpos, 1)
    peb = jnp.concatenate(
        [pe[...] + bias[...][None, :], jnp.zeros((LPAD - L, D), jnp.float32)], axis=0)
    t2_ref[...] = ppos[:, None, :] + peb[None, :, :]

    ptok_ref[...] = proj(wtok, 2)
    pdur_ref[...] = proj(wdur, 3)


def _prep(wbar, wpos, wtok, wdur, wphr, wproj, bias, pe):
    return pl.pallas_call(
        _prep_body,
        out_shape=(
            jax.ShapeDtypeStruct((16, 32, D), jnp.float32),
            jax.ShapeDtypeStruct((64, LPAD, D), jnp.float32),
            jax.ShapeDtypeStruct((256, D), jnp.float32),
            jax.ShapeDtypeStruct((96, D), jnp.float32),
        ),
    )(wbar, wpos, wtok, wdur, wphr, wproj, bias, pe)


def _t3_body(ptok, pdur, t3_ref):
    t3_ref[...] = ptok[...][:, None, :] + pdur[...][None, :, :]


def _t3(ptok, pdur):
    nblk = 8
    return pl.pallas_call(
        _t3_body,
        grid=(nblk,),
        in_specs=[
            pl.BlockSpec((256 // nblk, D), lambda i: (i, 0)),
            pl.BlockSpec((96, D), lambda i: (0, 0)),
        ],
        out_specs=pl.BlockSpec((256 // nblk, 96, D), lambda i: (i, 0, 0)),
        out_shape=jax.ShapeDtypeStruct((256, 96, D), jnp.float32),
    )(ptok, pdur)


def _idx_body(bar, pos, tok, dur, phr, i1_ref, i2_ref, i3_ref):
    r = lax.broadcasted_iota(jnp.int32, (400, 128), 0)
    c = lax.broadcasted_iota(jnp.int32, (400, 128), 1)
    l = lax.rem(r * 128 + c, L)
    i1_ref[...] = bar[...] * 32 + phr[...]
    i2_ref[...] = pos[...] * LPAD + l
    i3_ref[...] = tok[...] * 96 + dur[...]


def _fuse_idx(bar, pos, tok, dur, phr):
    return pl.pallas_call(
        _idx_body,
        out_shape=(
            jax.ShapeDtypeStruct((400, 128), jnp.int32),
            jax.ShapeDtypeStruct((400, 128), jnp.int32),
            jax.ShapeDtypeStruct((400, 128), jnp.int32),
        ),
    )(bar, pos, tok, dur, phr)


@functools.lru_cache(maxsize=None)
def _make_sc_gather():
    mesh = plsc.VectorSubcoreMesh(core_axis_name="c", subcore_axis_name="s")
    return functools.partial(
        pl.kernel,
        mesh=mesh,
        out_type=jax.ShapeDtypeStruct((NT, D), jnp.float32),
        scratch_types=[
            pltpu.VMEM((3, NCHUNK, T), jnp.int32),
            pltpu.VMEM((T, D), jnp.float32),
            pltpu.VMEM((T, D), jnp.float32),
            pltpu.VMEM((T, D), jnp.float32),
            pltpu.VMEM((T, D), jnp.float32),
            pltpu.VMEM((T, D), jnp.float32),
            pltpu.VMEM((T, D), jnp.float32),
            pltpu.SemaphoreType.DMA,
            pltpu.SemaphoreType.DMA,
            pltpu.SemaphoreType.DMA,
            pltpu.SemaphoreType.DMA,
        ],
    )(_sc_gather_body)


def _sc_gather_body(i1_h, i2_h, i3_h, t1_h, t2_h, t3_h, out_h, idxw,
                    a1, a2, a3, b1, b2, b3, ga, gb, oa, ob):
    wid = lax.axis_index("s") * NC + lax.axis_index("c")
    base = wid * PER_W

    pltpu.sync_copy(i1_h.at[wid], idxw.at[0])
    pltpu.sync_copy(i2_h.at[wid], idxw.at[1])
    pltpu.sync_copy(i3_h.at[wid], idxw.at[2])

    def fire(c, bufs, sem):
        pltpu.async_copy(t1_h.at[idxw.at[0, c]], bufs[0], sem)
        pltpu.async_copy(t2_h.at[idxw.at[1, c]], bufs[1], sem)
        pltpu.async_copy(t3_h.at[idxw.at[2, c]], bufs[2], sem)

    def drain_gather(bufs, sem):
        pltpu.make_async_copy(t1_h.at[idxw.at[0, 0]], bufs[0], sem).wait()
        pltpu.make_async_copy(t2_h.at[idxw.at[1, 0]], bufs[1], sem).wait()
        pltpu.make_async_copy(t3_h.at[idxw.at[2, 0]], bufs[2], sem).wait()

    def reduce_into(bufs):
        def row_add(r, carry):
            for cc in range(D // 16):
                sl = pl.ds(cc * 16, 16)
                bufs[0][r, sl] = bufs[0][r, sl] + bufs[1][r, sl] + bufs[2][r, sl]
            return carry
        lax.fori_loop(0, T, row_add, 0)

    def fire_out(c, bufs, osem):
        pltpu.async_copy(bufs[0], out_h.at[pl.ds(base + c * T, T)], osem)

    def wait_out(bufs, osem):
        pltpu.make_async_copy(bufs[0], out_h.at[pl.ds(base, T)], osem).wait()

    bank_a = (a1, a2, a3)
    bank_b = (b1, b2, b3)
    fire(0, bank_a, ga)
    fire(1, bank_b, gb)

    def pair_step(p, carry):
        ca = 2 * p
        drain_gather(bank_a, ga)
        reduce_into(bank_a)
        fire_out(ca, bank_a, oa)

        drain_gather(bank_b, gb)
        reduce_into(bank_b)
        fire_out(ca + 1, bank_b, ob)

        @pl.when(p < NPAIR - 1)
        def _():
            wait_out(bank_a, oa)
            fire(ca + 2, bank_a, ga)
            wait_out(bank_b, ob)
            fire(ca + 3, bank_b, gb)

        return carry

    lax.fori_loop(0, NPAIR, pair_step, 0)
    wait_out(bank_a, oa)
    wait_out(bank_b, ob)


def kernel(bar, pos, token, dur, phrase, W_bar, W_pos, W_token, W_dur, W_phrase, W_proj, b_proj):
    pe = _pos_enc(L, D)
    t1_3d, t2_3d, ptok, pdur = _prep(W_bar, W_pos, W_token, W_dur, W_phrase, W_proj, b_proj, pe)
    t3_3d = _t3(ptok, pdur)
    t1 = t1_3d.reshape(N_T1, D)
    t2 = t2_3d.reshape(N_T2, D)
    t3 = t3_3d.reshape(N_T3, D)

    flat2 = lambda x: jnp.asarray(x, jnp.int32).reshape(400, 128)
    i1, i2, i3 = _fuse_idx(flat2(bar), flat2(pos), flat2(token), flat2(dur), flat2(phrase))
    i1, i2, i3 = (i.reshape(NW, NCHUNK, T) for i in (i1, i2, i3))

    return _make_sc_gather()(i1, i2, i3, t1, t2, t3).reshape(B, L, D)

# --- scband reference (transcript-rebuilt; emitter-appended) ---
"""Pipeline reference for scband-melody-embedding-85177791414744 (READ-ONLY COPY).

The authoritative reference and input builder live on the scoring server;
editing this copy changes nothing except your own understanding.
"""

import jax, jax.numpy as jnp
import numpy as np


def _pos_enc_1d(seq_len, d):
    # faithful to positional_encodings.PositionalEncoding1D (interleaved sin/cos)
    channels = int(np.ceil(d / 2) * 2)
    inv_freq = 1.0 / (10000.0 ** (np.arange(0, channels, 2, dtype=np.float32) / np.float32(channels)))
    pos = jnp.arange(seq_len, dtype=jnp.float32)
    sin_inp = jnp.einsum('i,j->ij', pos, jnp.asarray(inv_freq, dtype=jnp.float32))
    emb = jnp.reshape(jnp.stack((jnp.sin(sin_inp), jnp.cos(sin_inp)), axis=-1), (seq_len, channels))
    return emb[:, :d]


def setup_inputs(seed: int = 0):
    key = jax.random.key(seed)
    ks = jax.random.split(key, 12)
    B, L, D = 1024, 50, 512
    std = D ** (-0.5)

    def table(k, n):
        t = jax.random.normal(k, (n, D), dtype=jnp.float32) * std
        return t.at[1].set(0.0)  # padding_idx=1

    bound = (5 * D) ** (-0.5)
    return {
        'bar': jax.random.randint(ks[0], (B, L), 0, 16, dtype=jnp.int64) if jax.config.jax_enable_x64 else jax.random.randint(ks[0], (B, L), 0, 16),
        'pos': jax.random.randint(ks[1], (B, L), 0, 64),
        'token': jax.random.randint(ks[2], (B, L), 0, 256),
        'dur': jax.random.randint(ks[3], (B, L), 0, 96),
        'phrase': jax.random.randint(ks[4], (B, L), 0, 32),
        'W_bar': table(ks[5], 16),
        'W_pos': table(ks[6], 64),
        'W_token': table(ks[7], 256),
        'W_dur': table(ks[8], 96),
        'W_phrase': table(ks[9], 32),
        'W_proj': jax.random.uniform(ks[10], (D, 5 * D), minval=-bound, maxval=bound, dtype=jnp.float32),
        'b_proj': jax.random.uniform(ks[11], (D,), minval=-bound, maxval=bound, dtype=jnp.float32),
    }


def reference(bar, pos, token, dur, phrase, W_bar, W_pos, W_token, W_dur, W_phrase, W_proj, b_proj):
    bar_e = jnp.take(W_bar, bar, axis=0)
    pos_e = jnp.take(W_pos, pos, axis=0)
    tok_e = jnp.take(W_token, token, axis=0)
    dur_e = jnp.take(W_dur, dur, axis=0)
    phr_e = jnp.take(W_phrase, phrase, axis=0)
    embeds = jnp.concatenate([bar_e, pos_e, tok_e, dur_e, phr_e], axis=-1)
    embeds = embeds @ W_proj.T + b_proj
    pe = _pos_enc_1d(embeds.shape[1], embeds.shape[2])
    return embeds + pe[None, :, :]

if __name__ == "__main__":
    import jax
    _d = setup_inputs()
    print(jax.jit(kernel)(*tuple(_d.values())))

</pallas_src>

<mosaic_0001>
#map = affine_map<(d0, d1) -> (0, 0, 0)>
#map1 = affine_map<(d0, d1) -> (0, 0)>
module attributes {stable_mosaic.version = 14 : i64} {
  func.func @_sc_gather_body(%arg0: i32, %arg1: i32, %arg2: memref<32x50x32xi32, #tpu.memory_space<hbm>>, %arg3: memref<32x50x32xi32, #tpu.memory_space<hbm>>, %arg4: memref<32x50x32xi32, #tpu.memory_space<hbm>>, %arg5: memref<512x512xf32, #tpu.memory_space<hbm>>, %arg6: memref<3584x512xf32, #tpu.memory_space<hbm>>, %arg7: memref<24576x512xf32, #tpu.memory_space<hbm>>, %arg8: memref<51200x512xf32, #tpu.memory_space<hbm>>, %arg9: memref<3x50x32xi32, #tpu.memory_space<vmem>>, %arg10: memref<32x512xf32, #tpu.memory_space<vmem>>, %arg11: memref<32x512xf32, #tpu.memory_space<vmem>>, %arg12: memref<32x512xf32, #tpu.memory_space<vmem>>, %arg13: memref<32x512xf32, #tpu.memory_space<vmem>>, %arg14: memref<32x512xf32, #tpu.memory_space<vmem>>, %arg15: memref<32x512xf32, #tpu.memory_space<vmem>>, %arg16: memref<!tpu.dma_semaphore, #tpu.memory_space<semaphore_mem>>, %arg17: memref<!tpu.dma_semaphore, #tpu.memory_space<semaphore_mem>>, %arg18: memref<!tpu.dma_semaphore, #tpu.memory_space<semaphore_mem>>, %arg19: memref<!tpu.dma_semaphore, #tpu.memory_space<semaphore_mem>>) attributes {dimension_semantics = [#tpu.dimension_semantics<core_parallel>, #tpu.dimension_semantics<subcore_parallel>], iteration_bounds = array<i64: 2, 16>, scalar_prefetch = 0 : i64, scratch_operands = 11 : i64, tpu.core_type = #tpu.core_type<sc_vector_subcore>, window_params = [{transform_indices = #map}, {transform_indices = #map}, {transform_indices = #map}, {transform_indices = #map1}, {transform_indices = #map1}, {transform_indices = #map1}, {transform_indices = #map1}]} {
    %mul3A = arith.constant 2 : i32
    %mul3A_0 = arith.muli %arg1, %mul3A : i32
    %add3A = arith.addi %mul3A_0, %arg0 : i32
    %mul3A_1 = arith.constant 1600 : i32
    %mul3A_2 = arith.muli %add3A, %mul3A_1 : i32
    %run_scoped3A = arith.constant 0 : i32
    "tpu.region"() ({
      %run_scoped3A_64 = tpu.sem_alloc : memref<!tpu.dma_semaphore, #tpu.memory_space<semaphore_mem>>
      %dma_start3A_65 = arith.constant 0 : i32
      %dma_start3A_66 = arith.constant 0 : i32
      %dma_start3A_67 = tpu.memref_slice %arg9[%run_scoped3A, %dma_start3A_65, %dma_start3A_66] : memref<3x50x32xi32, #tpu.memory_space<vmem>> -> memref<1x50x32xi32, #tpu.memory_space<vmem>>
      %dma_start3A_68 = tpu.memref_squeeze %dma_start3A_67 : memref<1x50x32xi32, #tpu.memory_space<vmem>> -> memref<50x32xi32, #tpu.memory_space<vmem>>
      %dma_start3A_69 = arith.constant 0 : i32
      %dma_start3A_70 = arith.constant 0 : i32
      %dma_start3A_71 = tpu.memref_slice %arg2[%add3A, %dma_start3A_69, %dma_start3A_70] : memref<32x50x32xi32, #tpu.memory_space<hbm>> -> memref<1x50x32xi32, #tpu.memory_space<hbm>>
      %dma_start3A_72 = tpu.memref_squeeze %dma_start3A_71 : memref<1x50x32xi32, #tpu.memory_space<hbm>> -> memref<50x32xi32, #tpu.memory_space<hbm>>
      %dma_start3A_73 = arith.constant 0 : i32
      %dma_start3A_74 = arith.constant 0 : i32
      %dma_start3A_75 = tpu.memref_slice %arg9[%run_scoped3A, %dma_start3A_73, %dma_start3A_74] : memref<3x50x32xi32, #tpu.memory_space<vmem>> -> memref<1x50x32xi32, #tpu.memory_space<vmem>>
      %dma_start3A_76 = tpu.memref_squeeze %dma_start3A_75 : memref<1x50x32xi32, #tpu.memory_space<vmem>> -> memref<50x32xi32, #tpu.memory_space<vmem>>
      %dma_start3A_77 = arith.constant 0 : i32
      %dma_start3A_78 = arith.constant 0 : i32
      %dma_start3A_79 = tpu.memref_slice %arg2[%add3A, %dma_start3A_77, %dma_start3A_78] : memref<32x50x32xi32, #tpu.memory_space<hbm>> -> memref<1x50x32xi32, #tpu.memory_space<hbm>>
      %dma_start3A_80 = tpu.memref_squeeze %dma_start3A_79 : memref<1x50x32xi32, #tpu.memory_space<hbm>> -> memref<50x32xi32, #tpu.memory_space<hbm>>
      tpu.enqueue_dma source(%dma_start3A_80 : memref<50x32xi32, #tpu.memory_space<hbm>>) target(%dma_start3A_76 : memref<50x32xi32, #tpu.memory_space<vmem>>) target_semaphore(%run_scoped3A_64 : memref<!tpu.dma_semaphore, #tpu.memory_space<semaphore_mem>>)
      %dma_wait3A_81 = arith.constant 0 : i32
      %dma_wait3A_82 = arith.constant 0 : i32
      %dma_wait3A_83 = tpu.memref_slice %arg9[%run_scoped3A, %dma_wait3A_81, %dma_wait3A_82] : memref<3x50x32xi32, #tpu.memory_space<vmem>> -> memref<1x50x32xi32, #tpu.memory_space<vmem>>
      %dma_wait3A_84 = tpu.memref_squeeze %dma_wait3A_83 : memref<1x50x32xi32, #tpu.memory_space<vmem>> -> memref<50x32xi32, #tpu.memory_space<vmem>>
      %dma_wait3A_85 = arith.constant 0 : i32
      %dma_wait3A_86 = arith.constant 0 : i32
      %dma_wait3A_87 = tpu.memref_slice %arg2[%add3A, %dma_wait3A_85, %dma_wait3A_86] : memref<32x50x32xi32, #tpu.memory_space<hbm>> -> memref<1x50x32xi32, #tpu.memory_space<hbm>>
      %dma_wait3A_88 = tpu.memref_squeeze %dma_wait3A_87 : memref<1x50x32xi32, #tpu.memory_space<hbm>> -> memref<50x32xi32, #tpu.memory_space<hbm>>
      %dma_wait3A_89 = arith.constant 0 : i32
      %dma_wait3A_90 = arith.constant 0 : i32
      %dma_wait3A_91 = tpu.memref_slice %arg9[%run_scoped3A, %dma_wait3A_89, %dma_wait3A_90] : memref<3x50x32xi32, #tpu.memory_space<vmem>> -> memref<1x50x32xi32, #tpu.memory_space<vmem>>
      %dma_wait3A_92 = tpu.memref_squeeze %dma_wait3A_91 : memref<1x50x32xi32, #tpu.memory_space<vmem>> -> memref<50x32xi32, #tpu.memory_space<vmem>>
      %dma_wait3A_93 = arith.constant 0 : i32
      %dma_wait3A_94 = arith.constant 0 : i32
      %dma_wait3A_95 = tpu.memref_slice %arg2[%add3A, %dma_wait3A_93, %dma_wait3A_94] : memref<32x50x32xi32, #tpu.memory_space<hbm>> -> memref<1x50x32xi32, #tpu.memory_space<hbm>>
      %dma_wait3A_96 = tpu.memref_squeeze %dma_wait3A_95 : memref<1x50x32xi32, #tpu.memory_space<hbm>> -> memref<50x32xi32, #tpu.memory_space<hbm>>
      tpu.wait_dma2 semaphore(%run_scoped3A_64 : memref<!tpu.dma_semaphore, #tpu.memory_space<semaphore_mem>>) src(%dma_wait3A_96 : memref<50x32xi32, #tpu.memory_space<hbm>>) dst(%dma_wait3A_92 : memref<50x32xi32, #tpu.memory_space<vmem>>)
      tpu.yield
    }) : () -> ()
    %run_scoped3A_3 = arith.constant 1 : i32
    "tpu.region"() ({
      %run_scoped3A_64 = tpu.sem_alloc : memref<!tpu.dma_semaphore, #tpu.memory_space<semaphore_mem>>
      %dma_start3A_65 = arith.constant 0 : i32
      %dma_start3A_66 = arith.constant 0 : i32
      %dma_start3A_67 = tpu.memref_slice %arg9[%run_scoped3A_3, %dma_start3A_65, %dma_start3A_66] : memref<3x50x32xi32, #tpu.memory_space<vmem>> -> memref<1x50x32xi32, #tpu.memory_space<vmem>>
      %dma_start3A_68 = tpu.memref_squeeze %dma_start3A_67 : memref<1x50x32xi32, #tpu.memory_space<vmem>> -> memref<50x32xi32, #tpu.memory_space<vmem>>
      %dma_start3A_69 = arith.constant 0 : i32
      %dma_start3A_70 = arith.constant 0 : i32
      %dma_start3A_71 = tpu.memref_slice %arg3[%add3A, %dma_start3A_69, %dma_start3A_70] : memref<32x50x32xi32, #tpu.memory_space<hbm>> -> memref<1x50x32xi32, #tpu.memory_space<hbm>>
      %dma_start3A_72 = tpu.memref_squeeze %dma_start3A_71 : memref<1x50x32xi32, #tpu.memory_space<hbm>> -> memref<50x32xi32, #tpu.memory_space<hbm>>
      %dma_start3A_73 = arith.constant 0 : i32
      %dma_start3A_74 = arith.constant 0 : i32
      %dma_start3A_75 = tpu.memref_slice %arg9[%run_scoped3A_3, %dma_start3A_73, %dma_start3A_74] : memref<3x50x32xi32, #tpu.memory_space<vmem>> -> memref<1x50x32xi32, #tpu.memory_space<vmem>>
      %dma_start3A_76 = tpu.memref_squeeze %dma_start3A_75 : memref<1x50x32xi32, #tpu.memory_space<vmem>> -> memref<50x32xi32, #tpu.memory_space<vmem>>
      %dma_start3A_77 = arith.constant 0 : i32
      %dma_start3A_78 = arith.constant 0 : i32
      %dma_start3A_79 = tpu.memref_slice %arg3[%add3A, %dma_start3A_77, %dma_start3A_78] : memref<32x50x32xi32, #tpu.memory_space<hbm>> -> memref<1x50x32xi32, #tpu.memory_space<hbm>>
      %dma_start3A_80 = tpu.memref_squeeze %dma_start3A_79 : memref<1x50x32xi32, #tpu.memory_space<hbm>> -> memref<50x32xi32, #tpu.memory_space<hbm>>
      tpu.enqueue_dma source(%dma_start3A_80 : memref<50x32xi32, #tpu.memory_space<hbm>>) target(%dma_start3A_76 : memref<50x32xi32, #tpu.memory_space<vmem>>) target_semaphore(%run_scoped3A_64 : memref<!tpu.dma_semaphore, #tpu.memory_space<semaphore_mem>>)
      %dma_wait3A_81 = arith.constant 0 : i32
      %dma_wait3A_82 = arith.constant 0 : i32
      %dma_wait3A_83 = tpu.memref_slice %arg9[%run_scoped3A_3, %dma_wait3A_81, %dma_wait3A_82] : memref<3x50x32xi32, #tpu.memory_space<vmem>> -> memref<1x50x32xi32, #tpu.memory_space<vmem>>
      %dma_wait3A_84 = tpu.memref_squeeze %dma_wait3A_83 : memref<1x50x32xi32, #tpu.memory_space<vmem>> -> memref<50x32xi32, #tpu.memory_space<vmem>>
      %dma_wait3A_85 = arith.constant 0 : i32
      %dma_wait3A_86 = arith.constant 0 : i32
      %dma_wait3A_87 = tpu.memref_slice %arg3[%add3A, %dma_wait3A_85, %dma_wait3A_86] : memref<32x50x32xi32, #tpu.memory_space<hbm>> -> memref<1x50x32xi32, #tpu.memory_space<hbm>>
      %dma_wait3A_88 = tpu.memref_squeeze %dma_wait3A_87 : memref<1x50x32xi32, #tpu.memory_space<hbm>> -> memref<50x32xi32, #tpu.memory_space<hbm>>
      %dma_wait3A_89 = arith.constant 0 : i32
      %dma_wait3A_90 = arith.constant 0 : i32
      %dma_wait3A_91 = tpu.memref_slice %arg9[%run_scoped3A_3, %dma_wait3A_89, %dma_wait3A_90] : memref<3x50x32xi32, #tpu.memory_space<vmem>> -> memref<1x50x32xi32, #tpu.memory_space<vmem>>
      %dma_wait3A_92 = tpu.memref_squeeze %dma_wait3A_91 : memref<1x50x32xi32, #tpu.memory_space<vmem>> -> memref<50x32xi32, #tpu.memory_space<vmem>>
      %dma_wait3A_93 = arith.constant 0 : i32
      %dma_wait3A_94 = arith.constant 0 : i32
      %dma_wait3A_95 = tpu.memref_slice %arg3[%add3A, %dma_wait3A_93, %dma_wait3A_94] : memref<32x50x32xi32, #tpu.memory_space<hbm>> -> memref<1x50x32xi32, #tpu.memory_space<hbm>>
      %dma_wait3A_96 = tpu.memref_squeeze %dma_wait3A_95 : memref<1x50x32xi32, #tpu.memory_space<hbm>> -> memref<50x32xi32, #tpu.memory_space<hbm>>
      tpu.wait_dma2 semaphore(%run_scoped3A_64 : memref<!tpu.dma_semaphore, #tpu.memory_space<semaphore_mem>>) src(%dma_wait3A_96 : memref<50x32xi32, #tpu.memory_space<hbm>>) dst(%dma_wait3A_92 : memref<50x32xi32, #tpu.memory_space<vmem>>)
      tpu.yield
    }) : () -> ()
    %run_scoped3A_4 = arith.constant 2 : i32
    "tpu.region"() ({
      %run_scoped3A_64 = tpu.sem_alloc : memref<!tpu.dma_semaphore, #tpu.memory_space<semaphore_mem>>
      %dma_start3A_65 = arith.constant 0 : i32
      %dma_start3A_66 = arith.constant 0 : i32
      %dma_start3A_67 = tpu.memref_slice %arg9[%run_scoped3A_4, %dma_start3A_65, %dma_start3A_66] : memref<3x50x32xi32, #tpu.memory_space<vmem>> -> memref<1x50x32xi32, #tpu.memory_space<vmem>>
      %dma_start3A_68 = tpu.memref_squeeze %dma_start3A_67 : memref<1x50x32xi32, #tpu.memory_space<vmem>> -> memref<50x32xi32, #tpu.memory_space<vmem>>
      %dma_start3A_69 = arith.constant 0 : i32
      %dma_start3A_70 = arith.constant 0 : i32
      %dma_start3A_71 = tpu.memref_slice %arg4[%add3A, %dma_start3A_69, %dma_start3A_70] : memref<32x50x32xi32, #tpu.memory_space<hbm>> -> memref<1x50x32xi32, #tpu.memory_space<hbm>>
      %dma_start3A_72 = tpu.memref_squeeze %dma_start3A_71 : memref<1x50x32xi32, #tpu.memory_space<hbm>> -> memref<50x32xi32, #tpu.memory_space<hbm>>
      %dma_start3A_73 = arith.constant 0 : i32
      %dma_start3A_74 = arith.constant 0 : i32
      %dma_start3A_75 = tpu.memref_slice %arg9[%run_scoped3A_4, %dma_start3A_73, %dma_start3A_74] : memref<3x50x32xi32, #tpu.memory_space<vmem>> -> memref<1x50x32xi32, #tpu.memory_space<vmem>>
      %dma_start3A_76 = tpu.memref_squeeze %dma_start3A_75 : memref<1x50x32xi32, #tpu.memory_space<vmem>> -> memref<50x32xi32, #tpu.memory_space<vmem>>
      %dma_start3A_77 = arith.constant 0 : i32
      %dma_start3A_78 = arith.constant 0 : i32
      %dma_start3A_79 = tpu.memref_slice %arg4[%add3A, %dma_start3A_77, %dma_start3A_78] : memref<32x50x32xi32, #tpu.memory_space<hbm>> -> memref<1x50x32xi32, #tpu.memory_space<hbm>>
      %dma_start3A_80 = tpu.memref_squeeze %dma_start3A_79 : memref<1x50x32xi32, #tpu.memory_space<hbm>> -> memref<50x32xi32, #tpu.memory_space<hbm>>
      tpu.enqueue_dma source(%dma_start3A_80 : memref<50x32xi32, #tpu.memory_space<hbm>>) target(%dma_start3A_76 : memref<50x32xi32, #tpu.memory_space<vmem>>) target_semaphore(%run_scoped3A_64 : memref<!tpu.dma_semaphore, #tpu.memory_space<semaphore_mem>>)
      %dma_wait3A_81 = arith.constant 0 : i32
      %dma_wait3A_82 = arith.constant 0 : i32
      %dma_wait3A_83 = tpu.memref_slice %arg9[%run_scoped3A_4, %dma_wait3A_81, %dma_wait3A_82] : memref<3x50x32xi32, #tpu.memory_space<vmem>> -> memref<1x50x32xi32, #tpu.memory_space<vmem>>
      %dma_wait3A_84 = tpu.memref_squeeze %dma_wait3A_83 : memref<1x50x32xi32, #tpu.memory_space<vmem>> -> memref<50x32xi32, #tpu.memory_space<vmem>>
      %dma_wait3A_85 = arith.constant 0 : i32
      %dma_wait3A_86 = arith.constant 0 : i32
      %dma_wait3A_87 = tpu.memref_slice %arg4[%add3A, %dma_wait3A_85, %dma_wait3A_86] : memref<32x50x32xi32, #tpu.memory_space<hbm>> -> memref<1x50x32xi32, #tpu.memory_space<hbm>>
      %dma_wait3A_88 = tpu.memref_squeeze %dma_wait3A_87 : memref<1x50x32xi32, #tpu.memory_space<hbm>> -> memref<50x32xi32, #tpu.memory_space<hbm>>
      %dma_wait3A_89 = arith.constant 0 : i32
      %dma_wait3A_90 = arith.constant 0 : i32
      %dma_wait3A_91 = tpu.memref_slice %arg9[%run_scoped3A_4, %dma_wait3A_89, %dma_wait3A_90] : memref<3x50x32xi32, #tpu.memory_space<vmem>> -> memref<1x50x32xi32, #tpu.memory_space<vmem>>
      %dma_wait3A_92 = tpu.memref_squeeze %dma_wait3A_91 : memref<1x50x32xi32, #tpu.memory_space<vmem>> -> memref<50x32xi32, #tpu.memory_space<vmem>>
      %dma_wait3A_93 = arith.constant 0 : i32
      %dma_wait3A_94 = arith.constant 0 : i32
      %dma_wait3A_95 = tpu.memref_slice %arg4[%add3A, %dma_wait3A_93, %dma_wait3A_94] : memref<32x50x32xi32, #tpu.memory_space<hbm>> -> memref<1x50x32xi32, #tpu.memory_space<hbm>>
      %dma_wait3A_96 = tpu.memref_squeeze %dma_wait3A_95 : memref<1x50x32xi32, #tpu.memory_space<hbm>> -> memref<50x32xi32, #tpu.memory_space<hbm>>
      tpu.wait_dma2 semaphore(%run_scoped3A_64 : memref<!tpu.dma_semaphore, #tpu.memory_space<semaphore_mem>>) src(%dma_wait3A_96 : memref<50x32xi32, #tpu.memory_space<hbm>>) dst(%dma_wait3A_92 : memref<50x32xi32, #tpu.memory_space<vmem>>)
      tpu.yield
    }) : () -> ()
    %dma_start3A = arith.constant 0 : i32
    %dma_start3A_5 = arith.constant 0 : i32
    %dma_start3A_6 = arith.constant 0 : i32
    %dma_start3A_7 = tpu.memref_slice %arg9[%dma_start3A, %dma_start3A_5, %dma_start3A_6] : memref<3x50x32xi32, #tpu.memory_space<vmem>> -> memref<1x1x32xi32, #tpu.memory_space<vmem>>
    %dma_start3A_8 = tpu.memref_squeeze %dma_start3A_7 : memref<1x1x32xi32, #tpu.memory_space<vmem>> -> memref<32xi32, #tpu.memory_space<vmem>>
    %dma_start3A_9 = arith.constant 0 : i32
    %dma_start3A_10 = arith.constant 0 : i32
    %dma_start3A_11 = tpu.memref_slice %arg5[%dma_start3A_9, %dma_start3A_10] : memref<512x512xf32, #tpu.memory_space<hbm>> -> memref<512x512xf32, #tpu.memory_space<hbm>>
    tpu.enqueue_indirect_dma source(%dma_start3A_11 : memref<512x512xf32, #tpu.memory_space<hbm>>) target(%arg10 : memref<32x512xf32, #tpu.memory_space<vmem>>) offsets(%dma_start3A_8 : memref<32xi32, #tpu.memory_space<vmem>>) semaphore(%arg16 : memref<!tpu.dma_semaphore, #tpu.memory_space<semaphore_mem>>)
    %dma_start3A_12 = arith.constant 1 : i32
    %dma_start3A_13 = arith.constant 0 : i32
    %dma_start3A_14 = arith.constant 0 : i32
    %dma_start3A_15 = tpu.memref_slice %arg9[%dma_start3A_12, %dma_start3A_13, %dma_start3A_14] : memref<3x50x32xi32, #tpu.memory_space<vmem>> -> memref<1x1x32xi32, #tpu.memory_space<vmem>>
    %dma_start3A_16 = tpu.memref_squeeze %dma_start3A_15 : memref<1x1x32xi32, #tpu.memory_space<vmem>> -> memref<32xi32, #tpu.memory_space<vmem>>
    %dma_start3A_17 = arith.constant 0 : i32
    %dma_start3A_18 = arith.constant 0 : i32
    %dma_start3A_19 = tpu.memref_slice %arg6[%dma_start3A_17, %dma_start3A_18] : memref<3584x512xf32, #tpu.memory_space<hbm>> -> memref<3584x512xf32, #tpu.memory_space<hbm>>
    tpu.enqueue_indirect_dma source(%dma_start3A_19 : memref<3584x512xf32, #tpu.memory_space<hbm>>) target(%arg11 : memref<32x512xf32, #tpu.memory_space<vmem>>) offsets(%dma_start3A_16 : memref<32xi32, #tpu.memory_space<vmem>>) semaphore(%arg16 : memref<!tpu.dma_semaphore, #tpu.memory_space<semaphore_mem>>)
    %dma_start3A_20 = arith.constant 2 : i32
    %dma_start3A_21 = arith.constant 0 : i32
    %dma_start3A_22 = arith.constant 0 : i32
    %dma_start3A_23 = tpu.memref_slice %arg9[%dma_start3A_20, %dma_start3A_21, %dma_start3A_22] : memref<3x50x32xi32, #tpu.memory_space<vmem>> -> memref<1x1x32xi32, #tpu.memory_space<vmem>>
    %dma_start3A_24 = tpu.memref_squeeze %dma_start3A_23 : memref<1x1x32xi32, #tpu.memory_space<vmem>> -> memref<32xi32, #tpu.memory_space<vmem>>
    %dma_start3A_25 = arith.constant 0 : i32
    %dma_start3A_26 = arith.constant 0 : i32
    %dma_start3A_27 = tpu.memref_slice %arg7[%dma_start3A_25, %dma_start3A_26] : memref<24576x512xf32, #tpu.memory_space<hbm>> -> memref<24576x512xf32, #tpu.memory_space<hbm>>
    tpu.enqueue_indirect_dma source(%dma_start3A_27 : memref<24576x512xf32, #tpu.memory_space<hbm>>) target(%arg12 : memref<32x512xf32, #tpu.memory_space<vmem>>) offsets(%dma_start3A_24 : memref<32xi32, #tpu.memory_space<vmem>>) semaphore(%arg16 : memref<!tpu.dma_semaphore, #tpu.memory_space<semaphore_mem>>)
    %dma_start3A_28 = arith.constant 0 : i32
    %dma_start3A_29 = arith.constant 1 : i32
    %dma_start3A_30 = arith.constant 0 : i32
    %dma_start3A_31 = tpu.memref_slice %arg9[%dma_start3A_28, %dma_start3A_29, %dma_start3A_30] : memref<3x50x32xi32, #tpu.memory_space<vmem>> -> memref<1x1x32xi32, #tpu.memory_space<vmem>>
    %dma_start3A_32 = tpu.memref_squeeze %dma_start3A_31 : memref<1x1x32xi32, #tpu.memory_space<vmem>> -> memref<32xi32, #tpu.memory_space<vmem>>
    %dma_start3A_33 = arith.constant 0 : i32
    %dma_start3A_34 = arith.constant 0 : i32
    %dma_start3A_35 = tpu.memref_slice %arg5[%dma_start3A_33, %dma_start3A_34] : memref<512x512xf32, #tpu.memory_space<hbm>> -> memref<512x512xf32, #tpu.memory_space<hbm>>
    tpu.enqueue_indirect_dma source(%dma_start3A_35 : memref<512x512xf32, #tpu.memory_space<hbm>>) target(%arg13 : memref<32x512xf32, #tpu.memory_space<vmem>>) offsets(%dma_start3A_32 : memref<32xi32, #tpu.memory_space<vmem>>) semaphore(%arg17 : memref<!tpu.dma_semaphore, #tpu.memory_space<semaphore_mem>>)
    %dma_start3A_36 = arith.constant 1 : i32
    %dma_start3A_37 = arith.constant 1 : i32
    %dma_start3A_38 = arith.constant 0 : i32
    %dma_start3A_39 = tpu.memref_slice %arg9[%dma_start3A_36, %dma_start3A_37, %dma_start3A_38] : memref<3x50x32xi32, #tpu.memory_space<vmem>> -> memref<1x1x32xi32, #tpu.memory_space<vmem>>
    %dma_start3A_40 = tpu.memref_squeeze %dma_start3A_39 : memref<1x1x32xi32, #tpu.memory_space<vmem>> -> memref<32xi32, #tpu.memory_space<vmem>>
    %dma_start3A_41 = arith.constant 0 : i32
    %dma_start3A_42 = arith.constant 0 : i32
    %dma_start3A_43 = tpu.memref_slice %arg6[%dma_start3A_41, %dma_start3A_42] : memref<3584x512xf32, #tpu.memory_space<hbm>> -> memref<3584x512xf32, #tpu.memory_space<hbm>>
    tpu.enqueue_indirect_dma source(%dma_start3A_43 : memref<3584x512xf32, #tpu.memory_space<hbm>>) target(%arg14 : memref<32x512xf32, #tpu.memory_space<vmem>>) offsets(%dma_start3A_40 : memref<32xi32, #tpu.memory_space<vmem>>) semaphore(%arg17 : memref<!tpu.dma_semaphore, #tpu.memory_space<semaphore_mem>>)
    %dma_start3A_44 = arith.constant 2 : i32
    %dma_start3A_45 = arith.constant 1 : i32
    %dma_start3A_46 = arith.constant 0 : i32
    %dma_start3A_47 = tpu.memref_slice %arg9[%dma_start3A_44, %dma_start3A_45, %dma_start3A_46] : memref<3x50x32xi32, #tpu.memory_space<vmem>> -> memref<1x1x32xi32, #tpu.memory_space<vmem>>
    %dma_start3A_48 = tpu.memref_squeeze %dma_start3A_47 : memref<1x1x32xi32, #tpu.memory_space<vmem>> -> memref<32xi32, #tpu.memory_space<vmem>>
    %dma_start3A_49 = arith.constant 0 : i32
    %dma_start3A_50 = arith.constant 0 : i32
    %dma_start3A_51 = tpu.memref_slice %arg7[%dma_start3A_49, %dma_start3A_50] : memref<24576x512xf32, #tpu.memory_space<hbm>> -> memref<24576x512xf32, #tpu.memory_space<hbm>>
    tpu.enqueue_indirect_dma source(%dma_start3A_51 : memref<24576x512xf32, #tpu.memory_space<hbm>>) target(%arg15 : memref<32x512xf32, #tpu.memory_space<vmem>>) offsets(%dma_start3A_48 : memref<32xi32, #tpu.memory_space<vmem>>) semaphore(%arg17 : memref<!tpu.dma_semaphore, #tpu.memory_space<semaphore_mem>>)
    %scan3A = arith.constant 0 : i32
    %scan3A_52 = arith.constant 0 : i32
    %scan3A_53 = arith.constant 25 : i32
    %scan3A_54 = arith.addi %scan3A_52, %scan3A_53 : i32
    %scan3A_55 = arith.constant 1 : i32
    scf.for %scan3A_64 = %scan3A_52 to %scan3A_54 step %scan3A_55  : i32 {
      %mul3A_65 = arith.constant 2 : i32
      %mul3A_66 = arith.muli %mul3A_65, %scan3A_64 : i32
      %dma_wait3A_67 = arith.constant 0 : i32
      %dma_wait3A_68 = arith.constant 0 : i32
      %dma_wait3A_69 = arith.constant 0 : i32
      %dma_wait3A_70 = tpu.memref_slice %arg9[%dma_wait3A_67, %dma_wait3A_68, %dma_wait3A_69] : memref<3x50x32xi32, #tpu.memory_space<vmem>> -> memref<1x1x32xi32, #tpu.memory_space<vmem>>
      %dma_wait3A_71 = tpu.memref_squeeze %dma_wait3A_70 : memref<1x1x32xi32, #tpu.memory_space<vmem>> -> memref<32xi32, #tpu.memory_space<vmem>>
      %dma_wait3A_72 = arith.constant 0 : i32
      %dma_wait3A_73 = arith.constant 0 : i32
      %dma_wait3A_74 = tpu.memref_slice %arg5[%dma_wait3A_72, %dma_wait3A_73] : memref<512x512xf32, #tpu.memory_space<hbm>> -> memref<512x512xf32, #tpu.memory_space<hbm>>
      tpu.wait_indirect_dma semaphore(%arg16 : memref<!tpu.dma_semaphore, #tpu.memory_space<semaphore_mem>>) src(%dma_wait3A_74 : memref<512x512xf32, #tpu.memory_space<hbm>>) dst(%arg10 : memref<32x512xf32, #tpu.memory_space<vmem>>)
      %dma_wait3A_75 = arith.constant 1 : i32
      %dma_wait3A_76 = arith.constant 0 : i32
      %dma_wait3A_77 = arith.constant 0 : i32
      %dma_wait3A_78 = tpu.memref_slice %arg9[%dma_wait3A_75, %dma_wait3A_76, %dma_wait3A_77] : memref<3x50x32xi32, #tpu.memory_space<vmem>> -> memref<1x1x32xi32, #tpu.memory_space<vmem>>
      %dma_wait3A_79 = tpu.memref_squeeze %dma_wait3A_78 : memref<1x1x32xi32, #tpu.memory_space<vmem>> -> memref<32xi32, #tpu.memory_space<vmem>>
      %dma_wait3A_80 = arith.constant 0 : i32
      %dma_wait3A_81 = arith.constant 0 : i32
      %dma_wait3A_82 = tpu.memref_slice %arg6[%dma_wait3A_80, %dma_wait3A_81] : memref<3584x512xf32, #tpu.memory_space<hbm>> -> memref<3584x512xf32, #tpu.memory_space<hbm>>
      tpu.wait_indirect_dma semaphore(%arg16 : memref<!tpu.dma_semaphore, #tpu.memory_space<semaphore_mem>>) src(%dma_wait3A_82 : memref<3584x512xf32, #tpu.memory_space<hbm>>) dst(%arg11 : memref<32x512xf32, #tpu.memory_space<vmem>>)
      %dma_wait3A_83 = arith.constant 2 : i32
      %dma_wait3A_84 = arith.constant 0 : i32
      %dma_wait3A_85 = arith.constant 0 : i32
      %dma_wait3A_86 = tpu.memref_slice %arg9[%dma_wait3A_83, %dma_wait3A_84, %dma_wait3A_85] : memref<3x50x32xi32, #tpu.memory_space<vmem>> -> memref<1x1x32xi32, #tpu.memory_space<vmem>>
      %dma_wait3A_87 = tpu.memref_squeeze %dma_wait3A_86 : memref<1x1x32xi32, #tpu.memory_space<vmem>> -> memref<32xi32, #tpu.memory_space<vmem>>
      %dma_wait3A_88 = arith.constant 0 : i32
      %dma_wait3A_89 = arith.constant 0 : i32
      %dma_wait3A_90 = tpu.memref_slice %arg7[%dma_wait3A_88, %dma_wait3A_89] : memref<24576x512xf32, #tpu.memory_space<hbm>> -> memref<24576x512xf32, #tpu.memory_space<hbm>>
      tpu.wait_indirect_dma semaphore(%arg16 : memref<!tpu.dma_semaphore, #tpu.memory_space<semaphore_mem>>) src(%dma_wait3A_90 : memref<24576x512xf32, #tpu.memory_space<hbm>>) dst(%arg12 : memref<32x512xf32, #tpu.memory_space<vmem>>)
      %scan3A_91 = arith.constant 0 : i32
      %scan3A_92 = arith.constant 0 : i32
      %scan3A_93 = arith.constant 32 : i32
      %scan3A_94 = arith.addi %scan3A_92, %scan3A_93 : i32
      %scan3A_95 = arith.constant 1 : i32
      scf.for %scan3A_145 = %scan3A_92 to %scan3A_94 step %scan3A_95  : i32 {
        %get3A = arith.index_cast %scan3A_145 : i32 to index
        %get3A_146 = arith.constant 0 : index
        %get3A_147 = tpu.vector_load %arg10[%get3A, %get3A_146] {strides = array<i32>} : memref<32x512xf32, #tpu.memory_space<vmem>>, vector<1x16xf32>,
        %get3A_148 = vector.shape_cast %get3A_147 : vector<1x16xf32> to vector<16xf32>
        %get3A_149 = arith.index_cast %scan3A_145 : i32 to index
        %get3A_150 = arith.constant 0 : index
        %get3A_151 = tpu.vector_load %arg11[%get3A_149, %get3A_150] {strides = array<i32>} : memref<32x512xf32, #tpu.memory_space<vmem>>, vector<1x16xf32>,
        %get3A_152 = vector.shape_cast %get3A_151 : vector<1x16xf32> to vector<16xf32>
        %add3A_153 = arith.addf %get3A_148, %get3A_152 : vector<16xf32>
        %get3A_154 = arith.index_cast %scan3A_145 : i32 to index
        %get3A_155 = arith.constant 0 : index
        %get3A_156 = tpu.vector_load %arg12[%get3A_154, %get3A_155] {strides = array<i32>} : memref<32x512xf32, #tpu.memory_space<vmem>>, vector<1x16xf32>,
        %get3A_157 = vector.shape_cast %get3A_156 : vector<1x16xf32> to vector<16xf32>
        %add3A_158 = arith.addf %add3A_153, %get3A_157 : vector<16xf32>
        %swap3A = arith.index_cast %scan3A_145 : i32 to index
        %swap3A_159 = arith.constant 0 : index
        %swap3A_160 = tpu.vector_load %arg10[%swap3A, %swap3A_159] {strides = array<i32>} : memref<32x512xf32, #tpu.memory_space<vmem>>, vector<1x16xf32>,
        %swap3A_161 = vector.shape_cast %swap3A_160 : vector<1x16xf32> to vector<16xf32>
        %swap3A_162 = vector.shape_cast %add3A_158 : vector<16xf32> to vector<1x16xf32>
        tpu.vector_store %arg10[%swap3A, %swap3A_159], %swap3A_162 {strides = array<i32>} : memref<32x512xf32, #tpu.memory_space<vmem>>, vector<1x16xf32>,
        %get3A_163 = arith.index_cast %scan3A_145 : i32 to index
        %get3A_164 = arith.constant 16 : index
        %get3A_165 = tpu.vector_load %arg10[%get3A_163, %get3A_164] {strides = array<i32>} : memref<32x512xf32, #tpu.memory_space<vmem>>, vector<1x16xf32>,
        %get3A_166 = vector.shape_cast %get3A_165 : vector<1x16xf32> to vector<16xf32>
        %get3A_167 = arith.index_cast %scan3A_145 : i32 to index
        %get3A_168 = arith.constant 16 : index
        %get3A_169 = tpu.vector_load %arg11[%get3A_167, %get3A_168] {strides = array<i32>} : memref<32x512xf32, #tpu.memory_space<vmem>>, vector<1x16xf32>,
        %get3A_170 = vector.shape_cast %get3A_169 : vector<1x16xf32> to vector<16xf32>
        %add3A_171 = arith.addf %get3A_166, %get3A_170 : vector<16xf32>
        %get3A_172 = arith.index_cast %scan3A_145 : i32 to index
        %get3A_173 = arith.constant 16 : index
        %get3A_174 = tpu.vector_load %arg12[%get3A_172, %get3A_173] {strides = array<i32>} : memref<32x512xf32, #tpu.memory_space<vmem>>, vector<1x16xf32>,
        %get3A_175 = vector.shape_cast %get3A_174 : vector<1x16xf32> to vector<16xf32>
        %add3A_176 = arith.addf %add3A_171, %get3A_175 : vector<16xf32>
        %swap3A_177 = arith.index_cast %scan3A_145 : i32 to index
        %swap3A_178 = arith.constant 16 : index
        %swap3A_179 = tpu.vector_load %arg10[%swap3A_177, %swap3A_178] {strides = array<i32>} : memref<32x512xf32, #tpu.memory_space<vmem>>, vector<1x16xf32>,
        %swap3A_180 = vector.shape_cast %swap3A_179 : vector<1x16xf32> to vector<16xf32>
        %swap3A_181 = vector.shape_cast %add3A_176 : vector<16xf32> to vector<1x16xf32>
        tpu.vector_store %arg10[%swap3A_177, %swap3A_178], %swap3A_181 {strides = array<i32>} : memref<32x512xf32, #tpu.memory_space<vmem>>, vector<1x16xf32>,
        %get3A_182 = arith.index_cast %scan3A_145 : i32 to index
        %get3A_183 = arith.constant 32 : index
        %get3A_184 = tpu.vector_load %arg10[%get3A_182, %get3A_183] {strides = array<i32>} : memref<32x512xf32, #tpu.memory_space<vmem>>, vector<1x16xf32>,
        %get3A_185 = vector.shape_cast %get3A_184 : vector<1x16xf32> to vector<16xf32>
        %get3A_186 = arith.index_cast %scan3A_145 : i32 to index
        %get3A_187 = arith.constant 32 : index
        %get3A_188 = tpu.vector_load %arg11[%get3A_186, %get3A_187] {strides = array<i32>} : memref<32x512xf32, #tpu.memory_space<vmem>>, vector<1x16xf32>,
        %get3A_189 = vector.shape_cast %get3A_188 : vector<1x16xf32> to vector<16xf32>
        %add3A_190 = arith.addf %get3A_185, %get3A_189 : vector<16xf32>
        %get3A_191 = arith.index_cast %scan3A_145 : i32 to index
        %get3A_192 = arith.constant 32 : index
        %get3A_193 = tpu.vector_load %arg12[%get3A_191, %get3A_192] {strides = array<i32>} : memref<32x512xf32, #tpu.memory_space<vmem>>, vector<1x16xf32>,
        %get3A_194 = vector.shape_cast %get3A_193 : vector<1x16xf32> to vector<16xf32>
        %add3A_195 = arith.addf %add3A_190, %get3A_194 : vector<16xf32>
        %swap3A_196 = arith.index_cast %scan3A_145 : i32 to index
        %swap3A_197 = arith.constant 32 : index
        %swap3A_198 = tpu.vector_load %arg10[%swap3A_196, %swap3A_197] {strides = array<i32>} : memref<32x512xf32, #tpu.memory_space<vmem>>, vector<1x16xf32>,
        %swap3A_199 = vector.shape_cast %swap3A_198 : vector<1x16xf32> to vector<16xf32>
        %swap3A_200 = vector.shape_cast %add3A_195 : vector<16xf32> to vector<1x16xf32>
        tpu.vector_store %arg10[%swap3A_196, %swap3A_197], %swap3A_200 {strides = array<i32>} : memref<32x512xf32, #tpu.memory_space<vmem>>, vector<1x16xf32>,
        %get3A_201 = arith.index_cast %scan3A_145 : i32 to index
        %get3A_202 = arith.constant 48 : index
        %get3A_203 = tpu.vector_load %arg10[%get3A_201, %get3A_202] {strides = array<i32>} : memref<32x512xf32, #tpu.memory_space<vmem>>, vector<1x16xf32>,
        %get3A_204 = vector.shape_cast %get3A_203 : vector<1x16xf32> to vector<16xf32>
        %get3A_205 = arith.index_cast %scan3A_145 : i32 to index
        %get3A_206 = arith.constant 48 : index
        %get3A_207 = tpu.vector_load %arg11[%get3A_205, %get3A_206] {strides = array<i32>} : memref<32x512xf32, #tpu.memory_space<vmem>>, vector<1x16xf32>,
        %get3A_208 = vector.shape_cast %get3A_207 : vector<1x16xf32> to vector<16xf32>
        %add3A_209 = arith.addf %get3A_204, %get3A_208 : vector<16xf32>
        %get3A_210 = arith.index_cast %scan3A_145 : i32 to index
        %get3A_211 = arith.constant 48 : index
        %get3A_212 = tpu.vector_load %arg12[%get3A_210, %get3A_211] {strides = array<i32>} : memref<32x512xf32, #tpu.memory_space<vmem>>, vector<1x16xf32>,
        %get3A_213 = vector.shape_cast %get3A_212 : vector<1x16xf32> to vector<16xf32>
        %add3A_214 = arith.addf %add3A_209, %get3A_213 : vector<16xf32>
        %swap3A_215 = arith.index_cast %scan3A_145 : i32 to index
        %swap3A_216 = arith.constant 48 : index
        %swap3A_217 = tpu.vector_load %arg10[%swap3A_215, %swap3A_216] {strides = array<i32>} : memref<32x512xf32, #tpu.memory_space<vmem>>, vector<1x16xf32>,
        %swap3A_218 = vector.shape_cast %swap3A_217 : vector<1x16xf32> to vector<16xf32>
        %swap3A_219 = vector.shape_cast %add3A_214 : vector<16xf32> to vector<1x16xf32>
        tpu.vector_store %arg10[%swap3A_215, %swap3A_216], %swap3A_219 {strides = array<i32>} : memref<32x512xf32, #tpu.memory_space<vmem>>, vector<1x16xf32>,
        %get3A_220 = arith.index_cast %scan3A_145 : i32 to index
        %get3A_221 = arith.constant 64 : index
        %get3A_222 = tpu.vector_load %arg10[%get3A_220, %get3A_221] {strides = array<i32>} : memref<32x512xf32, #tpu.memory_space<vmem>>, vector<1x16xf32>,
        %get3A_223 = vector.shape_cast %get3A_222 : vector<1x16xf32> to vector<16xf32>
        %get3A_224 = arith.index_cast %scan3A_145 : i32 to index
        %get3A_225 = arith.constant 64 : index
        %get3A_226 = tpu.vector_load %arg11[%get3A_224, %get3A_225] {strides = array<i32>} : memref<32x512xf32, #tpu.memory_space<vmem>>, vector<1x16xf32>,
        %get3A_227 = vector.shape_cast %get3A_226 : vector<1x16xf32> to vector<16xf32>
        %add3A_228 = arith.addf %get3A_223, %get3A_227 : vector<16xf32>
        %get3A_229 = arith.index_cast %scan3A_145 : i32 to index
        %get3A_230 = arith.constant 64 : index
        %get3A_231 = tpu.vector_load %arg12[%get3A_229, %get3A_230] {strides = array<i32>} : memref<32x512xf32, #tpu.memory_space<vmem>>, vector<1x16xf32>,
        %get3A_232 = vector.shape_cast %get3A_231 : vector<1x16xf32> to vector<16xf32>
        %add3A_233 = arith.addf %add3A_228, %get3A_232 : vector<16xf32>
        %swap3A_234 = arith.index_cast %scan3A_145 : i32 to index
        %swap3A_235 = arith.constant 64 : index
        %swap3A_236 = tpu.vector_load %arg10[%swap3A_234, %swap3A_235] {strides = array<i32>} : memref<32x512xf32, #tpu.memory_space<vmem>>, vector<1x16xf32>,
        %swap3A_237 = vector.shape_cast %swap3A_236 : vector<1x16xf32> to vector<16xf32>
        %swap3A_238 = vector.shape_cast %add3A_233 : vector<16xf32> to vector<1x16xf32>
        tpu.vector_store %arg10[%swap3A_234, %swap3A_235], %swap3A_238 {strides = array<i32>} : memref<32x512xf32, #tpu.memory_space<vmem>>, vector<1x16xf32>,
        %get3A_239 = arith.index_cast %scan3A_145 : i32 to index
        %get3A_240 = arith.constant 80 : index
        %get3A_241 = tpu.vector_load %arg10[%get3A_239, %get3A_240] {strides = array<i32>} : memref<32x512xf32, #tpu.memory_space<vmem>>, vector<1x16xf32>,
        %get3A_242 = vector.shape_cast %get3A_241 : vector<1x16xf32> to vector<16xf32>
        %get3A_243 = arith.index_cast %scan3A_145 : i32 to index
        %get3A_244 = arith.constant 80 : index
        %get3A_245 = tpu.vector_load %arg11[%get3A_243, %get3A_244] {strides = array<i32>} : memref<32x512xf32, #tpu.memory_space<vmem>>, vector<1x16xf32>,
        %get3A_246 = vector.shape_cast %get3A_245 : vector<1x16xf32> to vector<16xf32>
        %add3A_247 = arith.addf %get3A_242, %get3A_246 : vector<16xf32>
        %get3A_248 = arith.index_cast %scan3A_145 : i32 to index
        %get3A_249 = arith.constant 80 : index
        %get3A_250 = tpu.vector_load %arg12[%get3A_248, %get3A_249] {strides = array<i32>} : memref<32x512xf32, #tpu.memory_space<vmem>>, vector<1x16xf32>,
        %get3A_251 = vector.shape_cast %get3A_250 : vector<1x16xf32> to vector<16xf32>
        %add3A_252 = arith.addf %add3A_247, %get3A_251 : vector<16xf32>
        %swap3A_253 = arith.index_cast %scan3A_145 : i32 to index
        %swap3A_254 = arith.constant 80 : index
        %swap3A_255 = tpu.vector_load %arg10[%swap3A_253, %swap3A_254] {strides = array<i32>} : memref<32x512xf32, #tpu.memory_space<vmem>>, vector<1x16xf32>,
        %swap3A_256 = vector.shape_cast %swap3A_255 : vector<1x16xf32> to vector<16xf32>
        %swap3A_257 = vector.shape_cast %add3A_252 : vector<16xf32> to vector<1x16xf32>
        tpu.vector_store %arg10[%swap3A_253, %swap3A_254], %swap3A_257 {strides = array<i32>} : memref<32x512xf32, #tpu.memory_space<vmem>>, vector<1x16xf32>,
        %get3A_258 = arith.index_cast %scan3A_145 : i32 to index
        %get3A_259 = arith.constant 96 : index
        %get3A_260 = tpu.vector_load %arg10[%get3A_258, %get3A_259] {strides = array<i32>} : memref<32x512xf32, #tpu.memory_space<vmem>>, vector<1x16xf32>,
        %get3A_261 = vector.shape_cast %get3A_260 : vector<1x16xf32> to vector<16xf32>
        %get3A_262 = arith.index_cast %scan3A_145 : i32 to index
        %get3A_263 = arith.constant 96 : index
        %get3A_264 = tpu.vector_load %arg11[%get3A_262, %get3A_263] {strides = array<i32>} : memref<32x512xf32, #tpu.memory_space<vmem>>, vector<1x16xf32>,
        %get3A_265 = vector.shape_cast %get3A_264 : vector<1x16xf32> to vector<16xf32>
        %add3A_266 = arith.addf %get3A_261, %get3A_265 : vector<16xf32>
        %get3A_267 = arith.index_cast %scan3A_145 : i32 to index
        %get3A_268 = arith.constant 96 : index
        %get3A_269 = tpu.vector_load %arg12[%get3A_267, %get3A_268] {strides = array<i32>} : memref<32x512xf32, #tpu.memory_space<vmem>>, vector<1x16xf32>,
        %get3A_270 = vector.shape_cast %get3A_269 : vector<1x16xf32> to vector<16xf32>
        %add3A_271 = arith.addf %add3A_266, %get3A_270 : vector<16xf32>
        %swap3A_272 = arith.index_cast %scan3A_145 : i32 to index
        %swap3A_273 = arith.constant 96 : index
        %swap3A_274 = tpu.vector_load %arg10[%swap3A_272, %swap3A_273] {strides = array<i32>} : memref<32x512xf32, #tpu.memory_space<vmem>>, vector<1x16xf32>,
        %swap3A_275 = vector.shape_cast %swap3A_274 : vector<1x16xf32> to vector<16xf32>
        %swap3A_276 = vector.shape_cast %add3A_271 : vector<16xf32> to vector<1x16xf32>
        tpu.vector_store %arg10[%swap3A_272, %swap3A_273], %swap3A_276 {strides = array<i32>} : memref<32x512xf32, #tpu.memory_space<vmem>>, vector<1x16xf32>,
        %get3A_277 = arith.index_cast %scan3A_145 : i32 to index
        %get3A_278 = arith.constant 112 : index
        %get3A_279 = tpu.vector_load %arg10[%get3A_277, %get3A_278] {strides = array<i32>} : memref<32x512xf32, #tpu.memory_space<vmem>>, vector<1x16xf32>,
        %get3A_280 = vector.shape_cast %get3A_279 : vector<1x16xf32> to vector<16xf32>
        %get3A_281 = arith.index_cast %scan3A_145 : i32 to index
        %get3A_282 = arith.constant 112 : index
        %get3A_283 = tpu.vector_load %arg11[%get3A_281, %get3A_282] {strides = array<i32>} : memref<32x512xf32, #tpu.memory_space<vmem>>, vector<1x16xf32>,
        %get3A_284 = vector.shape_cast %get3A_283 : vector<1x16xf32> to vector<16xf32>
        %add3A_285 = arith.addf %get3A_280, %get3A_284 : vector<16xf32>
        %get3A_286 = arith.index_cast %scan3A_145 : i32 to index
        %get3A_287 = arith.constant 112 : index
        %get3A_288 = tpu.vector_load %arg12[%get3A_286, %get3A_287] {strides = array<i32>} : memref<32x512xf32, #tpu.memory_space<vmem>>, vector<1x16xf32>,
        %get3A_289 = vector.shape_cast %get3A_288 : vector<1x16xf32> to vector<16xf32>
        %add3A_290 = arith.addf %add3A_285, %get3A_289 : vector<16xf32>
        %swap3A_291 = arith.index_cast %scan3A_145 : i32 to index
        %swap3A_292 = arith.constant 112 : index
        %swap3A_293 = tpu.vector_load %arg10[%swap3A_291, %swap3A_292] {strides = array<i32>} : memref<32x512xf32, #tpu.memory_space<vmem>>, vector<1x16xf32>,
        %swap3A_294 = vector.shape_cast %swap3A_293 : vector<1x16xf32> to vector<16xf32>
        %swap3A_295 = vector.shape_cast %add3A_290 : vector<16xf32> to vector<1x16xf32>
        tpu.vector_store %arg10[%swap3A_291, %swap3A_292], %swap3A_295 {strides = array<i32>} : memref<32x512xf32, #tpu.memory_space<vmem>>, vector<1x16xf32>,
        %get3A_296 = arith.index_cast %scan3A_145 : i32 to index
        %get3A_297 = arith.constant 128 : index
        %get3A_298 = tpu.vector_load %arg10[%get3A_296, %get3A_297] {strides = array<i32>} : memref<32x512xf32, #tpu.memory_space<vmem>>, vector<1x16xf32>,
        %get3A_299 = vector.shape_cast %get3A_298 : vector<1x16xf32> to vector<16xf32>
        %get3A_300 = arith.index_cast %scan3A_145 : i32 to index
        %get3A_301 = arith.constant 128 : index
        %get3A_302 = tpu.vector_load %arg11[%get3A_300, %get3A_301] {strides = array<i32>} : memref<32x512xf32, #tpu.memory_space<vmem>>, vector<1x16xf32>,
        %get3A_303 = vector.shape_cast %get3A_302 : vector<1x16xf32> to vector<16xf32>
        %add3A_304 = arith.addf %get3A_299, %get3A_303 : vector<16xf32>
        %get3A_305 = arith.index_cast %scan3A_145 : i32 to index
        %get3A_306 = arith.constant 128 : index
        %get3A_307 = tpu.vector_load %arg12[%get3A_305, %get3A_306] {strides = array<i32>} : memref<32x512xf32, #tpu.memory_space<vmem>>, vector<1x16xf32>,
        %get3A_308 = vector.shape_cast %get3A_307 : vector<1x16xf32> to vector<16xf32>
        %add3A_309 = arith.addf %add3A_304, %get3A_308 : vector<16xf32>
        %swap3A_310 = arith.index_cast %scan3A_145 : i32 to index
        %swap3A_311 = arith.constant 128 : index
        %swap3A_312 = tpu.vector_load %arg10[%swap3A_310, %swap3A_311] {strides = array<i32>} : memref<32x512xf32, #tpu.memory_space<vmem>>, vector<1x16xf32>,
        %swap3A_313 = vector.shape_cast %swap3A_312 : vector<1x16xf32> to vector<16xf32>
        %swap3A_314 = vector.shape_cast %add3A_309 : vector<16xf32> to vector<1x16xf32>
        tpu.vector_store %arg10[%swap3A_310, %swap3A_311], %swap3A_314 {strides = array<i32>} : memref<32x512xf32, #tpu.memory_space<vmem>>, vector<1x16xf32>,
        %get3A_315 = arith.index_cast %scan3A_145 : i32 to index
        %get3A_316 = arith.constant 144 : index
        %get3A_317 = tpu.vector_load %arg10[%get3A_315, %get3A_316] {strides = array<i32>} : memref<32x512xf32, #tpu.memory_space<vmem>>, vector<1x16xf32>,
        %get3A_318 = vector.shape_cast %get3A_317 : vector<1x16xf32> to vector<16xf32>
        %get3A_319 = arith.index_cast %scan3A_145 : i32 to index
        %get3A_320 = arith.constant 144 : index
        %get3A_321 = tpu.vector_load %arg11[%get3A_319, %get3A_320] {strides = array<i32>} : memref<32x512xf32, #tpu.memory_space<vmem>>, vector<1x16xf32>,
        %get3A_322 = vector.shape_cast %get3A_321 : vector<1x16xf32> to vector<16xf32>
        %add3A_323 = arith.addf %get3A_318, %get3A_322 : vector<16xf32>
        %get3A_324 = arith.index_cast %scan3A_145 : i32 to index
        %get3A_325 = arith.constant 144 : index
        %get3A_326 = tpu.vector_load %arg12[%get3A_324, %get3A_325] {strides = array<i32>} : memref<32x512xf32, #tpu.memory_space<vmem>>, vector<1x16xf32>,
        %get3A_327 = vector.shape_cast %get3A_326 : vector<1x16xf32> to vector<16xf32>
        %add3A_328 = arith.addf %add3A_323, %get3A_327 : vector<16xf32>
        %swap3A_329 = arith.index_cast %scan3A_145 : i32 to index
        %swap3A_330 = arith.constant 144 : index
        %swap3A_331 = tpu.vector_load %arg10[%swap3A_329, %swap3A_330] {strides = array<i32>} : memref<32x512xf32, #tpu.memory_space<vmem>>, vector<1x16xf32>,
        %swap3A_332 = vector.shape_cast %swap3A_331 : vector<1x16xf32> to vector<16xf32>
        %swap3A_333 = vector.shape_cast %add3A_328 : vector<16xf32> to vector<1x16xf32>
        tpu.vector_store %arg10[%swap3A_329, %swap3A_330], %swap3A_333 {strides = array<i32>} : memref<32x512xf32, #tpu.memory_space<vmem>>, vector<1x16xf32>,
        %get3A_334 = arith.index_cast %scan3A_145 : i32 to index
        %get3A_335 = arith.constant 160 : index
        %get3A_336 = tpu.vector_load %arg10[%get3A_334, %get3A_335] {strides = array<i32>} : memref<32x512xf32, #tpu.memory_space<vmem>>, vector<1x16xf32>,
        %get3A_337 = vector.shape_cast %get3A_336 : vector<1x16xf32> to vector<16xf32>
        %get3A_338 = arith.index_cast %scan3A_145 : i32 to index
        %get3A_339 = arith.constant 160 : index
        %get3A_340 = tpu.vector_load %arg11[%get3A_338, %get3A_339] {strides = array<i32>} : memref<32x512xf32, #tpu.memory_space<vmem>>, vector<1x16xf32>,
        %get3A_341 = vector.shape_cast %get3A_340 : vector<1x16xf32> to vector<16xf32>
        %add3A_342 = arith.addf %get3A_337, %get3A_341 : vector<16xf32>
        %get3A_343 = arith.index_cast %scan3A_145 : i32 to index
        %get3A_344 = arith.constant 160 : index
        %get3A_345 = tpu.vector_load %arg12[%get3A_343, %get3A_344] {strides = array<i32>} : memref<32x512xf32, #tpu.memory_space<vmem>>, vector<1x16xf32>,
        %get3A_346 = vector.shape_cast %get3A_345 : vector<1x16xf32> to vector<16xf32>
        %add3A_347 = arith.addf %add3A_342, %get3A_346 : vector<16xf32>
        %swap3A_348 = arith.index_cast %scan3A_145 : i32 to index
        %swap3A_349 = arith.constant 160 : index
        %swap3A_350 = tpu.vector_load %arg10[%swap3A_348, %swap3A_349] {strides = array<i32>} : memref<32x512xf32, #tpu.memory_space<vmem>>, vector<1x16xf32>,
        %swap3A_351 = vector.shape_cast %swap3A_350 : vector<1x16xf32> to vector<16xf32>
        %swap3A_352 = vector.shape_cast %add3A_347 : vector<16xf32> to vector<1x16xf32>
        tpu.vector_store %arg10[%swap3A_348, %swap3A_349], %swap3A_352 {strides = array<i32>} : memref<32x512xf32, #tpu.memory_space<vmem>>, vector<1x16xf32>,
        %get3A_353 = arith.index_cast %scan3A_145 : i32 to index
        %get3A_354 = arith.constant 176 : index
        %get3A_355 = tpu.vector_load %arg10[%get3A_353, %get3A_354] {strides = array<i32>} : memref<32x512xf32, #tpu.memory_space<vmem>>, vector<1x16xf32>,
        %get3A_356 = vector.shape_cast %get3A_355 : vector<1x16xf32> to vector<16xf32>
        %get3A_357 = arith.index_cast %scan3A_145 : i32 to index
        %get3A_358 = arith.constant 176 : index
        %get3A_359 = tpu.vector_load %arg11[%get3A_357, %get3A_358] {strides = array<i32>} : memref<32x512xf32, #tpu.memory_space<vmem>>, vector<1x16xf32>,
        %get3A_360 = vector.shape_cast %get3A_359 : vector<1x16xf32> to vector<16xf32>
        %add3A_361 = arith.addf %get3A_356, %get3A_360 : vector<16xf32>
        %get3A_362 = arith.index_cast %scan3A_145 : i32 to index
        %get3A_363 = arith.constant 176 : index
        %get3A_364 = tpu.vector_load %arg12[%get3A_362, %get3A_363] {strides = array<i32>} : memref<32x512xf32, #tpu.memory_space<vmem>>, vector<1x16xf32>,
        %get3A_365 = vector.shape_cast %get3A_364 : vector<1x16xf32> to vector<16xf32>
        %add3A_366 = arith.addf %add3A_361, %get3A_365 : vector<16xf32>
        %swap3A_367 = arith.index_cast %scan3A_145 : i32 to index
        %swap3A_368 = arith.constant 176 : index
        %swap3A_369 = tpu.vector_load %arg10[%swap3A_367, %swap3A_368] {strides = array<i32>} : memref<32x512xf32, #tpu.memory_space<vmem>>, vector<1x16xf32>,
        %swap3A_370 = vector.shape_cast %swap3A_369 : vector<1x16xf32> to vector<16xf32>
        %swap3A_371 = vector.shape_cast %add3A_366 : vector<16xf32> to vector<1x16xf32>
        tpu.vector_store %arg10[%swap3A_367, %swap3A_368], %swap3A_371 {strides = array<i32>} : memref<32x512xf32, #tpu.memory_space<vmem>>, vector<1x16xf32>,
        %get3A_372 = arith.index_cast %scan3A_145 : i32 to index
        %get3A_373 = arith.constant 192 : index
        %get3A_374 = tpu.vector_load %arg10[%get3A_372, %get3A_373] {strides = array<i32>} : memref<32x512xf32, #tpu.memory_space<vmem>>, vector<1x16xf32>,
        %get3A_375 = vector.shape_cast %get3A_374 : vector<1x16xf32> to vector<16xf32>
        %get3A_376 = arith.index_cast %scan3A_145 : i32 to index
        %get3A_377 = arith.constant 192 : index
        %get3A_378 = tpu.vector_load %arg11[%get3A_376, %get3A_377] {strides = array<i32>} : memref<32x512xf32, #tpu.memory_space<vmem>>, vector<1x16xf32>,
        %get3A_379 = vector.shape_cast %get3A_378 : vector<1x16xf32> to vector<16xf32>
        %add3A_380 = arith.addf %get3A_375, %get3A_379 : vector<16xf32>
        %get3A_381 = arith.index_cast %scan3A_145 : i32 to index
        %get3A_382 = arith.constant 192 : index
        %get3A_383 = tpu.vector_load %arg12[%get3A_381, %get3A_382] {strides = array<i32>} : memref<32x512xf32, #tpu.memory_space<vmem>>, vector<1x16xf32>,
        %get3A_384 = vector.shape_cast %get3A_383 : vector<1x16xf32> to vector<16xf32>
        %add3A_385 = arith.addf %add3A_380, %get3A_384 : vector<16xf32>
        %swap3A_386 = arith.index_cast %scan3A_145 : i32 to index
        %swap3A_387 = arith.constant 192 : index
        %swap3A_388 = tpu.vector_load %arg10[%swap3A_386, %swap3A_387] {strides = array<i32>} : memref<32x512xf32, #tpu.memory_space<vmem>>, vector<1x16xf32>,
        %swap3A_389 = vector.shape_cast %swap3A_388 : vector<1x16xf32> to vector<16xf32>
        %swap3A_390 = vector.shape_cast %add3A_385 : vector<16xf32> to vector<1x16xf32>
        tpu.vector_store %arg10[%swap3A_386, %swap3A_387], %swap3A_390 {strides = array<i32>} : memref<32x512xf32, #tpu.memory_space<vmem>>, vector<1x16xf32>,
        %get3A_391 = arith.index_cast %scan3A_145 : i32 to index
        %get3A_392 = arith.constant 208 : index
        %get3A_393 = tpu.vector_load %arg10[%get3A_391, %get3A_392] {strides = array<i32>} : memref<32x512xf32, #tpu.memory_space<vmem>>, vector<1x16xf32>,
        %get3A_394 = vector.shape_cast %get3A_393 : vector<1x16xf32> to vector<16xf32>
        %get3A_395 = arith.index_cast %scan3A_145 : i32 to index
        %get3A_396 = arith.constant 208 : index
        %get3A_397 = tpu.vector_load %arg11[%get3A_395, %get3A_396] {strides = array<i32>} : memref<32x512xf32, #tpu.memory_space<vmem>>, vector<1x16xf32>,
        %get3A_398 = vector.shape_cast %get3A_397 : vector<1x16xf32> to vector<16xf32>
        %add3A_399 = arith.addf %get3A_394, %get3A_398 : vector<16xf32>
        %get3A_400 = arith.index_cast %scan3A_145 : i32 to index
        %get3A_401 = arith.constant 208 : index
        %get3A_402 = tpu.vector_load %arg12[%get3A_400, %get3A_401] {strides = array<i32>} : memref<32x512xf32, #tpu.memory_space<vmem>>, vector<1x16xf32>,
        %get3A_403 = vector.shape_cast %get3A_402 : vector<1x16xf32> to vector<16xf32>
        %add3A_404 = arith.addf %add3A_399, %get3A_403 : vector<16xf32>
        %swap3A_405 = arith.index_cast %scan3A_145 : i32 to index
        %swap3A_406 = arith.constant 208 : index
        %swap3A_407 = tpu.vector_load %arg10[%swap3A_405, %swap3A_406] {strides = array<i32>} : memref<32x512xf32, #tpu.memory_space<vmem>>, vector<1x16xf32>,
        %swap3A_408 = vector.shape_cast %swap3A_407 : vector<1x16xf32> to vector<16xf32>
        %swap3A_409 = vector.shape_cast %add3A_404 : vector<16xf32> to vector<1x16xf32>
        tpu.vector_store %arg10[%swap3A_405, %swap3A_406], %swap3A_409 {strides = array<i32>} : memref<32x512xf32, #tpu.memory_space<vmem>>, vector<1x16xf32>,
        %get3A_410 = arith.index_cast %scan3A_145 : i32 to index
        %get3A_411 = arith.constant 224 : index
        %get3A_412 = tpu.vector_load %arg10[%get3A_410, %get3A_411] {strides = array<i32>} : memref<32x512xf32, #tpu.memory_space<vmem>>, vector<1x16xf32>,
        %get3A_413 = vector.shape_cast %get3A_412 : vector<1x16xf32> to vector<16xf32>
        %get3A_414 = arith.index_cast %scan3A_145 : i32 to index
        %get3A_415 = arith.constant 224 : index
        %get3A_416 = tpu.vector_load %arg11[%get3A_414, %get3A_415] {strides = array<i32>} : memref<32x512xf32, #tpu.memory_space<vmem>>, vector<1x16xf32>,
        %get3A_417 = vector.shape_cast %get3A_416 : vector<1x16xf32> to vector<16xf32>
        %add3A_418 = arith.addf %get3A_413, %get3A_417 : vector<16xf32>
        %get3A_419 = arith.index_cast %scan3A_145 : i32 to index
        %get3A_420 = arith.constant 224 : index
        %get3A_421 = tpu.vector_load %arg12[%get3A_419, %get3A_420] {strides = array<i32>} : memref<32x512xf32, #tpu.memory_space<vmem>>, vector<1x16xf32>,
        %get3A_422 = vector.shape_cast %get3A_421 : vector<1x16xf32> to vector<16xf32>
        %add3A_423 = arith.addf %add3A_418, %get3A_422 : vector<16xf32>
        %swap3A_424 = arith.index_cast %scan3A_145 : i32 to index
        %swap3A_425 = arith.constant 224 : index
        %swap3A_426 = tpu.vector_load %arg10[%swap3A_424, %swap3A_425] {strides = array<i32>} : memref<32x512xf32, #tpu.memory_space<vmem>>, vector<1x16xf32>,
        %swap3A_427 = vector.shape_cast %swap3A_426 : vector<1x16xf32> to vector<16xf32>
        %swap3A_428 = vector.shape_cast %add3A_423 : vector<16xf32> to vector<1x16xf32>
        tpu.vector_store %arg10[%swap3A_424, %swap3A_425], %swap3A_428 {strides = array<i32>} : memref<32x512xf32, #tpu.memory_space<vmem>>, vector<1x16xf32>,
        %get3A_429 = arith.index_cast %scan3A_145 : i32 to index
        %get3A_430 = arith.constant 240 : index
        %get3A_431 = tpu.vector_load %arg10[%get3A_429, %get3A_430] {strides = array<i32>} : memref<32x512xf32, #tpu.memory_space<vmem>>, vector<1x16xf32>,
        %get3A_432 = vector.shape_cast %get3A_431 : vector<1x16xf32> to vector<16xf32>
        %get3A_433 = arith.index_cast %scan3A_145 : i32 to index
        %get3A_434 = arith.constant 240 : index
        %get3A_435 = tpu.vector_load %arg11[%get3A_433, %get3A_434] {strides = array<i32>} : memref<32x512xf32, #tpu.memory_space<vmem>>, vector<1x16xf32>,
        %get3A_436 = vector.shape_cast %get3A_435 : vector<1x16xf32> to vector<16xf32>
        %add3A_437 = arith.addf %get3A_432, %get3A_436 : vector<16xf32>
        %get3A_438 = arith.index_cast %scan3A_145 : i32 to index
        %get3A_439 = arith.constant 240 : index
        %get3A_440 = tpu.vector_load %arg12[%get3A_438, %get3A_439] {strides = array<i32>} : memref<32x512xf32, #tpu.memory_space<vmem>>, vector<1x16xf32>,
        %get3A_441 = vector.shape_cast %get3A_440 : vector<1x16xf32> to vector<16xf32>
        %add3A_442 = arith.addf %add3A_437, %get3A_441 : vector<16xf32>
        %swap3A_443 = arith.index_cast %scan3A_145 : i32 to index
        %swap3A_444 = arith.constant 240 : index
        %swap3A_445 = tpu.vector_load %arg10[%swap3A_443, %swap3A_444] {strides = array<i32>} : memref<32x512xf32, #tpu.memory_space<vmem>>, vector<1x16xf32>,
        %swap3A_446 = vector.shape_cast %swap3A_445 : vector<1x16xf32> to vector<16xf32>
        %swap3A_447 = vector.shape_cast %add3A_442 : vector<16xf32> to vector<1x16xf32>
        tpu.vector_store %arg10[%swap3A_443, %swap3A_444], %swap3A_447 {strides = array<i32>} : memref<32x512xf32, #tpu.memory_space<vmem>>, vector<1x16xf32>,
        %get3A_448 = arith.index_cast %scan3A_145 : i32 to index
        %get3A_449 = arith.constant 256 : index
        %get3A_450 = tpu.vector_load %arg10[%get3A_448, %get3A_449] {strides = array<i32>} : memref<32x512xf32, #tpu.memory_space<vmem>>, vector<1x16xf32>,
        %get3A_451 = vector.shape_cast %get3A_450 : vector<1x16xf32> to vector<16xf32>
        %get3A_452 = arith.index_cast %scan3A_145 : i32 to index
        %get3A_453 = arith.constant 256 : index
        %get3A_454 = tpu.vector_load %arg11[%get3A_452, %get3A_453] {strides = array<i32>} : memref<32x512xf32, #tpu.memory_space<vmem>>, vector<1x16xf32>,
        %get3A_455 = vector.shape_cast %get3A_454 : vector<1x16xf32> to vector<16xf32>
        %add3A_456 = arith.addf %get3A_451, %get3A_455 : vector<16xf32>
        %get3A_457 = arith.index_cast %scan3A_145 : i32 to index
        %get3A_458 = arith.constant 256 : index
        %get3A_459 = tpu.vector_load %arg12[%get3A_457, %get3A_458] {strides = array<i32>} : memref<32x512xf32, #tpu.memory_space<vmem>>, vector<1x16xf32>,
        %get3A_460 = vector.shape_cast %get3A_459 : vector<1x16xf32> to vector<16xf32>
        %add3A_461 = arith.addf %add3A_456, %get3A_460 : vector<16xf32>
        %swap3A_462 = arith.index_cast %scan3A_145 : i32 to index
        %swap3A_463 = arith.constant 256 : index
        %swap3A_464 = tpu.vector_load %arg10[%swap3A_462, %swap3A_463] {strides = array<i32>} : memref<32x512xf32, #tpu.memory_space<vmem>>, vector<1x16xf32>,
        %swap3A_465 = vector.shape_cast %swap3A_464 : vector<1x16xf32> to vector<16xf32>
        %swap3A_466 = vector.shape_cast %add3A_461 : vector<16xf32> to vector<1x16xf32>
        tpu.vector_store %arg10[%swap3A_462, %swap3A_463], %swap3A_466 {strides = array<i32>} : memref<32x512xf32, #tpu.memory_space<vmem>>, vector<1x16xf32>,
        %get3A_467 = arith.index_cast %scan3A_145 : i32 to index
        %get3A_468 = arith.constant 272 : index
        %get3A_469 = tpu.vector_load %arg10[%get3A_467, %get3A_468] {strides = array<i32>} : memref<32x512xf32, #tpu.memory_space<vmem>>, vector<1x16xf32>,
        %get3A_470 = vector.shape_cast %get3A_469 : vector<1x16xf32> to vector<16xf32>
        %get3A_471 = arith.index_cast %scan3A_145 : i32 to index
        %get3A_472 = arith.constant 272 : index
        %get3A_473 = tpu.vector_load %arg11[%get3A_471, %get3A_472] {strides = array<i32>} : memref<32x512xf32, #tpu.memory_space<vmem>>, vector<1x16xf32>,
        %get3A_474 = vector.shape_cast %get3A_473 : vector<1x16xf32> to vector<16xf32>
        %add3A_475 = arith.addf %get3A_470, %get3A_474 : vector<16xf32>
        %get3A_476 = arith.index_cast %scan3A_145 : i32 to index
        %get3A_477 = arith.constant 272 : index
        %get3A_478 = tpu.vector_load %arg12[%get3A_476, %get3A_477] {strides = array<i32>} : memref<32x512xf32, #tpu.memory_space<vmem>>, vector<1x16xf32>,
        %get3A_479 = vector.shape_cast %get3A_478 : vector<1x16xf32> to vector<16xf32>
        %add3A_480 = arith.addf %add3A_475, %get3A_479 : vector<16xf32>
        %swap3A_481 = arith.index_cast %scan3A_145 : i32 to index
        %swap3A_482 = arith.constant 272 : index
        %swap3A_483 = tpu.vector_load %arg10[%swap3A_481, %swap3A_482] {strides = array<i32>} : memref<32x512xf32, #tpu.memory_space<vmem>>, vector<1x16xf32>,
        %swap3A_484 = vector.shape_cast %swap3A_483 : vector<1x16xf32> to vector<16xf32>
        %swap3A_485 = vector.shape_cast %add3A_480 : vector<16xf32> to vector<1x16xf32>
        tpu.vector_store %arg10[%swap3A_481, %swap3A_482], %swap3A_485 {strides = array<i32>} : memref<32x512xf32, #tpu.memory_space<vmem>>, vector<1x16xf32>,
        %get3A_486 = arith.index_cast %scan3A_145 : i32 to index
        %get3A_487 = arith.constant 288 : index
        %get3A_488 = tpu.vector_load %arg10[%get3A_486, %get3A_487] {strides = array<i32>} : memref<32x512xf32, #tpu.memory_space<vmem>>, vector<1x16xf32>,
        %get3A_489 = vector.shape_cast %get3A_488 : vector<1x16xf32> to vector<16xf32>
        %get3A_490 = arith.index_cast %scan3A_145 : i32 to index
        %get3A_491 = arith.constant 288 : index
        %get3A_492 = tpu.vector_load %arg11[%get3A_490, %get3A_491] {strides = array<i32>} : memref<32x512xf32, #tpu.memory_space<vmem>>, vector<1x16xf32>,
        %get3A_493 = vector.shape_cast %get3A_492 : vector<1x16xf32> to vector<16xf32>
        %add3A_494 = arith.addf %get3A_489, %get3A_493 : vector<16xf32>
        %get3A_495 = arith.index_cast %scan3A_145 : i32 to index
        %get3A_496 = arith.constant 288 : index
        %get3A_497 = tpu.vector_load %arg12[%get3A_495, %get3A_496] {strides = array<i32>} : memref<32x512xf32, #tpu.memory_space<vmem>>, vector<1x16xf32>,
        %get3A_498 = vector.shape_cast %get3A_497 : vector<1x16xf32> to vector<16xf32>
        %add3A_499 = arith.addf %add3A_494, %get3A_498 : vector<16xf32>
        %swap3A_500 = arith.index_cast %scan3A_145 : i32 to index
        %swap3A_501 = arith.constant 288 : index
        %swap3A_502 = tpu.vector_load %arg10[%swap3A_500, %swap3A_501] {strides = array<i32>} : memref<32x512xf32, #tpu.memory_space<vmem>>, vector<1x16xf32>,
        %swap3A_503 = vector.shape_cast %swap3A_502 : vector<1x16xf32> to vector<16xf32>
        %swap3A_504 = vector.shape_cast %add3A_499 : vector<16xf32> to vector<1x16xf32>
        tpu.vector_store %arg10[%swap3A_500, %swap3A_501], %swap3A_504 {strides = array<i32>} : memref<32x512xf32, #tpu.memory_space<vmem>>, vector<1x16xf32>,
        %get3A_505 = arith.index_cast %scan3A_145 : i32 to index
        %get3A_506 = arith.constant 304 : index
        %get3A_507 = tpu.vector_load %arg10[%get3A_505, %get3A_506] {strides = array<i32>} : memref<32x512xf32, #tpu.memory_space<vmem>>, vector<1x16xf32>,
        %get3A_508 = vector.shape_cast %get3A_507 : vector<1x16xf32> to vector<16xf32>
        %get3A_509 = arith.index_cast %scan3A_145 : i32 to index
        %get3A_510 = arith.constant 304 : index
        %get3A_511 = tpu.vector_load %arg11[%get3A_509, %get3A_510] {strides = array<i32>} : memref<32x512xf32, #tpu.memory_space<vmem>>, vector<1x16xf32>,
        %get3A_512 = vector.shape_cast %get3A_511 : vector<1x16xf32> to vector<16xf32>
        %add3A_513 = arith.addf %get3A_508, %get3A_512 : vector<16xf32>
        %get3A_514 = arith.index_cast %scan3A_145 : i32 to index
        %get3A_515 = arith.constant 304 : index
        %get3A_516 = tpu.vector_load %arg12[%get3A_514, %get3A_515] {strides = array<i32>} : memref<32x512xf32, #tpu.memory_space<vmem>>, vector<1x16xf32>,
        %get3A_517 = vector.shape_cast %get3A_516 : vector<1x16xf32> to vector<16xf32>
        %add3A_518 = arith.addf %add3A_513, %get3A_517 : vector<16xf32>
        %swap3A_519 = arith.index_cast %scan3A_145 : i32 to index
        %swap3A_520 = arith.constant 304 : index
        %swap3A_521 = tpu.vector_load %arg10[%swap3A_519, %swap3A_520] {strides = array<i32>} : memref<32x512xf32, #tpu.memory_space<vmem>>, vector<1x16xf32>,
        %swap3A_522 = vector.shape_cast %swap3A_521 : vector<1x16xf32> to vector<16xf32>
        %swap3A_523 = vector.shape_cast %add3A_518 : vector<16xf32> to vector<1x16xf32>
        tpu.vector_store %arg10[%swap3A_519, %swap3A_520], %swap3A_523 {strides = array<i32>} : memref<32x512xf32, #tpu.memory_space<vmem>>, vector<1x16xf32>,
        %get3A_524 = arith.index_cast %scan3A_145 : i32 to index
        %get3A_525 = arith.constant 320 : index
        %get3A_526 = tpu.vector_load %arg10[%get3A_524, %get3A_525] {strides = array<i32>} : memref<32x512xf32, #tpu.memory_space<vmem>>, vector<1x16xf32>,
        %get3A_527 = vector.shape_cast %get3A_526 : vector<1x16xf32> to vector<16xf32>
        %get3A_528 = arith.index_cast %scan3A_145 : i32 to index
        %get3A_529 = arith.constant 320 : index
        %get3A_530 = tpu.vector_load %arg11[%get3A_528, %get3A_529] {strides = array<i32>} : memref<32x512xf32, #tpu.memory_space<vmem>>, vector<1x16xf32>,
        %get3A_531 = vector.shape_cast %get3A_530 : vector<1x16xf32> to vector<16xf32>
        %add3A_532 = arith.addf %get3A_527, %get3A_531 : vector<16xf32>
        %get3A_533 = arith.index_cast %scan3A_145 : i32 to index
        %get3A_534 = arith.constant 320 : index
        %get3A_535 = tpu.vector_load %arg12[%get3A_533, %get3A_534] {strides = array<i32>} : memref<32x512xf32, #tpu.memory_space<vmem>>, vector<1x16xf32>,
        %get3A_536 = vector.shape_cast %get3A_535 : vector<1x16xf32> to vector<16xf32>
        %add3A_537 = arith.addf %add3A_532, %get3A_536 : vector<16xf32>
        %swap3A_538 = arith.index_cast %scan3A_145 : i32 to index
        %swap3A_539 = arith.constant 320 : index
        %swap3A_540 = tpu.vector_load %arg10[%swap3A_538, %swap3A_539] {strides = array<i32>} : memref<32x512xf32, #tpu.memory_space<vmem>>, vector<1x16xf32>,
        %swap3A_541 = vector.shape_cast %swap3A_540 : vector<1x16xf32> to vector<16xf32>
        %swap3A_542 = vector.shape_cast %add3A_537 : vector<16xf32> to vector<1x16xf32>
        tpu.vector_store %arg10[%swap3A_538, %swap3A_539], %swap3A_542 {strides = array<i32>} : memref<32x512xf32, #tpu.memory_space<vmem>>, vector<1x16xf32>,
        %get3A_543 = arith.index_cast %scan3A_145 : i32 to index
        %get3A_544 = arith.constant 336 : index
        %get3A_545 = tpu.vector_load %arg10[%get3A_543, %get3A_544] {strides = array<i32>} : memref<32x512xf32, #tpu.memory_space<vmem>>, vector<1x16xf32>,
        %get3A_546 = vector.shape_cast %get3A_545 : vector<1x16xf32> to vector<16xf32>
        %get3A_547 = arith.index_cast %scan3A_145 : i32 to index
        %get3A_548 = arith.constant 336 : index
        %get3A_549 = tpu.vector_load %arg11[%get3A_547, %get3A_548] {strides = array<i32>} : memref<32x512xf32, #tpu.memory_space<vmem>>, vector<1x16xf32>,
        %get3A_550 = vector.shape_cast %get3A_549 : vector<1x16xf32> to vector<16xf32>
        %add3A_551 = arith.addf %get3A_546, %get3A_550 : vector<16xf32>
        %get3A_552 = arith.index_cast %scan3A_145 : i32 to index
        %get3A_553 = arith.constant 336 : index
        %get3A_554 = tpu.vector_load %arg12[%get3A_552, %get3A_553] {strides = array<i32>} : memref<32x512xf32, #tpu.memory_space<vmem>>, vector<1x16xf32>,
        %get3A_555 = vector.shape_cast %get3A_554 : vector<1x16xf32> to vector<16xf32>
        %add3A_556 = arith.addf %add3A_551, %get3A_555 : vector<16xf32>
        %swap3A_557 = arith.index_cast %scan3A_145 : i32 to index
        %swap3A_558 = arith.constant 336 : index
        %swap3A_559 = tpu.vector_load %arg10[%swap3A_557, %swap3A_558] {strides = array<i32>} : memref<32x512xf32, #tpu.memory_space<vmem>>, vector<1x16xf32>,
        %swap3A_560 = vector.shape_cast %swap3A_559 : vector<1x16xf32> to vector<16xf32>
        %swap3A_561 = vector.shape_cast %add3A_556 : vector<16xf32> to vector<1x16xf32>
        tpu.vector_store %arg10[%swap3A_557, %swap3A_558], %swap3A_561 {strides = array<i32>} : memref<32x512xf32, #tpu.memory_space<vmem>>, vector<1x16xf32>,
        %get3A_562 = arith.index_cast %scan3A_145 : i32 to index
        %get3A_563 = arith.constant 352 : index
        %get3A_564 = tpu.vector_load %arg10[%get3A_562, %get3A_563] {strides = array<i32>} : memref<32x512xf32, #tpu.memory_space<vmem>>, vector<1x16xf32>,
        %get3A_565 = vector.shape_cast %get3A_564 : vector<1x16xf32> to vector<16xf32>
        %get3A_566 = arith.index_cast %scan3A_145 : i32 to index
        %get3A_567 = arith.constant 352 : index
        %get3A_568 = tpu.vector_load %arg11[%get3A_566, %get3A_567] {strides = array<i32>} : memref<32x512xf32, #tpu.memory_space<vmem>>, vector<1x16xf32>,
        %get3A_569 = vector.shape_cast %get3A_568 : vector<1x16xf32> to vector<16xf32>
        %add3A_570 = arith.addf %get3A_565, %get3A_569 : vector<16xf32>
        %get3A_571 = arith.index_cast %scan3A_145 : i32 to index
        %get3A_572 = arith.constant 352 : index
        %get3A_573 = tpu.vector_load %arg12[%get3A_571, %get3A_572] {strides = array<i32>} : memref<32x512xf32, #tpu.memory_space<vmem>>, vector<1x16xf32>,
        %get3A_574 = vector.shape_cast %get3A_573 : vector<1x16xf32> to vector<16xf32>
        %add3A_575 = arith.addf %add3A_570, %get3A_574 : vector<16xf32>
        %swap3A_576 = arith.index_cast %scan3A_145 : i32 to index
        %swap3A_577 = arith.constant 352 : index
        %swap3A_578 = tpu.vector_load %arg10[%swap3A_576, %swap3A_577] {strides = array<i32>} : memref<32x512xf32, #tpu.memory_space<vmem>>, vector<1x16xf32>,
        %swap3A_579 = vector.shape_cast %swap3A_578 : vector<1x16xf32> to vector<16xf32>
        %swap3A_580 = vector.shape_cast %add3A_575 : vector<16xf32> to vector<1x16xf32>
        tpu.vector_store %arg10[%swap3A_576, %swap3A_577], %swap3A_580 {strides = array<i32>} : memref<32x512xf32, #tpu.memory_space<vmem>>, vector<1x16xf32>,
        %get3A_581 = arith.index_cast %scan3A_145 : i32 to index
        %get3A_582 = arith.constant 368 : index
        %get3A_583 = tpu.vector_load %arg10[%get3A_581, %get3A_582] {strides = array<i32>} : memref<32x512xf32, #tpu.memory_space<vmem>>, vector<1x16xf32>,
        %get3A_584 = vector.shape_cast %get3A_583 : vector<1x16xf32> to vector<16xf32>
        %get3A_585 = arith.index_cast %scan3A_145 : i32 to index
        %get3A_586 = arith.constant 368 : index
        %get3A_587 = tpu.vector_load %arg11[%get3A_585, %get3A_586] {strides = array<i32>} : memref<32x512xf32, #tpu.memory_space<vmem>>, vector<1x16xf32>,
        %get3A_588 = vector.shape_cast %get3A_587 : vector<1x16xf32> to vector<16xf32>
        %add3A_589 = arith.addf %get3A_584, %get3A_588 : vector<16xf32>
        %get3A_590 = arith.index_cast %scan3A_145 : i32 to index
        %get3A_591 = arith.constant 368 : index
        %get3A_592 = tpu.vector_load %arg12[%get3A_590, %get3A_591] {strides = array<i32>} : memref<32x512xf32, #tpu.memory_space<vmem>>, vector<1x16xf32>,
        %get3A_593 = vector.shape_cast %get3A_592 : vector<1x16xf32> to vector<16xf32>
        %add3A_594 = arith.addf %add3A_589, %get3A_593 : vector<16xf32>
        %swap3A_595 = arith.index_cast %scan3A_145 : i32 to index
        %swap3A_596 = arith.constant 368 : index
        %swap3A_597 = tpu.vector_load %arg10[%swap3A_595, %swap3A_596] {strides = array<i32>} : memref<32x512xf32, #tpu.memory_space<vmem>>, vector<1x16xf32>,
        %swap3A_598 = vector.shape_cast %swap3A_597 : vector<1x16xf32> to vector<16xf32>
        %swap3A_599 = vector.shape_cast %add3A_594 : vector<16xf32> to vector<1x16xf32>
        tpu.vector_store %arg10[%swap3A_595, %swap3A_596], %swap3A_599 {strides = array<i32>} : memref<32x512xf32, #tpu.memory_space<vmem>>, vector<1x16xf32>,
        %get3A_600 = arith.index_cast %scan3A_145 : i32 to index
        %get3A_601 = arith.constant 384 : index
        %get3A_602 = tpu.vector_load %arg10[%get3A_600, %get3A_601] {strides = array<i32>} : memref<32x512xf32, #tpu.memory_space<vmem>>, vector<1x16xf32>,
        %get3A_603 = vector.shape_cast %get3A_602 : vector<1x16xf32> to vector<16xf32>
        %get3A_604 = arith.index_cast %scan3A_145 : i32 to index
        %get3A_605 = arith.constant 384 : index
        %get3A_606 = tpu.vector_load %arg11[%get3A_604, %get3A_605] {strides = array<i32>} : memref<32x512xf32, #tpu.memory_space<vmem>>, vector<1x16xf32>,
        %get3A_607 = vector.shape_cast %get3A_606 : vector<1x16xf32> to vector<16xf32>
        %add3A_608 = arith.addf %get3A_603, %get3A_607 : vector<16xf32>
        %get3A_609 = arith.index_cast %scan3A_145 : i32 to index
        %get3A_610 = arith.constant 384 : index
        %get3A_611 = tpu.vector_load %arg12[%get3A_609, %get3A_610] {strides = array<i32>} : memref<32x512xf32, #tpu.memory_space<vmem>>, vector<1x16xf32>,
        %get3A_612 = vector.shape_cast %get3A_611 : vector<1x16xf32> to vector<16xf32>
        %add3A_613 = arith.addf %add3A_608, %get3A_612 : vector<16xf32>
        %swap3A_614 = arith.index_cast %scan3A_145 : i32 to index
        %swap3A_615 = arith.constant 384 : index
        %swap3A_616 = tpu.vector_load %arg10[%swap3A_614, %swap3A_615] {strides = array<i32>} : memref<32x512xf32, #tpu.memory_space<vmem>>, vector<1x16xf32>,
        %swap3A_617 = vector.shape_cast %swap3A_616 : vector<1x16xf32> to vector<16xf32>
        %swap3A_618 = vector.shape_cast %add3A_613 : vector<16xf32> to vector<1x16xf32>
        tpu.vector_store %arg10[%swap3A_614, %swap3A_615], %swap3A_618 {strides = array<i32>} : memref<32x512xf32, #tpu.memory_space<vmem>>, vector<1x16xf32>,
        %get3A_619 = arith.index_cast %scan3A_145 : i32 to index
        %get3A_620 = arith.constant 400 : index
        %get3A_621 = tpu.vector_load %arg10[%get3A_619, %get3A_620] {strides = array<i32>} : memref<32x512xf32, #tpu.memory_space<vmem>>, vector<1x16xf32>,
        %get3A_622 = vector.shape_cast %get3A_621 : vector<1x16xf32> to vector<16xf32>
        %get3A_623 = arith.index_cast %scan3A_145 : i32 to index
        %get3A_624 = arith.constant 400 : index
        %get3A_625 = tpu.vector_load %arg11[%get3A_623, %get3A_624] {strides = array<i32>} : memref<32x512xf32, #tpu.memory_space<vmem>>, vector<1x16xf32>,
        %get3A_626 = vector.shape_cast %get3A_625 : vector<1x16xf32> to vector<16xf32>
        %add3A_627 = arith.addf %get3A_622, %get3A_626 : vector<16xf32>
        %get3A_628 = arith.index_cast %scan3A_145 : i32 to index
        %get3A_629 = arith.constant 400 : index
        %get3A_630 = tpu.vector_load %arg12[%get3A_628, %get3A_629] {strides = array<i32>} : memref<32x512xf32, #tpu.memory_space<vmem>>, vector<1x16xf32>,
        %get3A_631 = vector.shape_cast %get3A_630 : vector<1x16xf32> to vector<16xf32>
        %add3A_632 = arith.addf %add3A_627, %get3A_631 : vector<16xf32>
        %swap3A_633 = arith.index_cast %scan3A_145 : i32 to index
        %swap3A_634 = arith.constant 400 : index
        %swap3A_635 = tpu.vector_load %arg10[%swap3A_633, %swap3A_634] {strides = array<i32>} : memref<32x512xf32, #tpu.memory_space<vmem>>, vector<1x16xf32>,
        %swap3A_636 = vector.shape_cast %swap3A_635 : vector<1x16xf32> to vector<16xf32>
        %swap3A_637 = vector.shape_cast %add3A_632 : vector<16xf32> to vector<1x16xf32>
        tpu.vector_store %arg10[%swap3A_633, %swap3A_634], %swap3A_637 {strides = array<i32>} : memref<32x512xf32, #tpu.memory_space<vmem>>, vector<1x16xf32>,
        %get3A_638 = arith.index_cast %scan3A_145 : i32 to index
        %get3A_639 = arith.constant 416 : index
        %get3A_640 = tpu.vector_load %arg10[%get3A_638, %get3A_639] {strides = array<i32>} : memref<32x512xf32, #tpu.memory_space<vmem>>, vector<1x16xf32>,
        %get3A_641 = vector.shape_cast %get3A_640 : vector<1x16xf32> to vector<16xf32>
        %get3A_642 = arith.index_cast %scan3A_145 : i32 to index
        %get3A_643 = arith.constant 416 : index
        %get3A_644 = tpu.vector_load %arg11[%get3A_642, %get3A_643] {strides = array<i32>} : memref<32x512xf32, #tpu.memory_space<vmem>>, vector<1x16xf32>,
        %get3A_645 = vector.shape_cast %get3A_644 : vector<1x16xf32> to vector<16xf32>
        %add3A_646 = arith.addf %get3A_641, %get3A_645 : vector<16xf32>
        %get3A_647 = arith.index_cast %scan3A_145 : i32 to index
        %get3A_648 = arith.constant 416 : index
        %get3A_649 = tpu.vector_load %arg12[%get3A_647, %get3A_648] {strides = array<i32>} : memref<32x512xf32, #tpu.memory_space<vmem>>, vector<1x16xf32>,
        %get3A_650 = vector.shape_cast %get3A_649 : vector<1x16xf32> to vector<16xf32>
        %add3A_651 = arith.addf %add3A_646, %get3A_650 : vector<16xf32>
        %swap3A_652 = arith.index_cast %scan3A_145 : i32 to index
        %swap3A_653 = arith.constant 416 : index
        %swap3A_654 = tpu.vector_load %arg10[%swap3A_652, %swap3A_653] {strides = array<i32>} : memref<32x512xf32, #tpu.memory_space<vmem>>, vector<1x16xf32>,
        %swap3A_655 = vector.shape_cast %swap3A_654 : vector<1x16xf32> to vector<16xf32>
        %swap3A_656 = vector.shape_cast %add3A_651 : vector<16xf32> to vector<1x16xf32>
        tpu.vector_store %arg10[%swap3A_652, %swap3A_653], %swap3A_656 {strides = array<i32>} : memref<32x512xf32, #tpu.memory_space<vmem>>, vector<1x16xf32>,
        %get3A_657 = arith.index_cast %scan3A_145 : i32 to index
        %get3A_658 = arith.constant 432 : index
        %get3A_659 = tpu.vector_load %arg10[%get3A_657, %get3A_658] {strides = array<i32>} : memref<32x512xf32, #tpu.memory_space<vmem>>, vector<1x16xf32>,
        %get3A_660 = vector.shape_cast %get3A_659 : vector<1x16xf32> to vector<16xf32>
        %get3A_661 = arith.index_cast %scan3A_145 : i32 to index
        %get3A_662 = arith.constant 432 : index
        %get3A_663 = tpu.vector_load %arg11[%get3A_661, %get3A_662] {strides = array<i32>} : memref<32x512xf32, #tpu.memory_space<vmem>>, vector<1x16xf32>,
        %get3A_664 = vector.shape_cast %get3A_663 : vector<1x16xf32> to vector<16xf32>
        %add3A_665 = arith.addf %get3A_660, %get3A_664 : vector<16xf32>
        %get3A_666 = arith.index_cast %scan3A_145 : i32 to index
        %get3A_667 = arith.constant 432 : index
        %get3A_668 = tpu.vector_load %arg12[%get3A_666, %get3A_667] {strides = array<i32>} : memref<32x512xf32, #tpu.memory_space<vmem>>, vector<1x16xf32>,
        %get3A_669 = vector.shape_cast %get3A_668 : vector<1x16xf32> to vector<16xf32>
        %add3A_670 = arith.addf %add3A_665, %get3A_669 : vector<16xf32>
        %swap3A_671 = arith.index_cast %scan3A_145 : i32 to index
        %swap3A_672 = arith.constant 432 : index
        %swap3A_673 = tpu.vector_load %arg10[%swap3A_671, %swap3A_672] {strides = array<i32>} : memref<32x512xf32, #tpu.memory_space<vmem>>, vector<1x16xf32>,
        %swap3A_674 = vector.shape_cast %swap3A_673 : vector<1x16xf32> to vector<16xf32>
        %swap3A_675 = vector.shape_cast %add3A_670 : vector<16xf32> to vector<1x16xf32>
        tpu.vector_store %arg10[%swap3A_671, %swap3A_672], %swap3A_675 {strides = array<i32>} : memref<32x512xf32, #tpu.memory_space<vmem>>, vector<1x16xf32>,
        %get3A_676 = arith.index_cast %scan3A_145 : i32 to index
        %get3A_677 = arith.constant 448 : index
        %get3A_678 = tpu.vector_load %arg10[%get3A_676, %get3A_677] {strides = array<i32>} : memref<32x512xf32, #tpu.memory_space<vmem>>, vector<1x16xf32>,
        %get3A_679 = vector.shape_cast %get3A_678 : vector<1x16xf32> to vector<16xf32>
        %get3A_680 = arith.index_cast %scan3A_145 : i32 to index
        %get3A_681 = arith.constant 448 : index
        %get3A_682 = tpu.vector_load %arg11[%get3A_680, %get3A_681] {strides = array<i32>} : memref<32x512xf32, #tpu.memory_space<vmem>>, vector<1x16xf32>,
        %get3A_683 = vector.shape_cast %get3A_682 : vector<1x16xf32> to vector<16xf32>
        %add3A_684 = arith.addf %get3A_679, %get3A_683 : vector<16xf32>
        %get3A_685 = arith.index_cast %scan3A_145 : i32 to index
        %get3A_686 = arith.constant 448 : index
        %get3A_687 = tpu.vector_load %arg12[%get3A_685, %get3A_686] {strides = array<i32>} : memref<32x512xf32, #tpu.memory_space<vmem>>, vector<1x16xf32>,
        %get3A_688 = vector.shape_cast %get3A_687 : vector<1x16xf32> to vector<16xf32>
        %add3A_689 = arith.addf %add3A_684, %get3A_688 : vector<16xf32>
        %swap3A_690 = arith.index_cast %scan3A_145 : i32 to index
        %swap3A_691 = arith.constant 448 : index
        %swap3A_692 = tpu.vector_load %arg10[%swap3A_690, %swap3A_691] {strides = array<i32>} : memref<32x512xf32, #tpu.memory_space<vmem>>, vector<1x16xf32>,
        %swap3A_693 = vector.shape_cast %swap3A_692 : vector<1x16xf32> to vector<16xf32>
        %swap3A_694 = vector.shape_cast %add3A_689 : vector<16xf32> to vector<1x16xf32>
        tpu.vector_store %arg10[%swap3A_690, %swap3A_691], %swap3A_694 {strides = array<i32>} : memref<32x512xf32, #tpu.memory_space<vmem>>, vector<1x16xf32>,
        %get3A_695 = arith.index_cast %scan3A_145 : i32 to index
        %get3A_696 = arith.constant 464 : index
        %get3A_697 = tpu.vector_load %arg10[%get3A_695, %get3A_696] {strides = array<i32>} : memref<32x512xf32, #tpu.memory_space<vmem>>, vector<1x16xf32>,
        %get3A_698 = vector.shape_cast %get3A_697 : vector<1x16xf32> to vector<16xf32>
        %get3A_699 = arith.index_cast %scan3A_145 : i32 to index
        %get3A_700 = arith.constant 464 : index
        %get3A_701 = tpu.vector_load %arg11[%get3A_699, %get3A_700] {strides = array<i32>} : memref<32x512xf32, #tpu.memory_space<vmem>>, vector<1x16xf32>,
        %get3A_702 = vector.shape_cast %get3A_701 : vector<1x16xf32> to vector<16xf32>
        %add3A_703 = arith.addf %get3A_698, %get3A_702 : vector<16xf32>
        %get3A_704 = arith.index_cast %scan3A_145 : i32 to index
        %get3A_705 = arith.constant 464 : index
        %get3A_706 = tpu.vector_load %arg12[%get3A_704, %get3A_705] {strides = array<i32>} : memref<32x512xf32, #tpu.memory_space<vmem>>, vector<1x16xf32>,
        %get3A_707 = vector.shape_cast %get3A_706 : vector<1x16xf32> to vector<16xf32>
        %add3A_708 = arith.addf %add3A_703, %get3A_707 : vector<16xf32>
        %swap3A_709 = arith.index_cast %scan3A_145 : i32 to index
        %swap3A_710 = arith.constant 464 : index
        %swap3A_711 = tpu.vector_load %arg10[%swap3A_709, %swap3A_710] {strides = array<i32>} : memref<32x512xf32, #tpu.memory_space<vmem>>, vector<1x16xf32>,
        %swap3A_712 = vector.shape_cast %swap3A_711 : vector<1x16xf32> to vector<16xf32>
        %swap3A_713 = vector.shape_cast %add3A_708 : vector<16xf32> to vector<1x16xf32>
        tpu.vector_store %arg10[%swap3A_709, %swap3A_710], %swap3A_713 {strides = array<i32>} : memref<32x512xf32, #tpu.memory_space<vmem>>, vector<1x16xf32>,
        %get3A_714 = arith.index_cast %scan3A_145 : i32 to index
        %get3A_715 = arith.constant 480 : index
        %get3A_716 = tpu.vector_load %arg10[%get3A_714, %get3A_715] {strides = array<i32>} : memref<32x512xf32, #tpu.memory_space<vmem>>, vector<1x16xf32>,
        %get3A_717 = vector.shape_cast %get3A_716 : vector<1x16xf32> to vector<16xf32>
        %get3A_718 = arith.index_cast %scan3A_145 : i32 to index
        %get3A_719 = arith.constant 480 : index
        %get3A_720 = tpu.vector_load %arg11[%get3A_718, %get3A_719] {strides = array<i32>} : memref<32x512xf32, #tpu.memory_space<vmem>>, vector<1x16xf32>,
        %get3A_721 = vector.shape_cast %get3A_720 : vector<1x16xf32> to vector<16xf32>
        %add3A_722 = arith.addf %get3A_717, %get3A_721 : vector<16xf32>
        %get3A_723 = arith.index_cast %scan3A_145 : i32 to index
        %get3A_724 = arith.constant 480 : index
        %get3A_725 = tpu.vector_load %arg12[%get3A_723, %get3A_724] {strides = array<i32>} : memref<32x512xf32, #tpu.memory_space<vmem>>, vector<1x16xf32>,
        %get3A_726 = vector.shape_cast %get3A_725 : vector<1x16xf32> to vector<16xf32>
        %add3A_727 = arith.addf %add3A_722, %get3A_726 : vector<16xf32>
        %swap3A_728 = arith.index_cast %scan3A_145 : i32 to index
        %swap3A_729 = arith.constant 480 : index
        %swap3A_730 = tpu.vector_load %arg10[%swap3A_728, %swap3A_729] {strides = array<i32>} : memref<32x512xf32, #tpu.memory_space<vmem>>, vector<1x16xf32>,
        %swap3A_731 = vector.shape_cast %swap3A_730 : vector<1x16xf32> to vector<16xf32>
        %swap3A_732 = vector.shape_cast %add3A_727 : vector<16xf32> to vector<1x16xf32>
        tpu.vector_store %arg10[%swap3A_728, %swap3A_729], %swap3A_732 {strides = array<i32>} : memref<32x512xf32, #tpu.memory_space<vmem>>, vector<1x16xf32>,
        %get3A_733 = arith.index_cast %scan3A_145 : i32 to index
        %get3A_734 = arith.constant 496 : index
        %get3A_735 = tpu.vector_load %arg10[%get3A_733, %get3A_734] {strides = array<i32>} : memref<32x512xf32, #tpu.memory_space<vmem>>, vector<1x16xf32>,
        %get3A_736 = vector.shape_cast %get3A_735 : vector<1x16xf32> to vector<16xf32>
        %get3A_737 = arith.index_cast %scan3A_145 : i32 to index
        %get3A_738 = arith.constant 496 : index
        %get3A_739 = tpu.vector_load %arg11[%get3A_737, %get3A_738] {strides = array<i32>} : memref<32x512xf32, #tpu.memory_space<vmem>>, vector<1x16xf32>,
        %get3A_740 = vector.shape_cast %get3A_739 : vector<1x16xf32> to vector<16xf32>
        %add3A_741 = arith.addf %get3A_736, %get3A_740 : vector<16xf32>
        %get3A_742 = arith.index_cast %scan3A_145 : i32 to index
        %get3A_743 = arith.constant 496 : index
        %get3A_744 = tpu.vector_load %arg12[%get3A_742, %get3A_743] {strides = array<i32>} : memref<32x512xf32, #tpu.memory_space<vmem>>, vector<1x16xf32>,
        %get3A_745 = vector.shape_cast %get3A_744 : vector<1x16xf32> to vector<16xf32>
        %add3A_746 = arith.addf %add3A_741, %get3A_745 : vector<16xf32>
        %swap3A_747 = arith.index_cast %scan3A_145 : i32 to index
        %swap3A_748 = arith.constant 496 : index
        %swap3A_749 = tpu.vector_load %arg10[%swap3A_747, %swap3A_748] {strides = array<i32>} : memref<32x512xf32, #tpu.memory_space<vmem>>, vector<1x16xf32>,
        %swap3A_750 = vector.shape_cast %swap3A_749 : vector<1x16xf32> to vector<16xf32>
        %swap3A_751 = vector.shape_cast %add3A_746 : vector<16xf32> to vector<1x16xf32>
        tpu.vector_store %arg10[%swap3A_747, %swap3A_748], %swap3A_751 {strides = array<i32>} : memref<32x512xf32, #tpu.memory_space<vmem>>, vector<1x16xf32>,
      }
      %scan3A_96 = arith.constant 32 : i32
      %mul3A_97 = arith.constant 32 : i32
      %mul3A_98 = arith.muli %mul3A_66, %mul3A_97 : i32
      %add3A_99 = arith.addi %mul3A_2, %mul3A_98 : i32
      %dma_start3A_100 = arith.constant 0 : i32
      %dma_start3A_101 = tpu.memref_slice %arg8[%add3A_99, %dma_start3A_100] : memref<51200x512xf32, #tpu.memory_space<hbm>> -> memref<32x512xf32, #tpu.memory_space<hbm>>
      %dma_start3A_102 = arith.constant 0 : i32
      %dma_start3A_103 = tpu.memref_slice %arg8[%add3A_99, %dma_start3A_102] : memref<51200x512xf32, #tpu.memory_space<hbm>> -> memref<32x512xf32, #tpu.memory_space<hbm>>
      tpu.enqueue_dma source(%arg10 : memref<32x512xf32, #tpu.memory_space<vmem>>) target(%dma_start3A_103 : memref<32x512xf32, #tpu.memory_space<hbm>>) target_semaphore(%arg18 : memref<!tpu.dma_semaphore, #tpu.memory_space<semaphore_mem>>)
      %dma_wait3A_104 = arith.constant 0 : i32
      %dma_wait3A_105 = arith.constant 0 : i32
      %dma_wait3A_106 = arith.constant 0 : i32
      %dma_wait3A_107 = tpu.memref_slice %arg9[%dma_wait3A_104, %dma_wait3A_105, %dma_wait3A_106] : memref<3x50x32xi32, #tpu.memory_space<vmem>> -> memref<1x1x32xi32, #tpu.memory_space<vmem>>
      %dma_wait3A_108 = tpu.memref_squeeze %dma_wait3A_107 : memref<1x1x32xi32, #tpu.memory_space<vmem>> -> memref<32xi32, #tpu.memory_space<vmem>>
      %dma_wait3A_109 = arith.constant 0 : i32
      %dma_wait3A_110 = arith.constant 0 : i32
      %dma_wait3A_111 = tpu.memref_slice %arg5[%dma_wait3A_109, %dma_wait3A_110] : memref<512x512xf32, #tpu.memory_space<hbm>> -> memref<512x512xf32, #tpu.memory_space<hbm>>
      tpu.wait_indirect_dma semaphore(%arg17 : memref<!tpu.dma_semaphore, #tpu.memory_space<semaphore_mem>>) src(%dma_wait3A_111 : memref<512x512xf32, #tpu.memory_space<hbm>>) dst(%arg13 : memref<32x512xf32, #tpu.memory_space<vmem>>)
      %dma_wait3A_112 = arith.constant 1 : i32
      %dma_wait3A_113 = arith.constant 0 : i32
      %dma_wait3A_114 = arith.constant 0 : i32
      %dma_wait3A_115 = tpu.memref_slice %arg9[%dma_wait3A_112, %dma_wait3A_113, %dma_wait3A_114] : memref<3x50x32xi32, #tpu.memory_space<vmem>> -> memref<1x1x32xi32, #tpu.memory_space<vmem>>
      %dma_wait3A_116 = tpu.memref_squeeze %dma_wait3A_115 : memref<1x1x32xi32, #tpu.memory_space<vmem>> -> memref<32xi32, #tpu.memory_space<vmem>>
      %dma_wait3A_117 = arith.constant 0 : i32
      %dma_wait3A_118 = arith.constant 0 : i32
      %dma_wait3A_119 = tpu.memref_slice %arg6[%dma_wait3A_117, %dma_wait3A_118] : memref<3584x512xf32, #tpu.memory_space<hbm>> -> memref<3584x512xf32, #tpu.memory_space<hbm>>
      tpu.wait_indirect_dma semaphore(%arg17 : memref<!tpu.dma_semaphore, #tpu.memory_space<semaphore_mem>>) src(%dma_wait3A_119 : memref<3584x512xf32, #tpu.memory_space<hbm>>) dst(%arg14 : memref<32x512xf32, #tpu.memory_space<vmem>>)
      %dma_wait3A_120 = arith.constant 2 : i32
      %dma_wait3A_121 = arith.constant 0 : i32
      %dma_wait3A_122 = arith.constant 0 : i32
      %dma_wait3A_123 = tpu.memref_slice %arg9[%dma_wait3A_120, %dma_wait3A_121, %dma_wait3A_122] : memref<3x50x32xi32, #tpu.memory_space<vmem>> -> memref<1x1x32xi32, #tpu.memory_space<vmem>>
      %dma_wait3A_124 = tpu.memref_squeeze %dma_wait3A_123 : memref<1x1x32xi32, #tpu.memory_space<vmem>> -> memref<32xi32, #tpu.memory_space<vmem>>
      %dma_wait3A_125 = arith.constant 0 : i32
      %dma_wait3A_126 = arith.constant 0 : i32
      %dma_wait3A_127 = tpu.memref_slice %arg7[%dma_wait3A_125, %dma_wait3A_126] : memref<24576x512xf32, #tpu.memory_space<hbm>> -> memref<24576x512xf32, #tpu.memory_space<hbm>>
      tpu.wait_indirect_dma semaphore(%arg17 : memref<!tpu.dma_semaphore, #tpu.memory_space<semaphore_mem>>) src(%dma_wait3A_127 : memref<24576x512xf32, #tpu.memory_space<hbm>>) dst(%arg15 : memref<32x512xf32, #tpu.memory_space<vmem>>)
      %scan3A_128 = arith.constant 0 : i32
      %scan3A_129 = arith.constant 0 : i32
      %scan3A_130 = arith.constant 32 : i32
      %scan3A_131 = arith.addi %scan3A_129, %scan3A_130 : i32
      %scan3A_132 = arith.constant 1 : i32
      scf.for %scan3A_145 = %scan3A_129 to %scan3A_131 step %scan3A_132  : i32 {
        %get3A = arith.index_cast %scan3A_145 : i32 to index
        %get3A_146 = arith.constant 0 : index
        %get3A_147 = tpu.vector_load %arg13[%get3A, %get3A_146] {strides = array<i32>} : memref<32x512xf32, #tpu.memory_space<vmem>>, vector<1x16xf32>,
        %get3A_148 = vector.shape_cast %get3A_147 : vector<1x16xf32> to vector<16xf32>
        %get3A_149 = arith.index_cast %scan3A_145 : i32 to index
        %get3A_150 = arith.constant 0 : index
        %get3A_151 = tpu.vector_load %arg14[%get3A_149, %get3A_150] {strides = array<i32>} : memref<32x512xf32, #tpu.memory_space<vmem>>, vector<1x16xf32>,
        %get3A_152 = vector.shape_cast %get3A_151 : vector<1x16xf32> to vector<16xf32>
        %add3A_153 = arith.addf %get3A_148, %get3A_152 : vector<16xf32>
        %get3A_154 = arith.index_cast %scan3A_145 : i32 to index
        %get3A_155 = arith.constant 0 : index
        %get3A_156 = tpu.vector_load %arg15[%get3A_154, %get3A_155] {strides = array<i32>} : memref<32x512xf32, #tpu.memory_space<vmem>>, vector<1x16xf32>,
        %get3A_157 = vector.shape_cast %get3A_156 : vector<1x16xf32> to vector<16xf32>
        %add3A_158 = arith.addf %add3A_153, %get3A_157 : vector<16xf32>
        %swap3A = arith.index_cast %scan3A_145 : i32 to index
        %swap3A_159 = arith.constant 0 : index
        %swap3A_160 = tpu.vector_load %arg13[%swap3A, %swap3A_159] {strides = array<i32>} : memref<32x512xf32, #tpu.memory_space<vmem>>, vector<1x16xf32>,
        %swap3A_161 = vector.shape_cast %swap3A_160 : vector<1x16xf32> to vector<16xf32>
        %swap3A_162 = vector.shape_cast %add3A_158 : vector<16xf32> to vector<1x16xf32>
        tpu.vector_store %arg13[%swap3A, %swap3A_159], %swap3A_162 {strides = array<i32>} : memref<32x512xf32, #tpu.memory_space<vmem>>, vector<1x16xf32>,
        %get3A_163 = arith.index_cast %scan3A_145 : i32 to index
        %get3A_164 = arith.constant 16 : index
        %get3A_165 = tpu.vector_load %arg13[%get3A_163, %get3A_164] {strides = array<i32>} : memref<32x512xf32, #tpu.memory_space<vmem>>, vector<1x16xf32>,
        %get3A_166 = vector.shape_cast %get3A_165 : vector<1x16xf32> to vector<16xf32>
        %get3A_167 = arith.index_cast %scan3A_145 : i32 to index
        %get3A_168 = arith.constant 16 : index
        %get3A_169 = tpu.vector_load %arg14[%get3A_167, %get3A_168] {strides = array<i32>} : memref<32x512xf32, #tpu.memory_space<vmem>>, vector<1x16xf32>,
        %get3A_170 = vector.shape_cast %get3A_169 : vector<1x16xf32> to vector<16xf32>
        %add3A_171 = arith.addf %get3A_166, %get3A_170 : vector<16xf32>
        %get3A_172 = arith.index_cast %scan3A_145 : i32 to index
        %get3A_173 = arith.constant 16 : index
        %get3A_174 = tpu.vector_load %arg15[%get3A_172, %get3A_173] {strides = array<i32>} : memref<32x512xf32, #tpu.memory_space<vmem>>, vector<1x16xf32>,
        %get3A_175 = vector.shape_cast %get3A_174 : vector<1x16xf32> to vector<16xf32>
        %add3A_176 = arith.addf %add3A_171, %get3A_175 : vector<16xf32>
        %swap3A_177 = arith.index_cast %scan3A_145 : i32 to index
        %swap3A_178 = arith.constant 16 : index
        %swap3A_179 = tpu.vector_load %arg13[%swap3A_177, %swap3A_178] {strides = array<i32>} : memref<32x512xf32, #tpu.memory_space<vmem>>, vector<1x16xf32>,
        %swap3A_180 = vector.shape_cast %swap3A_179 : vector<1x16xf32> to vector<16xf32>
        %swap3A_181 = vector.shape_cast %add3A_176 : vector<16xf32> to vector<1x16xf32>
        tpu.vector_store %arg13[%swap3A_177, %swap3A_178], %swap3A_181 {strides = array<i32>} : memref<32x512xf32, #tpu.memory_space<vmem>>, vector<1x16xf32>,
        %get3A_182 = arith.index_cast %scan3A_145 : i32 to index
        %get3A_183 = arith.constant 32 : index
        %get3A_184 = tpu.vector_load %arg13[%get3A_182, %get3A_183] {strides = array<i32>} : memref<32x512xf32, #tpu.memory_space<vmem>>, vector<1x16xf32>,
        %get3A_185 = vector.shape_cast %get3A_184 : vector<1x16xf32> to vector<16xf32>
        %get3A_186 = arith.index_cast %scan3A_145 : i32 to index
        %get3A_187 = arith.constant 32 : index
        %get3A_188 = tpu.vector_load %arg14[%get3A_186, %get3A_187] {strides = array<i32>} : memref<32x512xf32, #tpu.memory_space<vmem>>, vector<1x16xf32>,
        %get3A_189 = vector.shape_cast %get3A_188 : vector<1x16xf32> to vector<16xf32>
        %add3A_190 = arith.addf %get3A_185, %get3A_189 : vector<16xf32>
        %get3A_191 = arith.index_cast %scan3A_145 : i32 to index
        %get3A_192 = arith.constant 32 : index
        %get3A_193 = tpu.vector_load %arg15[%get3A_191, %get3A_192] {strides = array<i32>} : memref<32x512xf32, #tpu.memory_space<vmem>>, vector<1x16xf32>,
        %get3A_194 = vector.shape_cast %get3A_193 : vector<1x16xf32> to vector<16xf32>
        %add3A_195 = arith.addf %add3A_190, %get3A_194 : vector<16xf32>
        %swap3A_196 = arith.index_cast %scan3A_145 : i32 to index
        %swap3A_197 = arith.constant 32 : index
        %swap3A_198 = tpu.vector_load %arg13[%swap3A_196, %swap3A_197] {strides = array<i32>} : memref<32x512xf32, #tpu.memory_space<vmem>>, vector<1x16xf32>,
        %swap3A_199 = vector.shape_cast %swap3A_198 : vector<1x16xf32> to vector<16xf32>
        %swap3A_200 = vector.shape_cast %add3A_195 : vector<16xf32> to vector<1x16xf32>
        tpu.vector_store %arg13[%swap3A_196, %swap3A_197], %swap3A_200 {strides = array<i32>} : memref<32x512xf32, #tpu.memory_space<vmem>>, vector<1x16xf32>,
        %get3A_201 = arith.index_cast %scan3A_145 : i32 to index
        %get3A_202 = arith.constant 48 : index
        %get3A_203 = tpu.vector_load %arg13[%get3A_201, %get3A_202] {strides = array<i32>} : memref<32x512xf32, #tpu.memory_space<vmem>>, vector<1x16xf32>,
        %get3A_204 = vector.shape_cast %get3A_203 : vector<1x16xf32> to vector<16xf32>
        %get3A_205 = arith.index_cast %scan3A_145 : i32 to index
        %get3A_206 = arith.constant 48 : index
        %get3A_207 = tpu.vector_load %arg14[%get3A_205, %get3A_206] {strides = array<i32>} : memref<32x512xf32, #tpu.memory_space<vmem>>, vector<1x16xf32>,
        %get3A_208 = vector.shape_cast %get3A_207 : vector<1x16xf32> to vector<16xf32>
        %add3A_209 = arith.addf %get3A_204, %get3A_208 : vector<16xf32>
        %get3A_210 = arith.index_cast %scan3A_145 : i32 to index
        %get3A_211 = arith.constant 48 : index
        %get3A_212 = tpu.vector_load %arg15[%get3A_210, %get3A_211] {strides = array<i32>} : memref<32x512xf32, #tpu.memory_space<vmem>>, vector<1x16xf32>,
        %get3A_213 = vector.shape_cast %get3A_212 : vector<1x16xf32> to vector<16xf32>
        %add3A_214 = arith.addf %add3A_209, %get3A_213 : vector<16xf32>
        %swap3A_215 = arith.index_cast %scan3A_145 : i32 to index
        %swap3A_216 = arith.constant 48 : index
        %swap3A_217 = tpu.vector_load %arg13[%swap3A_215, %swap3A_216] {strides = array<i32>} : memref<32x512xf32, #tpu.memory_space<vmem>>, vector<1x16xf32>,
        %swap3A_218 = vector.shape_cast %swap3A_217 : vector<1x16xf32> to vector<16xf32>
        %swap3A_219 = vector.shape_cast %add3A_214 : vector<16xf32> to vector<1x16xf32>
        tpu.vector_store %arg13[%swap3A_215, %swap3A_216], %swap3A_219 {strides = array<i32>} : memref<32x512xf32, #tpu.memory_space<vmem>>, vector<1x16xf32>,
        %get3A_220 = arith.index_cast %scan3A_145 : i32 to index
        %get3A_221 = arith.constant 64 : index
        %get3A_222 = tpu.vector_load %arg13[%get3A_220, %get3A_221] {strides = array<i32>} : memref<32x512xf32, #tpu.memory_space<vmem>>, vector<1x16xf32>,
        %get3A_223 = vector.shape_cast %get3A_222 : vector<1x16xf32> to vector<16xf32>
        %get3A_224 = arith.index_cast %scan3A_145 : i32 to index
        %get3A_225 = arith.constant 64 : index
        %get3A_226 = tpu.vector_load %arg14[%get3A_224, %get3A_225] {strides = array<i32>} : memref<32x512xf32, #tpu.memory_space<vmem>>, vector<1x16xf32>,
        %get3A_227 = vector.shape_cast %get3A_226 : vector<1x16xf32> to vector<16xf32>
        %add3A_228 = arith.addf %get3A_223, %get3A_227 : vector<16xf32>
        %get3A_229 = arith.index_cast %scan3A_145 : i32 to index
        %get3A_230 = arith.constant 64 : index
        %get3A_231 = tpu.vector_load %arg15[%get3A_229, %get3A_230] {strides = array<i32>} : memref<32x512xf32, #tpu.memory_space<vmem>>, vector<1x16xf32>,
        %get3A_232 = vector.shape_cast %get3A_231 : vector<1x16xf32> to vector<16xf32>
        %add3A_233 = arith.addf %add3A_228, %get3A_232 : vector<16xf32>
        %swap3A_234 = arith.index_cast %scan3A_145 : i32 to index
        %swap3A_235 = arith.constant 64 : index
        %swap3A_236 = tpu.vector_load %arg13[%swap3A_234, %swap3A_235] {strides = array<i32>} : memref<32x512xf32, #tpu.memory_space<vmem>>, vector<1x16xf32>,
        %swap3A_237 = vector.shape_cast %swap3A_236 : vector<1x16xf32> to vector<16xf32>
        %swap3A_238 = vector.shape_cast %add3A_233 : vector<16xf32> to vector<1x16xf32>
        tpu.vector_store %arg13[%swap3A_234, %swap3A_235], %swap3A_238 {strides = array<i32>} : memref<32x512xf32, #tpu.memory_space<vmem>>, vector<1x16xf32>,
        %get3A_239 = arith.index_cast %scan3A_145 : i32 to index
        %get3A_240 = arith.constant 80 : index
        %get3A_241 = tpu.vector_load %arg13[%get3A_239, %get3A_240] {strides = array<i32>} : memref<32x512xf32, #tpu.memory_space<vmem>>, vector<1x16xf32>,
        %get3A_242 = vector.shape_cast %get3A_241 : vector<1x16xf32> to vector<16xf32>
        %get3A_243 = arith.index_cast %scan3A_145 : i32 to index
        %get3A_244 = arith.constant 80 : index
        %get3A_245 = tpu.vector_load %arg14[%get3A_243, %get3A_244] {strides = array<i32>} : memref<32x512xf32, #tpu.memory_space<vmem>>, vector<1x16xf32>,
        %get3A_246 = vector.shape_cast %get3A_245 : vector<1x16xf32> to vector<16xf32>
        %add3A_247 = arith.addf %get3A_242, %get3A_246 : vector<16xf32>
        %get3A_248 = arith.index_cast %scan3A_145 : i32 to index
        %get3A_249 = arith.constant 80 : index
        %get3A_250 = tpu.vector_load %arg15[%get3A_248, %get3A_249] {strides = array<i32>} : memref<32x512xf32, #tpu.memory_space<vmem>>, vector<1x16xf32>,
        %get3A_251 = vector.shape_cast %get3A_250 : vector<1x16xf32> to vector<16xf32>
        %add3A_252 = arith.addf %add3A_247, %get3A_251 : vector<16xf32>
        %swap3A_253 = arith.index_cast %scan3A_145 : i32 to index
        %swap3A_254 = arith.constant 80 : index
        %swap3A_255 = tpu.vector_load %arg13[%swap3A_253, %swap3A_254] {strides = array<i32>} : memref<32x512xf32, #tpu.memory_space<vmem>>, vector<1x16xf32>,
        %swap3A_256 = vector.shape_cast %swap3A_255 : vector<1x16xf32> to vector<16xf32>
        %swap3A_257 = vector.shape_cast %add3A_252 : vector<16xf32> to vector<1x16xf32>
        tpu.vector_store %arg13[%swap3A_253, %swap3A_254], %swap3A_257 {strides = array<i32>} : memref<32x512xf32, #tpu.memory_space<vmem>>, vector<1x16xf32>,
        %get3A_258 = arith.index_cast %scan3A_145 : i32 to index
        %get3A_259 = arith.constant 96 : index
        %get3A_260 = tpu.vector_load %arg13[%get3A_258, %get3A_259] {strides = array<i32>} : memref<32x512xf32, #tpu.memory_space<vmem>>, vector<1x16xf32>,
        %get3A_261 = vector.shape_cast %get3A_260 : vector<1x16xf32> to vector<16xf32>
        %get3A_262 = arith.index_cast %scan3A_145 : i32 to index
        %get3A_263 = arith.constant 96 : index
        %get3A_264 = tpu.vector_load %arg14[%get3A_262, %get3A_263] {strides = array<i32>} : memref<32x512xf32, #tpu.memory_space<vmem>>, vector<1x16xf32>,
        %get3A_265 = vector.shape_cast %get3A_264 : vector<1x16xf32> to vector<16xf32>
        %add3A_266 = arith.addf %get3A_261, %get3A_265 : vector<16xf32>
        %get3A_267 = arith.index_cast %scan3A_145 : i32 to index
        %get3A_268 = arith.constant 96 : index
        %get3A_269 = tpu.vector_load %arg15[%get3A_267, %get3A_268] {strides = array<i32>} : memref<32x512xf32, #tpu.memory_space<vmem>>, vector<1x16xf32>,
        %get3A_270 = vector.shape_cast %get3A_269 : vector<1x16xf32> to vector<16xf32>
        %add3A_271 = arith.addf %add3A_266, %get3A_270 : vector<16xf32>
        %swap3A_272 = arith.index_cast %scan3A_145 : i32 to index
        %swap3A_273 = arith.constant 96 : index
        %swap3A_274 = tpu.vector_load %arg13[%swap3A_272, %swap3A_273] {strides = array<i32>} : memref<32x512xf32, #tpu.memory_space<vmem>>, vector<1x16xf32>,
        %swap3A_275 = vector.shape_cast %swap3A_274 : vector<1x16xf32> to vector<16xf32>
        %swap3A_276 = vector.shape_cast %add3A_271 : vector<16xf32> to vector<1x16xf32>
        tpu.vector_store %arg13[%swap3A_272, %swap3A_273], %swap3A_276 {strides = array<i32>} : memref<32x512xf32, #tpu.memory_space<vmem>>, vector<1x16xf32>,
        %get3A_277 = arith.index_cast %scan3A_145 : i32 to index
        %get3A_278 = arith.constant 112 : index
        %get3A_279 = tpu.vector_load %arg13[%get3A_277, %get3A_278] {strides = array<i32>} : memref<32x512xf32, #tpu.memory_space<vmem>>, vector<1x16xf32>,
        %get3A_280 = vector.shape_cast %get3A_279 : vector<1x16xf32> to vector<16xf32>
        %get3A_281 = arith.index_cast %scan3A_145 : i32 to index
        %get3A_282 = arith.constant 112 : index
        %get3A_283 = tpu.vector_load %arg14[%get3A_281, %get3A_282] {strides = array<i32>} : memref<32x512xf32, #tpu.memory_space<vmem>>, vector<1x16xf32>,
        %get3A_284 = vector.shape_cast %get3A_283 : vector<1x16xf32> to vector<16xf32>
        %add3A_285 = arith.addf %get3A_280, %get3A_284 : vector<16xf32>
        %get3A_286 = arith.index_cast %scan3A_145 : i32 to index
        %get3A_287 = arith.constant 112 : index
        %get3A_288 = tpu.vector_load %arg15[%get3A_286, %get3A_287] {strides = array<i32>} : memref<32x512xf32, #tpu.memory_space<vmem>>, vector<1x16xf32>,
        %get3A_289 = vector.shape_cast %get3A_288 : vector<1x16xf32> to vector<16xf32>
        %add3A_290 = arith.addf %add3A_285, %get3A_289 : vector<16xf32>
        %swap3A_291 = arith.index_cast %scan3A_145 : i32 to index
        %swap3A_292 = arith.constant 112 : index
        %swap3A_293 = tpu.vector_load %arg13[%swap3A_291, %swap3A_292] {strides = array<i32>} : memref<32x512xf32, #tpu.memory_space<vmem>>, vector<1x16xf32>,
        %swap3A_294 = vector.shape_cast %swap3A_293 : vector<1x16xf32> to vector<16xf32>
        %swap3A_295 = vector.shape_cast %add3A_290 : vector<16xf32> to vector<1x16xf32>
        tpu.vector_store %arg13[%swap3A_291, %swap3A_292], %swap3A_295 {strides = array<i32>} : memref<32x512xf32, #tpu.memory_space<vmem>>, vector<1x16xf32>,
        %get3A_296 = arith.index_cast %scan3A_145 : i32 to index
        %get3A_297 = arith.constant 128 : index
        %get3A_298 = tpu.vector_load %arg13[%get3A_296, %get3A_297] {strides = array<i32>} : memref<32x512xf32, #tpu.memory_space<vmem>>, vector<1x16xf32>,
        %get3A_299 = vector.shape_cast %get3A_298 : vector<1x16xf32> to vector<16xf32>
        %get3A_300 = arith.index_cast %scan3A_145 : i32 to index
        %get3A_301 = arith.constant 128 : index
        %get3A_302 = tpu.vector_load %arg14[%get3A_300, %get3A_301] {strides = array<i32>} : memref<32x512xf32, #tpu.memory_space<vmem>>, vector<1x16xf32>,
        %get3A_303 = vector.shape_cast %get3A_302 : vector<1x16xf32> to vector<16xf32>
        %add3A_304 = arith.addf %get3A_299, %get3A_303 : vector<16xf32>
        %get3A_305 = arith.index_cast %scan3A_145 : i32 to index
        %get3A_306 = arith.constant 128 : index
        %get3A_307 = tpu.vector_load %arg15[%get3A_305, %get3A_306] {strides = array<i32>} : memref<32x512xf32, #tpu.memory_space<vmem>>, vector<1x16xf32>,
        %get3A_308 = vector.shape_cast %get3A_307 : vector<1x16xf32> to vector<16xf32>
        %add3A_309 = arith.addf %add3A_304, %get3A_308 : vector<16xf32>
        %swap3A_310 = arith.index_cast %scan3A_145 : i32 to index
        %swap3A_311 = arith.constant 128 : index
        %swap3A_312 = tpu.vector_load %arg13[%swap3A_310, %swap3A_311] {strides = array<i32>} : memref<32x512xf32, #tpu.memory_space<vmem>>, vector<1x16xf32>,
        %swap3A_313 = vector.shape_cast %swap3A_312 : vector<1x16xf32> to vector<16xf32>
        %swap3A_314 = vector.shape_cast %add3A_309 : vector<16xf32> to vector<1x16xf32>
        tpu.vector_store %arg13[%swap3A_310, %swap3A_311], %swap3A_314 {strides = array<i32>} : memref<32x512xf32, #tpu.memory_space<vmem>>, vector<1x16xf32>,
        %get3A_315 = arith.index_cast %scan3A_145 : i32 to index
        %get3A_316 = arith.constant 144 : index
        %get3A_317 = tpu.vector_load %arg13[%get3A_315, %get3A_316] {strides = array<i32>} : memref<32x512xf32, #tpu.memory_space<vmem>>, vector<1x16xf32>,
        %get3A_318 = vector.shape_cast %get3A_317 : vector<1x16xf32> to vector<16xf32>
        %get3A_319 = arith.index_cast %scan3A_145 : i32 to index
        %get3A_320 = arith.constant 144 : index
        %get3A_321 = tpu.vector_load %arg14[%get3A_319, %get3A_320] {strides = array<i32>} : memref<32x512xf32, #tpu.memory_space<vmem>>, vector<1x16xf32>,
        %get3A_322 = vector.shape_cast %get3A_321 : vector<1x16xf32> to vector<16xf32>
        %add3A_323 = arith.addf %get3A_318, %get3A_322 : vector<16xf32>
        %get3A_324 = arith.index_cast %scan3A_145 : i32 to index
        %get3A_325 = arith.constant 144 : index
        %get3A_326 = tpu.vector_load %arg15[%get3A_324, %get3A_325] {strides = array<i32>} : memref<32x512xf32, #tpu.memory_space<vmem>>, vector<1x16xf32>,
        %get3A_327 = vector.shape_cast %get3A_326 : vector<1x16xf32> to vector<16xf32>
        %add3A_328 = arith.addf %add3A_323, %get3A_327 : vector<16xf32>
        %swap3A_329 = arith.index_cast %scan3A_145 : i32 to index
        %swap3A_330 = arith.constant 144 : index
        %swap3A_331 = tpu.vector_load %arg13[%swap3A_329, %swap3A_330] {strides = array<i32>} : memref<32x512xf32, #tpu.memory_space<vmem>>, vector<1x16xf32>,
        %swap3A_332 = vector.shape_cast %swap3A_331 : vector<1x16xf32> to vector<16xf32>
        %swap3A_333 = vector.shape_cast %add3A_328 : vector<16xf32> to vector<1x16xf32>
        tpu.vector_store %arg13[%swap3A_329, %swap3A_330], %swap3A_333 {strides = array<i32>} : memref<32x512xf32, #tpu.memory_space<vmem>>, vector<1x16xf32>,
        %get3A_334 = arith.index_cast %scan3A_145 : i32 to index
        %get3A_335 = arith.constant 160 : index
        %get3A_336 = tpu.vector_load %arg13[%get3A_334, %get3A_335] {strides = array<i32>} : memref<32x512xf32, #tpu.memory_space<vmem>>, vector<1x16xf32>,
        %get3A_337 = vector.shape_cast %get3A_336 : vector<1x16xf32> to vector<16xf32>
        %get3A_338 = arith.index_cast %scan3A_145 : i32 to index
        %get3A_339 = arith.constant 160 : index
        %get3A_340 = tpu.vector_load %arg14[%get3A_338, %get3A_339] {strides = array<i32>} : memref<32x512xf32, #tpu.memory_space<vmem>>, vector<1x16xf32>,
        %get3A_341 = vector.shape_cast %get3A_340 : vector<1x16xf32> to vector<16xf32>
        %add3A_342 = arith.addf %get3A_337, %get3A_341 : vector<16xf32>
        %get3A_343 = arith.index_cast %scan3A_145 : i32 to index
        %get3A_344 = arith.constant 160 : index
        %get3A_345 = tpu.vector_load %arg15[%get3A_343, %get3A_344] {strides = array<i32>} : memref<32x512xf32, #tpu.memory_space<vmem>>, vector<1x16xf32>,
        %get3A_346 = vector.shape_cast %get3A_345 : vector<1x16xf32> to vector<16xf32>
        %add3A_347 = arith.addf %add3A_342, %get3A_346 : vector<16xf32>
        %swap3A_348 = arith.index_cast %scan3A_145 : i32 to index
        %swap3A_349 = arith.constant 160 : index
        %swap3A_350 = tpu.vector_load %arg13[%swap3A_348, %swap3A_349] {strides = array<i32>} : memref<32x512xf32, #tpu.memory_space<vmem>>, vector<1x16xf32>,
        %swap3A_351 = vector.shape_cast %swap3A_350 : vector<1x16xf32> to vector<16xf32>
        %swap3A_352 = vector.shape_cast %add3A_347 : vector<16xf32> to vector<1x16xf32>
        tpu.vector_store %arg13[%swap3A_348, %swap3A_349], %swap3A_352 {strides = array<i32>} : memref<32x512xf32, #tpu.memory_space<vmem>>, vector<1x16xf32>,
        %get3A_353 = arith.index_cast %scan3A_145 : i32 to index
        %get3A_354 = arith.constant 176 : index
        %get3A_355 = tpu.vector_load %arg13[%get3A_353, %get3A_354] {strides = array<i32>} : memref<32x512xf32, #tpu.memory_space<vmem>>, vector<1x16xf32>,
        %get3A_356 = vector.shape_cast %get3A_355 : vector<1x16xf32> to vector<16xf32>
        %get3A_357 = arith.index_cast %scan3A_145 : i32 to index
        %get3A_358 = arith.constant 176 : index
        %get3A_359 = tpu.vector_load %arg14[%get3A_357, %get3A_358] {strides = array<i32>} : memref<32x512xf32, #tpu.memory_space<vmem>>, vector<1x16xf32>,
        %get3A_360 = vector.shape_cast %get3A_359 : vector<1x16xf32> to vector<16xf32>
        %add3A_361 = arith.addf %get3A_356, %get3A_360 : vector<16xf32>
        %get3A_362 = arith.index_cast %scan3A_145 : i32 to index
        %get3A_363 = arith.constant 176 : index
        %get3A_364 = tpu.vector_load %arg15[%get3A_362, %get3A_363] {strides = array<i32>} : memref<32x512xf32, #tpu.memory_space<vmem>>, vector<1x16xf32>,
        %get3A_365 = vector.shape_cast %get3A_364 : vector<1x16xf32> to vector<16xf32>
        %add3A_366 = arith.addf %add3A_361, %get3A_365 : vector<16xf32>
        %swap3A_367 = arith.index_cast %scan3A_145 : i32 to index
        %swap3A_368 = arith.constant 176 : index
        %swap3A_369 = tpu.vector_load %arg13[%swap3A_367, %swap3A_368] {strides = array<i32>} : memref<32x512xf32, #tpu.memory_space<vmem>>, vector<1x16xf32>,
        %swap3A_370 = vector.shape_cast %swap3A_369 : vector<1x16xf32> to vector<16xf32>
        %swap3A_371 = vector.shape_cast %add3A_366 : vector<16xf32> to vector<1x16xf32>
        tpu.vector_store %arg13[%swap3A_367, %swap3A_368], %swap3A_371 {strides = array<i32>} : memref<32x512xf32, #tpu.memory_space<vmem>>, vector<1x16xf32>,
        %get3A_372 = arith.index_cast %scan3A_145 : i32 to index
        %get3A_373 = arith.constant 192 : index
        %get3A_374 = tpu.vector_load %arg13[%get3A_372, %get3A_373] {strides = array<i32>} : memref<32x512xf32, #tpu.memory_space<vmem>>, vector<1x16xf32>,
        %get3A_375 = vector.shape_cast %get3A_374 : vector<1x16xf32> to vector<16xf32>
        %get3A_376 = arith.index_cast %scan3A_145 : i32 to index
        %get3A_377 = arith.constant 192 : index
        %get3A_378 = tpu.vector_load %arg14[%get3A_376, %get3A_377] {strides = array<i32>} : memref<32x512xf32, #tpu.memory_space<vmem>>, vector<1x16xf32>,
        %get3A_379 = vector.shape_cast %get3A_378 : vector<1x16xf32> to vector<16xf32>
        %add3A_380 = arith.addf %get3A_375, %get3A_379 : vector<16xf32>
        %get3A_381 = arith.index_cast %scan3A_145 : i32 to index
        %get3A_382 = arith.constant 192 : index
        %get3A_383 = tpu.vector_load %arg15[%get3A_381, %get3A_382] {strides = array<i32>} : memref<32x512xf32, #tpu.memory_space<vmem>>, vector<1x16xf32>,
        %get3A_384 = vector.shape_cast %get3A_383 : vector<1x16xf32> to vector<16xf32>
        %add3A_385 = arith.addf %add3A_380, %get3A_384 : vector<16xf32>
        %swap3A_386 = arith.index_cast %scan3A_145 : i32 to index
        %swap3A_387 = arith.constant 192 : index
        %swap3A_388 = tpu.vector_load %arg13[%swap3A_386, %swap3A_387] {strides = array<i32>} : memref<32x512xf32, #tpu.memory_space<vmem>>, vector<1x16xf32>,
        %swap3A_389 = vector.shape_cast %swap3A_388 : vector<1x16xf32> to vector<16xf32>
        %swap3A_390 = vector.shape_cast %add3A_385 : vector<16xf32> to vector<1x16xf32>
        tpu.vector_store %arg13[%swap3A_386, %swap3A_387], %swap3A_390 {strides = array<i32>} : memref<32x512xf32, #tpu.memory_space<vmem>>, vector<1x16xf32>,
        %get3A_391 = arith.index_cast %scan3A_145 : i32 to index
        %get3A_392 = arith.constant 208 : index
        %get3A_393 = tpu.vector_load %arg13[%get3A_391, %get3A_392] {strides = array<i32>} : memref<32x512xf32, #tpu.memory_space<vmem>>, vector<1x16xf32>,
        %get3A_394 = vector.shape_cast %get3A_393 : vector<1x16xf32> to vector<16xf32>
        %get3A_395 = arith.index_cast %scan3A_145 : i32 to index
        %get3A_396 = arith.constant 208 : index
        %get3A_397 = tpu.vector_load %arg14[%get3A_395, %get3A_396] {strides = array<i32>} : memref<32x512xf32, #tpu.memory_space<vmem>>, vector<1x16xf32>,
        %get3A_398 = vector.shape_cast %get3A_397 : vector<1x16xf32> to vector<16xf32>
        %add3A_399 = arith.addf %get3A_394, %get3A_398 : vector<16xf32>
        %get3A_400 = arith.index_cast %scan3A_145 : i32 to index
        %get3A_401 = arith.constant 208 : index
        %get3A_402 = tpu.vector_load %arg15[%get3A_400, %get3A_401] {strides = array<i32>} : memref<32x512xf32, #tpu.memory_space<vmem>>, vector<1x16xf32>,
        %get3A_403 = vector.shape_cast %get3A_402 : vector<1x16xf32> to vector<16xf32>
        %add3A_404 = arith.addf %add3A_399, %get3A_403 : vector<16xf32>
        %swap3A_405 = arith.index_cast %scan3A_145 : i32 to index
        %swap3A_406 = arith.constant 208 : index
        %swap3A_407 = tpu.vector_load %arg13[%swap3A_405, %swap3A_406] {strides = array<i32>} : memref<32x512xf32, #tpu.memory_space<vmem>>, vector<1x16xf32>,
        %swap3A_408 = vector.shape_cast %swap3A_407 : vector<1x16xf32> to vector<16xf32>
        %swap3A_409 = vector.shape_cast %add3A_404 : vector<16xf32> to vector<1x16xf32>
        tpu.vector_store %arg13[%swap3A_405, %swap3A_406], %swap3A_409 {strides = array<i32>} : memref<32x512xf32, #tpu.memory_space<vmem>>, vector<1x16xf32>,
        %get3A_410 = arith.index_cast %scan3A_145 : i32 to index
        %get3A_411 = arith.constant 224 : index
        %get3A_412 = tpu.vector_load %arg13[%get3A_410, %get3A_411] {strides = array<i32>} : memref<32x512xf32, #tpu.memory_space<vmem>>, vector<1x16xf32>,
        %get3A_413 = vector.shape_cast %get3A_412 : vector<1x16xf32> to vector<16xf32>
        %get3A_414 = arith.index_cast %scan3A_145 : i32 to index
        %get3A_415 = arith.constant 224 : index
        %get3A_416 = tpu.vector_load %arg14[%get3A_414, %get3A_415] {strides = array<i32>} : memref<32x512xf32, #tpu.memory_space<vmem>>, vector<1x16xf32>,
        %get3A_417 = vector.shape_cast %get3A_416 : vector<1x16xf32> to vector<16xf32>
        %add3A_418 = arith.addf %get3A_413, %get3A_417 : vector<16xf32>
        %get3A_419 = arith.index_cast %scan3A_145 : i32 to index
        %get3A_420 = arith.constant 224 : index
        %get3A_421 = tpu.vector_load %arg15[%get3A_419, %get3A_420] {strides = array<i32>} : memref<32x512xf32, #tpu.memory_space<vmem>>, vector<1x16xf32>,
        %get3A_422 = vector.shape_cast %get3A_421 : vector<1x16xf32> to vector<16xf32>
        %add3A_423 = arith.addf %add3A_418, %get3A_422 : vector<16xf32>
        %swap3A_424 = arith.index_cast %scan3A_145 : i32 to index
        %swap3A_425 = arith.constant 224 : index
        %swap3A_426 = tpu.vector_load %arg13[%swap3A_424, %swap3A_425] {strides = array<i32>} : memref<32x512xf32, #tpu.memory_space<vmem>>, vector<1x16xf32>,
        %swap3A_427 = vector.shape_cast %swap3A_426 : vector<1x16xf32> to vector<16xf32>
        %swap3A_428 = vector.shape_cast %add3A_423 : vector<16xf32> to vector<1x16xf32>
        tpu.vector_store %arg13[%swap3A_424, %swap3A_425], %swap3A_428 {strides = array<i32>} : memref<32x512xf32, #tpu.memory_space<vmem>>, vector<1x16xf32>,
        %get3A_429 = arith.index_cast %scan3A_145 : i32 to index
        %get3A_430 = arith.constant 240 : index
        %get3A_431 = tpu.vector_load %arg13[%get3A_429, %get3A_430] {strides = array<i32>} : memref<32x512xf32, #tpu.memory_space<vmem>>, vector<1x16xf32>,
        %get3A_432 = vector.shape_cast %get3A_431 : vector<1x16xf32> to vector<16xf32>
        %get3A_433 = arith.index_cast %scan3A_145 : i32 to index
        %get3A_434 = arith.constant 240 : index
        %get3A_435 = tpu.vector_load %arg14[%get3A_433, %get3A_434] {strides = array<i32>} : memref<32x512xf32, #tpu.memory_space<vmem>>, vector<1x16xf32>,
        %get3A_436 = vector.shape_cast %get3A_435 : vector<1x16xf32> to vector<16xf32>
        %add3A_437 = arith.addf %get3A_432, %get3A_436 : vector<16xf32>
        %get3A_438 = arith.index_cast %scan3A_145 : i32 to index
        %get3A_439 = arith.constant 240 : index
        %get3A_440 = tpu.vector_load %arg15[%get3A_438, %get3A_439] {strides = array<i32>} : memref<32x512xf32, #tpu.memory_space<vmem>>, vector<1x16xf32>,
        %get3A_441 = vector.shape_cast %get3A_440 : vector<1x16xf32> to vector<16xf32>
        %add3A_442 = arith.addf %add3A_437, %get3A_441 : vector<16xf32>
        %swap3A_443 = arith.index_cast %scan3A_145 : i32 to index
        %swap3A_444 = arith.constant 240 : index
        %swap3A_445 = tpu.vector_load %arg13[%swap3A_443, %swap3A_444] {strides = array<i32>} : memref<32x512xf32, #tpu.memory_space<vmem>>, vector<1x16xf32>,
        %swap3A_446 = vector.shape_cast %swap3A_445 : vector<1x16xf32> to vector<16xf32>
        %swap3A_447 = vector.shape_cast %add3A_442 : vector<16xf32> to vector<1x16xf32>
        tpu.vector_store %arg13[%swap3A_443, %swap3A_444], %swap3A_447 {strides = array<i32>} : memref<32x512xf32, #tpu.memory_space<vmem>>, vector<1x16xf32>,
        %get3A_448 = arith.index_cast %scan3A_145 : i32 to index
        %get3A_449 = arith.constant 256 : index
        %get3A_450 = tpu.vector_load %arg13[%get3A_448, %get3A_449] {strides = array<i32>} : memref<32x512xf32, #tpu.memory_space<vmem>>, vector<1x16xf32>,
        %get3A_451 = vector.shape_cast %get3A_450 : vector<1x16xf32> to vector<16xf32>
        %get3A_452 = arith.index_cast %scan3A_145 : i32 to index
        %get3A_453 = arith.constant 256 : index
        %get3A_454 = tpu.vector_load %arg14[%get3A_452, %get3A_453] {strides = array<i32>} : memref<32x512xf32, #tpu.memory_space<vmem>>, vector<1x16xf32>,
        %get3A_455 = vector.shape_cast %get3A_454 : vector<1x16xf32> to vector<16xf32>
        %add3A_456 = arith.addf %get3A_451, %get3A_455 : vector<16xf32>
        %get3A_457 = arith.index_cast %scan3A_145 : i32 to index
        %get3A_458 = arith.constant 256 : index
        %get3A_459 = tpu.vector_load %arg15[%get3A_457, %get3A_458] {strides = array<i32>} : memref<32x512xf32, #tpu.memory_space<vmem>>, vector<1x16xf32>,
        %get3A_460 = vector.shape_cast %get3A_459 : vector<1x16xf32> to vector<16xf32>
        %add3A_461 = arith.addf %add3A_456, %get3A_460 : vector<16xf32>
        %swap3A_462 = arith.index_cast %scan3A_145 : i32 to index
        %swap3A_463 = arith.constant 256 : index
        %swap3A_464 = tpu.vector_load %arg13[%swap3A_462, %swap3A_463] {strides = array<i32>} : memref<32x512xf32, #tpu.memory_space<vmem>>, vector<1x16xf32>,
        %swap3A_465 = vector.shape_cast %swap3A_464 : vector<1x16xf32> to vector<16xf32>
        %swap3A_466 = vector.shape_cast %add3A_461 : vector<16xf32> to vector<1x16xf32>
        tpu.vector_store %arg13[%swap3A_462, %swap3A_463], %swap3A_466 {strides = array<i32>} : memref<32x512xf32, #tpu.memory_space<vmem>>, vector<1x16xf32>,
        %get3A_467 = arith.index_cast %scan3A_145 : i32 to index
        %get3A_468 = arith.constant 272 : index
        %get3A_469 = tpu.vector_load %arg13[%get3A_467, %get3A_468] {strides = array<i32>} : memref<32x512xf32, #tpu.memory_space<vmem>>, vector<1x16xf32>,
        %get3A_470 = vector.shape_cast %get3A_469 : vector<1x16xf32> to vector<16xf32>
        %get3A_471 = arith.index_cast %scan3A_145 : i32 to index
        %get3A_472 = arith.constant 272 : index
        %get3A_473 = tpu.vector_load %arg14[%get3A_471, %get3A_472] {strides = array<i32>} : memref<32x512xf32, #tpu.memory_space<vmem>>, vector<1x16xf32>,
        %get3A_474 = vector.shape_cast %get3A_473 : vector<1x16xf32> to vector<16xf32>
        %add3A_475 = arith.addf %get3A_470, %get3A_474 : vector<16xf32>
        %get3A_476 = arith.index_cast %scan3A_145 : i32 to index
        %get3A_477 = arith.constant 272 : index
        %get3A_478 = tpu.vector_load %arg15[%get3A_476, %get3A_477] {strides = array<i32>} : memref<32x512xf32, #tpu.memory_space<vmem>>, vector<1x16xf32>,
        %get3A_479 = vector.shape_cast %get3A_478 : vector<1x16xf32> to vector<16xf32>
        %add3A_480 = arith.addf %add3A_475, %get3A_479 : vector<16xf32>
        %swap3A_481 = arith.index_cast %scan3A_145 : i32 to index
        %swap3A_482 = arith.constant 272 : index
        %swap3A_483 = tpu.vector_load %arg13[%swap3A_481, %swap3A_482] {strides = array<i32>} : memref<32x512xf32, #tpu.memory_space<vmem>>, vector<1x16xf32>,
        %swap3A_484 = vector.shape_cast %swap3A_483 : vector<1x16xf32> to vector<16xf32>
        %swap3A_485 = vector.shape_cast %add3A_480 : vector<16xf32> to vector<1x16xf32>
        tpu.vector_store %arg13[%swap3A_481, %swap3A_482], %swap3A_485 {strides = array<i32>} : memref<32x512xf32, #tpu.memory_space<vmem>>, vector<1x16xf32>,
        %get3A_486 = arith.index_cast %scan3A_145 : i32 to index
        %get3A_487 = arith.constant 288 : index
        %get3A_488 = tpu.vector_load %arg13[%get3A_486, %get3A_487] {strides = array<i32>} : memref<32x512xf32, #tpu.memory_space<vmem>>, vector<1x16xf32>,
        %get3A_489 = vector.shape_cast %get3A_488 : vector<1x16xf32> to vector<16xf32>
        %get3A_490 = arith.index_cast %scan3A_145 : i32 to index
        %get3A_491 = arith.constant 288 : index
        %get3A_492 = tpu.vector_load %arg14[%get3A_490, %get3A_491] {strides = array<i32>} : memref<32x512xf32, #tpu.memory_space<vmem>>, vector<1x16xf32>,
        %get3A_493 = vector.shape_cast %get3A_492 : vector<1x16xf32> to vector<16xf32>
        %add3A_494 = arith.addf %get3A_489, %get3A_493 : vector<16xf32>
        %get3A_495 = arith.index_cast %scan3A_145 : i32 to index
        %get3A_496 = arith.constant 288 : index
        %get3A_497 = tpu.vector_load %arg15[%get3A_495, %get3A_496] {strides = array<i32>} : memref<32x512xf32, #tpu.memory_space<vmem>>, vector<1x16xf32>,
        %get3A_498 = vector.shape_cast %get3A_497 : vector<1x16xf32> to vector<16xf32>
        %add3A_499 = arith.addf %add3A_494, %get3A_498 : vector<16xf32>
        %swap3A_500 = arith.index_cast %scan3A_145 : i32 to index
        %swap3A_501 = arith.constant 288 : index
        %swap3A_502 = tpu.vector_load %arg13[%swap3A_500, %swap3A_501] {strides = array<i32>} : memref<32x512xf32, #tpu.memory_space<vmem>>, vector<1x16xf32>,
        %swap3A_503 = vector.shape_cast %swap3A_502 : vector<1x16xf32> to vector<16xf32>
        %swap3A_504 = vector.shape_cast %add3A_499 : vector<16xf32> to vector<1x16xf32>
        tpu.vector_store %arg13[%swap3A_500, %swap3A_501], %swap3A_504 {strides = array<i32>} : memref<32x512xf32, #tpu.memory_space<vmem>>, vector<1x16xf32>,
        %get3A_505 = arith.index_cast %scan3A_145 : i32 to index
        %get3A_506 = arith.constant 304 : index
        %get3A_507 = tpu.vector_load %arg13[%get3A_505, %get3A_506] {strides = array<i32>} : memref<32x512xf32, #tpu.memory_space<vmem>>, vector<1x16xf32>,
        %get3A_508 = vector.shape_cast %get3A_507 : vector<1x16xf32> to vector<16xf32>
        %get3A_509 = arith.index_cast %scan3A_145 : i32 to index
        %get3A_510 = arith.constant 304 : index
        %get3A_511 = tpu.vector_load %arg14[%get3A_509, %get3A_510] {strides = array<i32>} : memref<32x512xf32, #tpu.memory_space<vmem>>, vector<1x16xf32>,
        %get3A_512 = vector.shape_cast %get3A_511 : vector<1x16xf32> to vector<16xf32>
        %add3A_513 = arith.addf %get3A_508, %get3A_512 : vector<16xf32>
        %get3A_514 = arith.index_cast %scan3A_145 : i32 to index
        %get3A_515 = arith.constant 304 : index
        %get3A_516 = tpu.vector_load %arg15[%get3A_514, %get3A_515] {strides = array<i32>} : memref<32x512xf32, #tpu.memory_space<vmem>>, vector<1x16xf32>,
        %get3A_517 = vector.shape_cast %get3A_516 : vector<1x16xf32> to vector<16xf32>
        %add3A_518 = arith.addf %add3A_513, %get3A_517 : vector<16xf32>
        %swap3A_519 = arith.index_cast %scan3A_145 : i32 to index
        %swap3A_520 = arith.constant 304 : index
        %swap3A_521 = tpu.vector_load %arg13[%swap3A_519, %swap3A_520] {strides = array<i32>} : memref<32x512xf32, #tpu.memory_space<vmem>>, vector<1x16xf32>,
        %swap3A_522 = vector.shape_cast %swap3A_521 : vector<1x16xf32> to vector<16xf32>
        %swap3A_523 = vector.shape_cast %add3A_518 : vector<16xf32> to vector<1x16xf32>
        tpu.vector_store %arg13[%swap3A_519, %swap3A_520], %swap3A_523 {strides = array<i32>} : memref<32x512xf32, #tpu.memory_space<vmem>>, vector<1x16xf32>,
        %get3A_524 = arith.index_cast %scan3A_145 : i32 to index
        %get3A_525 = arith.constant 320 : index
        %get3A_526 = tpu.vector_load %arg13[%get3A_524, %get3A_525] {strides = array<i32>} : memref<32x512xf32, #tpu.memory_space<vmem>>, vector<1x16xf32>,
        %get3A_527 = vector.shape_cast %get3A_526 : vector<1x16xf32> to vector<16xf32>
        %get3A_528 = arith.index_cast %scan3A_145 : i32 to index
        %get3A_529 = arith.constant 320 : index
        %get3A_530 = tpu.vector_load %arg14[%get3A_528, %get3A_529] {strides = array<i32>} : memref<32x512xf32, #tpu.memory_space<vmem>>, vector<1x16xf32>,
        %get3A_531 = vector.shape_cast %get3A_530 : vector<1x16xf32> to vector<16xf32>
        %add3A_532 = arith.addf %get3A_527, %get3A_531 : vector<16xf32>
        %get3A_533 = arith.index_cast %scan3A_145 : i32 to index
        %get3A_534 = arith.constant 320 : index
        %get3A_535 = tpu.vector_load %arg15[%get3A_533, %get3A_534] {strides = array<i32>} : memref<32x512xf32, #tpu.memory_space<vmem>>, vector<1x16xf32>,
        %get3A_536 = vector.shape_cast %get3A_535 : vector<1x16xf32> to vector<16xf32>
        %add3A_537 = arith.addf %add3A_532, %get3A_536 : vector<16xf32>
        %swap3A_538 = arith.index_cast %scan3A_145 : i32 to index
        %swap3A_539 = arith.constant 320 : index
        %swap3A_540 = tpu.vector_load %arg13[%swap3A_538, %swap3A_539] {strides = array<i32>} : memref<32x512xf32, #tpu.memory_space<vmem>>, vector<1x16xf32>,
        %swap3A_541 = vector.shape_cast %swap3A_540 : vector<1x16xf32> to vector<16xf32>
        %swap3A_542 = vector.shape_cast %add3A_537 : vector<16xf32> to vector<1x16xf32>
        tpu.vector_store %arg13[%swap3A_538, %swap3A_539], %swap3A_542 {strides = array<i32>} : memref<32x512xf32, #tpu.memory_space<vmem>>, vector<1x16xf32>,
        %get3A_543 = arith.index_cast %scan3A_145 : i32 to index
        %get3A_544 = arith.constant 336 : index
        %get3A_545 = tpu.vector_load %arg13[%get3A_543, %get3A_544] {strides = array<i32>} : memref<32x512xf32, #tpu.memory_space<vmem>>, vector<1x16xf32>,
        %get3A_546 = vector.shape_cast %get3A_545 : vector<1x16xf32> to vector<16xf32>
        %get3A_547 = arith.index_cast %scan3A_145 : i32 to index
        %get3A_548 = arith.constant 336 : index
        %get3A_549 = tpu.vector_load %arg14[%get3A_547, %get3A_548] {strides = array<i32>} : memref<32x512xf32, #tpu.memory_space<vmem>>, vector<1x16xf32>,
        %get3A_550 = vector.shape_cast %get3A_549 : vector<1x16xf32> to vector<16xf32>
        %add3A_551 = arith.addf %get3A_546, %get3A_550 : vector<16xf32>
        %get3A_552 = arith.index_cast %scan3A_145 : i32 to index
        %get3A_553 = arith.constant 336 : index
        %get3A_554 = tpu.vector_load %arg15[%get3A_552, %get3A_553] {strides = array<i32>} : memref<32x512xf32, #tpu.memory_space<vmem>>, vector<1x16xf32>,
        %get3A_555 = vector.shape_cast %get3A_554 : vector<1x16xf32> to vector<16xf32>
        %add3A_556 = arith.addf %add3A_551, %get3A_555 : vector<16xf32>
        %swap3A_557 = arith.index_cast %scan3A_145 : i32 to index
        %swap3A_558 = arith.constant 336 : index
        %swap3A_559 = tpu.vector_load %arg13[%swap3A_557, %swap3A_558] {strides = array<i32>} : memref<32x512xf32, #tpu.memory_space<vmem>>, vector<1x16xf32>,
        %swap3A_560 = vector.shape_cast %swap3A_559 : vector<1x16xf32> to vector<16xf32>
        %swap3A_561 = vector.shape_cast %add3A_556 : vector<16xf32> to vector<1x16xf32>
        tpu.vector_store %arg13[%swap3A_557, %swap3A_558], %swap3A_561 {strides = array<i32>} : memref<32x512xf32, #tpu.memory_space<vmem>>, vector<1x16xf32>,
        %get3A_562 = arith.index_cast %scan3A_145 : i32 to index
        %get3A_563 = arith.constant 352 : index
        %get3A_564 = tpu.vector_load %arg13[%get3A_562, %get3A_563] {strides = array<i32>} : memref<32x512xf32, #tpu.memory_space<vmem>>, vector<1x16xf32>,
        %get3A_565 = vector.shape_cast %get3A_564 : vector<1x16xf32> to vector<16xf32>
        %get3A_566 = arith.index_cast %scan3A_145 : i32 to index
        %get3A_567 = arith.constant 352 : index
        %get3A_568 = tpu.vector_load %arg14[%get3A_566, %get3A_567] {strides = array<i32>} : memref<32x512xf32, #tpu.memory_space<vmem>>, vector<1x16xf32>,
        %get3A_569 = vector.shape_cast %get3A_568 : vector<1x16xf32> to vector<16xf32>
        %add3A_570 = arith.addf %get3A_565, %get3A_569 : vector<16xf32>
        %get3A_571 = arith.index_cast %scan3A_145 : i32 to index
        %get3A_572 = arith.constant 352 : index
        %get3A_573 = tpu.vector_load %arg15[%get3A_571, %get3A_572] {strides = array<i32>} : memref<32x512xf32, #tpu.memory_space<vmem>>, vector<1x16xf32>,
        %get3A_574 = vector.shape_cast %get3A_573 : vector<1x16xf32> to vector<16xf32>
        %add3A_575 = arith.addf %add3A_570, %get3A_574 : vector<16xf32>
        %swap3A_576 = arith.index_cast %scan3A_145 : i32 to index
        %swap3A_577 = arith.constant 352 : index
        %swap3A_578 = tpu.vector_load %arg13[%swap3A_576, %swap3A_577] {strides = array<i32>} : memref<32x512xf32, #tpu.memory_space<vmem>>, vector<1x16xf32>,
        %swap3A_579 = vector.shape_cast %swap3A_578 : vector<1x16xf32> to vector<16xf32>
        %swap3A_580 = vector.shape_cast %add3A_575 : vector<16xf32> to vector<1x16xf32>
        tpu.vector_store %arg13[%swap3A_576, %swap3A_577], %swap3A_580 {strides = array<i32>} : memref<32x512xf32, #tpu.memory_space<vmem>>, vector<1x16xf32>,
        %get3A_581 = arith.index_cast %scan3A_145 : i32 to index
        %get3A_582 = arith.constant 368 : index
        %get3A_583 = tpu.vector_load %arg13[%get3A_581, %get3A_582] {strides = array<i32>} : memref<32x512xf32, #tpu.memory_space<vmem>>, vector<1x16xf32>,
        %get3A_584 = vector.shape_cast %get3A_583 : vector<1x16xf32> to vector<16xf32>
        %get3A_585 = arith.index_cast %scan3A_145 : i32 to index
        %get3A_586 = arith.constant 368 : index
        %get3A_587 = tpu.vector_load %arg14[%get3A_585, %get3A_586] {strides = array<i32>} : memref<32x512xf32, #tpu.memory_space<vmem>>, vector<1x16xf32>,
        %get3A_588 = vector.shape_cast %get3A_587 : vector<1x16xf32> to vector<16xf32>
        %add3A_589 = arith.addf %get3A_584, %get3A_588 : vector<16xf32>
        %get3A_590 = arith.index_cast %scan3A_145 : i32 to index
        %get3A_591 = arith.constant 368 : index
        %get3A_592 = tpu.vector_load %arg15[%get3A_590, %get3A_591] {strides = array<i32>} : memref<32x512xf32, #tpu.memory_space<vmem>>, vector<1x16xf32>,
        %get3A_593 = vector.shape_cast %get3A_592 : vector<1x16xf32> to vector<16xf32>
        %add3A_594 = arith.addf %add3A_589, %get3A_593 : vector<16xf32>
        %swap3A_595 = arith.index_cast %scan3A_145 : i32 to index
        %swap3A_596 = arith.constant 368 : index
        %swap3A_597 = tpu.vector_load %arg13[%swap3A_595, %swap3A_596] {strides = array<i32>} : memref<32x512xf32, #tpu.memory_space<vmem>>, vector<1x16xf32>,
        %swap3A_598 = vector.shape_cast %swap3A_597 : vector<1x16xf32> to vector<16xf32>
        %swap3A_599 = vector.shape_cast %add3A_594 : vector<16xf32> to vector<1x16xf32>
        tpu.vector_store %arg13[%swap3A_595, %swap3A_596], %swap3A_599 {strides = array<i32>} : memref<32x512xf32, #tpu.memory_space<vmem>>, vector<1x16xf32>,
        %get3A_600 = arith.index_cast %scan3A_145 : i32 to index
        %get3A_601 = arith.constant 384 : index
        %get3A_602 = tpu.vector_load %arg13[%get3A_600, %get3A_601] {strides = array<i32>} : memref<32x512xf32, #tpu.memory_space<vmem>>, vector<1x16xf32>,
        %get3A_603 = vector.shape_cast %get3A_602 : vector<1x16xf32> to vector<16xf32>
        %get3A_604 = arith.index_cast %scan3A_145 : i32 to index
        %get3A_605 = arith.constant 384 : index
        %get3A_606 = tpu.vector_load %arg14[%get3A_604, %get3A_605] {strides = array<i32>} : memref<32x512xf32, #tpu.memory_space<vmem>>, vector<1x16xf32>,
        %get3A_607 = vector.shape_cast %get3A_606 : vector<1x16xf32> to vector<16xf32>
        %add3A_608 = arith.addf %get3A_603, %get3A_607 : vector<16xf32>
        %get3A_609 = arith.index_cast %scan3A_145 : i32 to index
        %get3A_610 = arith.constant 384 : index
        %get3A_611 = tpu.vector_load %arg15[%get3A_609, %get3A_610] {strides = array<i32>} : memref<32x512xf32, #tpu.memory_space<vmem>>, vector<1x16xf32>,
        %get3A_612 = vector.shape_cast %get3A_611 : vector<1x16xf32> to vector<16xf32>
        %add3A_613 = arith.addf %add3A_608, %get3A_612 : vector<16xf32>
        %swap3A_614 = arith.index_cast %scan3A_145 : i32 to index
        %swap3A_615 = arith.constant 384 : index
        %swap3A_616 = tpu.vector_load %arg13[%swap3A_614, %swap3A_615] {strides = array<i32>} : memref<32x512xf32, #tpu.memory_space<vmem>>, vector<1x16xf32>,
        %swap3A_617 = vector.shape_cast %swap3A_616 : vector<1x16xf32> to vector<16xf32>
        %swap3A_618 = vector.shape_cast %add3A_613 : vector<16xf32> to vector<1x16xf32>
        tpu.vector_store %arg13[%swap3A_614, %swap3A_615], %swap3A_618 {strides = array<i32>} : memref<32x512xf32, #tpu.memory_space<vmem>>, vector<1x16xf32>,
        %get3A_619 = arith.index_cast %scan3A_145 : i32 to index
        %get3A_620 = arith.constant 400 : index
        %get3A_621 = tpu.vector_load %arg13[%get3A_619, %get3A_620] {strides = array<i32>} : memref<32x512xf32, #tpu.memory_space<vmem>>, vector<1x16xf32>,
        %get3A_622 = vector.shape_cast %get3A_621 : vector<1x16xf32> to vector<16xf32>
        %get3A_623 = arith.index_cast %scan3A_145 : i32 to index
        %get3A_624 = arith.constant 400 : index
        %get3A_625 = tpu.vector_load %arg14[%get3A_623, %get3A_624] {strides = array<i32>} : memref<32x512xf32, #tpu.memory_space<vmem>>, vector<1x16xf32>,
        %get3A_626 = vector.shape_cast %get3A_625 : vector<1x16xf32> to vector<16xf32>
        %add3A_627 = arith.addf %get3A_622, %get3A_626 : vector<16xf32>
        %get3A_628 = arith.index_cast %scan3A_145 : i32 to index
        %get3A_629 = arith.constant 400 : index
        %get3A_630 = tpu.vector_load %arg15[%get3A_628, %get3A_629] {strides = array<i32>} : memref<32x512xf32, #tpu.memory_space<vmem>>, vector<1x16xf32>,
        %get3A_631 = vector.shape_cast %get3A_630 : vector<1x16xf32> to vector<16xf32>
        %add3A_632 = arith.addf %add3A_627, %get3A_631 : vector<16xf32>
        %swap3A_633 = arith.index_cast %scan3A_145 : i32 to index
        %swap3A_634 = arith.constant 400 : index
        %swap3A_635 = tpu.vector_load %arg13[%swap3A_633, %swap3A_634] {strides = array<i32>} : memref<32x512xf32, #tpu.memory_space<vmem>>, vector<1x16xf32>,
        %swap3A_636 = vector.shape_cast %swap3A_635 : vector<1x16xf32> to vector<16xf32>
        %swap3A_637 = vector.shape_cast %add3A_632 : vector<16xf32> to vector<1x16xf32>
        tpu.vector_store %arg13[%swap3A_633, %swap3A_634], %swap3A_637 {strides = array<i32>} : memref<32x512xf32, #tpu.memory_space<vmem>>, vector<1x16xf32>,
        %get3A_638 = arith.index_cast %scan3A_145 : i32 to index
        %get3A_639 = arith.constant 416 : index
        %get3A_640 = tpu.vector_load %arg13[%get3A_638, %get3A_639] {strides = array<i32>} : memref<32x512xf32, #tpu.memory_space<vmem>>, vector<1x16xf32>,
        %get3A_641 = vector.shape_cast %get3A_640 : vector<1x16xf32> to vector<16xf32>
        %get3A_642 = arith.index_cast %scan3A_145 : i32 to index
        %get3A_643 = arith.constant 416 : index
        %get3A_644 = tpu.vector_load %arg14[%get3A_642, %get3A_643] {strides = array<i32>} : memref<32x512xf32, #tpu.memory_space<vmem>>, vector<1x16xf32>,
        %get3A_645 = vector.shape_cast %get3A_644 : vector<1x16xf32> to vector<16xf32>
        %add3A_646 = arith.addf %get3A_641, %get3A_645 : vector<16xf32>
        %get3A_647 = arith.index_cast %scan3A_145 : i32 to index
        %get3A_648 = arith.constant 416 : index
        %get3A_649 = tpu.vector_load %arg15[%get3A_647, %get3A_648] {strides = array<i32>} : memref<32x512xf32, #tpu.memory_space<vmem>>, vector<1x16xf32>,
        %get3A_650 = vector.shape_cast %get3A_649 : vector<1x16xf32> to vector<16xf32>
        %add3A_651 = arith.addf %add3A_646, %get3A_650 : vector<16xf32>
        %swap3A_652 = arith.index_cast %scan3A_145 : i32 to index
        %swap3A_653 = arith.constant 416 : index
        %swap3A_654 = tpu.vector_load %arg13[%swap3A_652, %swap3A_653] {strides = array<i32>} : memref<32x512xf32, #tpu.memory_space<vmem>>, vector<1x16xf32>,
        %swap3A_655 = vector.shape_cast %swap3A_654 : vector<1x16xf32> to vector<16xf32>
        %swap3A_656 = vector.shape_cast %add3A_651 : vector<16xf32> to vector<1x16xf32>
        tpu.vector_store %arg13[%swap3A_652, %swap3A_653], %swap3A_656 {strides = array<i32>} : memref<32x512xf32, #tpu.memory_space<vmem>>, vector<1x16xf32>,
        %get3A_657 = arith.index_cast %scan3A_145 : i32 to index
        %get3A_658 = arith.constant 432 : index
        %get3A_659 = tpu.vector_load %arg13[%get3A_657, %get3A_658] {strides = array<i32>} : memref<32x512xf32, #tpu.memory_space<vmem>>, vector<1x16xf32>,
        %get3A_660 = vector.shape_cast %get3A_659 : vector<1x16xf32> to vector<16xf32>
        %get3A_661 = arith.index_cast %scan3A_145 : i32 to index
        %get3A_662 = arith.constant 432 : index
        %get3A_663 = tpu.vector_load %arg14[%get3A_661, %get3A_662] {strides = array<i32>} : memref<32x512xf32, #tpu.memory_space<vmem>>, vector<1x16xf32>,
        %get3A_664 = vector.shape_cast %get3A_663 : vector<1x16xf32> to vector<16xf32>
        %add3A_665 = arith.addf %get3A_660, %get3A_664 : vector<16xf32>
        %get3A_666 = arith.index_cast %scan3A_145 : i32 to index
        %get3A_667 = arith.constant 432 : index
        %get3A_668 = tpu.vector_load %arg15[%get3A_666, %get3A_667] {strides = array<i32>} : memref<32x512xf32, #tpu.memory_space<vmem>>, vector<1x16xf32>,
        %get3A_669 = vector.shape_cast %get3A_668 : vector<1x16xf32> to vector<16xf32>
        %add3A_670 = arith.addf %add3A_665, %get3A_669 : vector<16xf32>
        %swap3A_671 = arith.index_cast %scan3A_145 : i32 to index
        %swap3A_672 = arith.constant 432 : index
        %swap3A_673 = tpu.vector_load %arg13[%swap3A_671, %swap3A_672] {strides = array<i32>} : memref<32x512xf32, #tpu.memory_space<vmem>>, vector<1x16xf32>,
        %swap3A_674 = vector.shape_cast %swap3A_673 : vector<1x16xf32> to vector<16xf32>
        %swap3A_675 = vector.shape_cast %add3A_670 : vector<16xf32> to vector<1x16xf32>
        tpu.vector_store %arg13[%swap3A_671, %swap3A_672], %swap3A_675 {strides = array<i32>} : memref<32x512xf32, #tpu.memory_space<vmem>>, vector<1x16xf32>,
        %get3A_676 = arith.index_cast %scan3A_145 : i32 to index
        %get3A_677 = arith.constant 448 : index
        %get3A_678 = tpu.vector_load %arg13[%get3A_676, %get3A_677] {strides = array<i32>} : memref<32x512xf32, #tpu.memory_space<vmem>>, vector<1x16xf32>,
        %get3A_679 = vector.shape_cast %get3A_678 : vector<1x16xf32> to vector<16xf32>
        %get3A_680 = arith.index_cast %scan3A_145 : i32 to index
        %get3A_681 = arith.constant 448 : index
        %get3A_682 = tpu.vector_load %arg14[%get3A_680, %get3A_681] {strides = array<i32>} : memref<32x512xf32, #tpu.memory_space<vmem>>, vector<1x16xf32>,
        %get3A_683 = vector.shape_cast %get3A_682 : vector<1x16xf32> to vector<16xf32>
        %add3A_684 = arith.addf %get3A_679, %get3A_683 : vector<16xf32>
        %get3A_685 = arith.index_cast %scan3A_145 : i32 to index
        %get3A_686 = arith.constant 448 : index
        %get3A_687 = tpu.vector_load %arg15[%get3A_685, %get3A_686] {strides = array<i32>} : memref<32x512xf32, #tpu.memory_space<vmem>>, vector<1x16xf32>,
        %get3A_688 = vector.shape_cast %get3A_687 : vector<1x16xf32> to vector<16xf32>
        %add3A_689 = arith.addf %add3A_684, %get3A_688 : vector<16xf32>
        %swap3A_690 = arith.index_cast %scan3A_145 : i32 to index
        %swap3A_691 = arith.constant 448 : index
        %swap3A_692 = tpu.vector_load %arg13[%swap3A_690, %swap3A_691] {strides = array<i32>} : memref<32x512xf32, #tpu.memory_space<vmem>>, vector<1x16xf32>,
        %swap3A_693 = vector.shape_cast %swap3A_692 : vector<1x16xf32> to vector<16xf32>
        %swap3A_694 = vector.shape_cast %add3A_689 : vector<16xf32> to vector<1x16xf32>
        tpu.vector_store %arg13[%swap3A_690, %swap3A_691], %swap3A_694 {strides = array<i32>} : memref<32x512xf32, #tpu.memory_space<vmem>>, vector<1x16xf32>,
        %get3A_695 = arith.index_cast %scan3A_145 : i32 to index
        %get3A_696 = arith.constant 464 : index
        %get3A_697 = tpu.vector_load %arg13[%get3A_695, %get3A_696] {strides = array<i32>} : memref<32x512xf32, #tpu.memory_space<vmem>>, vector<1x16xf32>,
        %get3A_698 = vector.shape_cast %get3A_697 : vector<1x16xf32> to vector<16xf32>
        %get3A_699 = arith.index_cast %scan3A_145 : i32 to index
        %get3A_700 = arith.constant 464 : index
        %get3A_701 = tpu.vector_load %arg14[%get3A_699, %get3A_700] {strides = array<i32>} : memref<32x512xf32, #tpu.memory_space<vmem>>, vector<1x16xf32>,
        %get3A_702 = vector.shape_cast %get3A_701 : vector<1x16xf32> to vector<16xf32>
        %add3A_703 = arith.addf %get3A_698, %get3A_702 : vector<16xf32>
        %get3A_704 = arith.index_cast %scan3A_145 : i32 to index
        %get3A_705 = arith.constant 464 : index
        %get3A_706 = tpu.vector_load %arg15[%get3A_704, %get3A_705] {strides = array<i32>} : memref<32x512xf32, #tpu.memory_space<vmem>>, vector<1x16xf32>,
        %get3A_707 = vector.shape_cast %get3A_706 : vector<1x16xf32> to vector<16xf32>
        %add3A_708 = arith.addf %add3A_703, %get3A_707 : vector<16xf32>
        %swap3A_709 = arith.index_cast %scan3A_145 : i32 to index
        %swap3A_710 = arith.constant 464 : index
        %swap3A_711 = tpu.vector_load %arg13[%swap3A_709, %swap3A_710] {strides = array<i32>} : memref<32x512xf32, #tpu.memory_space<vmem>>, vector<1x16xf32>,
        %swap3A_712 = vector.shape_cast %swap3A_711 : vector<1x16xf32> to vector<16xf32>
        %swap3A_713 = vector.shape_cast %add3A_708 : vector<16xf32> to vector<1x16xf32>
        tpu.vector_store %arg13[%swap3A_709, %swap3A_710], %swap3A_713 {strides = array<i32>} : memref<32x512xf32, #tpu.memory_space<vmem>>, vector<1x16xf32>,
        %get3A_714 = arith.index_cast %scan3A_145 : i32 to index
        %get3A_715 = arith.constant 480 : index
        %get3A_716 = tpu.vector_load %arg13[%get3A_714, %get3A_715] {strides = array<i32>} : memref<32x512xf32, #tpu.memory_space<vmem>>, vector<1x16xf32>,
        %get3A_717 = vector.shape_cast %get3A_716 : vector<1x16xf32> to vector<16xf32>
        %get3A_718 = arith.index_cast %scan3A_145 : i32 to index
        %get3A_719 = arith.constant 480 : index
        %get3A_720 = tpu.vector_load %arg14[%get3A_718, %get3A_719] {strides = array<i32>} : memref<32x512xf32, #tpu.memory_space<vmem>>, vector<1x16xf32>,
        %get3A_721 = vector.shape_cast %get3A_720 : vector<1x16xf32> to vector<16xf32>
        %add3A_722 = arith.addf %get3A_717, %get3A_721 : vector<16xf32>
        %get3A_723 = arith.index_cast %scan3A_145 : i32 to index
        %get3A_724 = arith.constant 480 : index
        %get3A_725 = tpu.vector_load %arg15[%get3A_723, %get3A_724] {strides = array<i32>} : memref<32x512xf32, #tpu.memory_space<vmem>>, vector<1x16xf32>,
        %get3A_726 = vector.shape_cast %get3A_725 : vector<1x16xf32> to vector<16xf32>
        %add3A_727 = arith.addf %add3A_722, %get3A_726 : vector<16xf32>
        %swap3A_728 = arith.index_cast %scan3A_145 : i32 to index
        %swap3A_729 = arith.constant 480 : index
        %swap3A_730 = tpu.vector_load %arg13[%swap3A_728, %swap3A_729] {strides = array<i32>} : memref<32x512xf32, #tpu.memory_space<vmem>>, vector<1x16xf32>,
        %swap3A_731 = vector.shape_cast %swap3A_730 : vector<1x16xf32> to vector<16xf32>
        %swap3A_732 = vector.shape_cast %add3A_727 : vector<16xf32> to vector<1x16xf32>
        tpu.vector_store %arg13[%swap3A_728, %swap3A_729], %swap3A_732 {strides = array<i32>} : memref<32x512xf32, #tpu.memory_space<vmem>>, vector<1x16xf32>,
        %get3A_733 = arith.index_cast %scan3A_145 : i32 to index
        %get3A_734 = arith.constant 496 : index
        %get3A_735 = tpu.vector_load %arg13[%get3A_733, %get3A_734] {strides = array<i32>} : memref<32x512xf32, #tpu.memory_space<vmem>>, vector<1x16xf32>,
        %get3A_736 = vector.shape_cast %get3A_735 : vector<1x16xf32> to vector<16xf32>
        %get3A_737 = arith.index_cast %scan3A_145 : i32 to index
        %get3A_738 = arith.constant 496 : index
        %get3A_739 = tpu.vector_load %arg14[%get3A_737, %get3A_738] {strides = array<i32>} : memref<32x512xf32, #tpu.memory_space<vmem>>, vector<1x16xf32>,
        %get3A_740 = vector.shape_cast %get3A_739 : vector<1x16xf32> to vector<16xf32>
        %add3A_741 = arith.addf %get3A_736, %get3A_740 : vector<16xf32>
        %get3A_742 = arith.index_cast %scan3A_145 : i32 to index
        %get3A_743 = arith.constant 496 : index
        %get3A_744 = tpu.vector_load %arg15[%get3A_742, %get3A_743] {strides = array<i32>} : memref<32x512xf32, #tpu.memory_space<vmem>>, vector<1x16xf32>,
        %get3A_745 = vector.shape_cast %get3A_744 : vector<1x16xf32> to vector<16xf32>
        %add3A_746 = arith.addf %add3A_741, %get3A_745 : vector<16xf32>
        %swap3A_747 = arith.index_cast %scan3A_145 : i32 to index
        %swap3A_748 = arith.constant 496 : index
        %swap3A_749 = tpu.vector_load %arg13[%swap3A_747, %swap3A_748] {strides = array<i32>} : memref<32x512xf32, #tpu.memory_space<vmem>>, vector<1x16xf32>,
        %swap3A_750 = vector.shape_cast %swap3A_749 : vector<1x16xf32> to vector<16xf32>
        %swap3A_751 = vector.shape_cast %add3A_746 : vector<16xf32> to vector<1x16xf32>
        tpu.vector_store %arg13[%swap3A_747, %swap3A_748], %swap3A_751 {strides = array<i32>} : memref<32x512xf32, #tpu.memory_space<vmem>>, vector<1x16xf32>,
      }
      %scan3A_133 = arith.constant 32 : i32
      %add3A_134 = arith.constant 1 : i32
      %add3A_135 = arith.addi %mul3A_66, %add3A_134 : i32
      %mul3A_136 = arith.constant 32 : i32
      %mul3A_137 = arith.muli %add3A_135, %mul3A_136 : i32
      %add3A_138 = arith.addi %mul3A_2, %mul3A_137 : i32
      %dma_start3A_139 = arith.constant 0 : i32
      %dma_start3A_140 = tpu.memref_slice %arg8[%add3A_138, %dma_start3A_139] : memref<51200x512xf32, #tpu.memory_space<hbm>> -> memref<32x512xf32, #tpu.memory_space<hbm>>
      %dma_start3A_141 = arith.constant 0 : i32
      %dma_start3A_142 = tpu.memref_slice %arg8[%add3A_138, %dma_start3A_141] : memref<51200x512xf32, #tpu.memory_space<hbm>> -> memref<32x512xf32, #tpu.memory_space<hbm>>
      tpu.enqueue_dma source(%arg13 : memref<32x512xf32, #tpu.memory_space<vmem>>) target(%dma_start3A_142 : memref<32x512xf32, #tpu.memory_space<hbm>>) target_semaphore(%arg19 : memref<!tpu.dma_semaphore, #tpu.memory_space<semaphore_mem>>)
      %lt3A = arith.constant 24 : i32
      %lt3A_143 = arith.cmpi slt, %scan3A_64, %lt3A : i32
      %convert_element_type3A = arith.extui %lt3A_143 : i1 to i32
      %cond3A = arith.constant 0 : i32
      %cond3A_144 = arith.cmpi ne, %convert_element_type3A, %cond3A : i32
      scf.if %cond3A_144 {
        %dma_wait3A_145 = arith.constant 0 : i32
        %dma_wait3A_146 = tpu.memref_slice %arg8[%mul3A_2, %dma_wait3A_145] : memref<51200x512xf32, #tpu.memory_space<hbm>> -> memref<32x512xf32, #tpu.memory_space<hbm>>
        %dma_wait3A_147 = arith.constant 0 : i32
        %dma_wait3A_148 = tpu.memref_slice %arg8[%mul3A_2, %dma_wait3A_147] : memref<51200x512xf32, #tpu.memory_space<hbm>> -> memref<32x512xf32, #tpu.memory_space<hbm>>
        tpu.wait_dma2 semaphore(%arg18 : memref<!tpu.dma_semaphore, #tpu.memory_space<semaphore_mem>>) src(%arg10 : memref<32x512xf32, #tpu.memory_space<vmem>>) dst(%dma_wait3A_148 : memref<32x512xf32, #tpu.memory_space<hbm>>)
        %add3A_149 = arith.constant 2 : i32
        %add3A_150 = arith.addi %mul3A_66, %add3A_149 : i32
        %dma_start3A_151 = arith.constant 0 : i32
        %dma_start3A_152 = arith.constant 0 : i32
        %dma_start3A_153 = tpu.memref_slice %arg9[%dma_start3A_151, %add3A_150, %dma_start3A_152] : memref<3x50x32xi32, #tpu.memory_space<vmem>> -> memref<1x1x32xi32, #tpu.memory_space<vmem>>
        %dma_start3A_154 = tpu.memref_squeeze %dma_start3A_153 : memref<1x1x32xi32, #tpu.memory_space<vmem>> -> memref<32xi32, #tpu.memory_space<vmem>>
        %dma_start3A_155 = arith.constant 0 : i32
        %dma_start3A_156 = arith.constant 0 : i32
        %dma_start3A_157 = tpu.memref_slice %arg5[%dma_start3A_155, %dma_start3A_156] : memref<512x512xf32, #tpu.memory_space<hbm>> -> memref<512x512xf32, #tpu.memory_space<hbm>>
        tpu.enqueue_indirect_dma source(%dma_start3A_157 : memref<512x512xf32, #tpu.memory_space<hbm>>) target(%arg10 : memref<32x512xf32, #tpu.memory_space<vmem>>) offsets(%dma_start3A_154 : memref<32xi32, #tpu.memory_space<vmem>>) semaphore(%arg16 : memref<!tpu.dma_semaphore, #tpu.memory_space<semaphore_mem>>)
        %dma_start3A_158 = arith.constant 1 : i32
        %dma_start3A_159 = arith.constant 0 : i32
        %dma_start3A_160 = tpu.memref_slice %arg9[%dma_start3A_158, %add3A_150, %dma_start3A_159] : memref<3x50x32xi32, #tpu.memory_space<vmem>> -> memref<1x1x32xi32, #tpu.memory_space<vmem>>
        %dma_start3A_161 = tpu.memref_squeeze %dma_start3A_160 : memref<1x1x32xi32, #tpu.memory_space<vmem>> -> memref<32xi32, #tpu.memory_space<vmem>>
        %dma_start3A_162 = arith.constant 0 : i32
        %dma_start3A_163 = arith.constant 0 : i32
        %dma_start3A_164 = tpu.memref_slice %arg6[%dma_start3A_162, %dma_start3A_163] : memref<3584x512xf32, #tpu.memory_space<hbm>> -> memref<3584x512xf32, #tpu.memory_space<hbm>>
        tpu.enqueue_indirect_dma source(%dma_start3A_164 : memref<3584x512xf32, #tpu.memory_space<hbm>>) target(%arg11 : memref<32x512xf32, #tpu.memory_space<vmem>>) offsets(%dma_start3A_161 : memref<32xi32, #tpu.memory_space<vmem>>) semaphore(%arg16 : memref<!tpu.dma_semaphore, #tpu.memory_space<semaphore_mem>>)
        %dma_start3A_165 = arith.constant 2 : i32
        %dma_start3A_166 = arith.constant 0 : i32
        %dma_start3A_167 = tpu.memref_slice %arg9[%dma_start3A_165, %add3A_150, %dma_start3A_166] : memref<3x50x32xi32, #tpu.memory_space<vmem>> -> memref<1x1x32xi32, #tpu.memory_space<vmem>>
        %dma_start3A_168 = tpu.memref_squeeze %dma_start3A_167 : memref<1x1x32xi32, #tpu.memory_space<vmem>> -> memref<32xi32, #tpu.memory_space<vmem>>
        %dma_start3A_169 = arith.constant 0 : i32
        %dma_start3A_170 = arith.constant 0 : i32
        %dma_start3A_171 = tpu.memref_slice %arg7[%dma_start3A_169, %dma_start3A_170] : memref<24576x512xf32, #tpu.memory_space<hbm>> -> memref<24576x512xf32, #tpu.memory_space<hbm>>
        tpu.enqueue_indirect_dma source(%dma_start3A_171 : memref<24576x512xf32, #tpu.memory_space<hbm>>) target(%arg12 : memref<32x512xf32, #tpu.memory_space<vmem>>) offsets(%dma_start3A_168 : memref<32xi32, #tpu.memory_space<vmem>>) semaphore(%arg16 : memref<!tpu.dma_semaphore, #tpu.memory_space<semaphore_mem>>)
        %dma_wait3A_172 = arith.constant 0 : i32
        %dma_wait3A_173 = tpu.memref_slice %arg8[%mul3A_2, %dma_wait3A_172] : memref<51200x512xf32, #tpu.memory_space<hbm>> -> memref<32x512xf32, #tpu.memory_space<hbm>>
        %dma_wait3A_174 = arith.constant 0 : i32
        %dma_wait3A_175 = tpu.memref_slice %arg8[%mul3A_2, %dma_wait3A_174] : memref<51200x512xf32, #tpu.memory_space<hbm>> -> memref<32x512xf32, #tpu.memory_space<hbm>>
        tpu.wait_dma2 semaphore(%arg19 : memref<!tpu.dma_semaphore, #tpu.memory_space<semaphore_mem>>) src(%arg13 : memref<32x512xf32, #tpu.memory_space<vmem>>) dst(%dma_wait3A_175 : memref<32x512xf32, #tpu.memory_space<hbm>>)
        %add3A_176 = arith.constant 3 : i32
        %add3A_177 = arith.addi %mul3A_66, %add3A_176 : i32
        %dma_start3A_178 = arith.constant 0 : i32
        %dma_start3A_179 = arith.constant 0 : i32
        %dma_start3A_180 = tpu.memref_slice %arg9[%dma_start3A_178, %add3A_177, %dma_start3A_179] : memref<3x50x32xi32, #tpu.memory_space<vmem>> -> memref<1x1x32xi32, #tpu.memory_space<vmem>>
        %dma_start3A_181 = tpu.memref_squeeze %dma_start3A_180 : memref<1x1x32xi32, #tpu.memory_space<vmem>> -> memref<32xi32, #tpu.memory_space<vmem>>
        %dma_start3A_182 = arith.constant 0 : i32
        %dma_start3A_183 = arith.constant 0 : i32
        %dma_start3A_184 = tpu.memref_slice %arg5[%dma_start3A_182, %dma_start3A_183] : memref<512x512xf32, #tpu.memory_space<hbm>> -> memref<512x512xf32, #tpu.memory_space<hbm>>
        tpu.enqueue_indirect_dma source(%dma_start3A_184 : memref<512x512xf32, #tpu.memory_space<hbm>>) target(%arg13 : memref<32x512xf32, #tpu.memory_space<vmem>>) offsets(%dma_start3A_181 : memref<32xi32, #tpu.memory_space<vmem>>) semaphore(%arg17 : memref<!tpu.dma_semaphore, #tpu.memory_space<semaphore_mem>>)
        %dma_start3A_185 = arith.constant 1 : i32
        %dma_start3A_186 = arith.constant 0 : i32
        %dma_start3A_187 = tpu.memref_slice %arg9[%dma_start3A_185, %add3A_177, %dma_start3A_186] : memref<3x50x32xi32, #tpu.memory_space<vmem>> -> memref<1x1x32xi32, #tpu.memory_space<vmem>>
        %dma_start3A_188 = tpu.memref_squeeze %dma_start3A_187 : memref<1x1x32xi32, #tpu.memory_space<vmem>> -> memref<32xi32, #tpu.memory_space<vmem>>
        %dma_start3A_189 = arith.constant 0 : i32
        %dma_start3A_190 = arith.constant 0 : i32
        %dma_start3A_191 = tpu.memref_slice %arg6[%dma_start3A_189, %dma_start3A_190] : memref<3584x512xf32, #tpu.memory_space<hbm>> -> memref<3584x512xf32, #tpu.memory_space<hbm>>
        tpu.enqueue_indirect_dma source(%dma_start3A_191 : memref<3584x512xf32, #tpu.memory_space<hbm>>) target(%arg14 : memref<32x512xf32, #tpu.memory_space<vmem>>) offsets(%dma_start3A_188 : memref<32xi32, #tpu.memory_space<vmem>>) semaphore(%arg17 : memref<!tpu.dma_semaphore, #tpu.memory_space<semaphore_mem>>)
        %dma_start3A_192 = arith.constant 2 : i32
        %dma_start3A_193 = arith.constant 0 : i32
        %dma_start3A_194 = tpu.memref_slice %arg9[%dma_start3A_192, %add3A_177, %dma_start3A_193] : memref<3x50x32xi32, #tpu.memory_space<vmem>> -> memref<1x1x32xi32, #tpu.memory_space<vmem>>
        %dma_start3A_195 = tpu.memref_squeeze %dma_start3A_194 : memref<1x1x32xi32, #tpu.memory_space<vmem>> -> memref<32xi32, #tpu.memory_space<vmem>>
        %dma_start3A_196 = arith.constant 0 : i32
        %dma_start3A_197 = arith.constant 0 : i32
        %dma_start3A_198 = tpu.memref_slice %arg7[%dma_start3A_196, %dma_start3A_197] : memref<24576x512xf32, #tpu.memory_space<hbm>> -> memref<24576x512xf32, #tpu.memory_space<hbm>>
        tpu.enqueue_indirect_dma source(%dma_start3A_198 : memref<24576x512xf32, #tpu.memory_space<hbm>>) target(%arg15 : memref<32x512xf32, #tpu.memory_space<vmem>>) offsets(%dma_start3A_195 : memref<32xi32, #tpu.memory_space<vmem>>) semaphore(%arg17 : memref<!tpu.dma_semaphore, #tpu.memory_space<semaphore_mem>>)
      } else {
      }
    }
    %scan3A_56 = arith.constant 25 : i32
    %dma_wait3A = arith.constant 0 : i32
    %dma_wait3A_57 = tpu.memref_slice %arg8[%mul3A_2, %dma_wait3A] : memref<51200x512xf32, #tpu.memory_space<hbm>> -> memref<32x512xf32, #tpu.memory_space<hbm>>
    %dma_wait3A_58 = arith.constant 0 : i32
    %dma_wait3A_59 = tpu.memref_slice %arg8[%mul3A_2, %dma_wait3A_58] : memref<51200x512xf32, #tpu.memory_space<hbm>> -> memref<32x512xf32, #tpu.memory_space<hbm>>
    tpu.wait_dma2 semaphore(%arg18 : memref<!tpu.dma_semaphore, #tpu.memory_space<semaphore_mem>>) src(%arg10 : memref<32x512xf32, #tpu.memory_space<vmem>>) dst(%dma_wait3A_59 : memref<32x512xf32, #tpu.memory_space<hbm>>)
    %dma_wait3A_60 = arith.constant 0 : i32
    %dma_wait3A_61 = tpu.memref_slice %arg8[%mul3A_2, %dma_wait3A_60] : memref<51200x512xf32, #tpu.memory_space<hbm>> -> memref<32x512xf32, #tpu.memory_space<hbm>>
    %dma_wait3A_62 = arith.constant 0 : i32
    %dma_wait3A_63 = tpu.memref_slice %arg8[%mul3A_2, %dma_wait3A_62] : memref<51200x512xf32, #tpu.memory_space<hbm>> -> memref<32x512xf32, #tpu.memory_space<hbm>>
    tpu.wait_dma2 semaphore(%arg19 : memref<!tpu.dma_semaphore, #tpu.memory_space<semaphore_mem>>) src(%arg13 : memref<32x512xf32, #tpu.memory_space<vmem>>) dst(%dma_wait3A_63 : memref<32x512xf32, #tpu.memory_space<hbm>>)
    return
  }
}

module attributes {stable_mosaic.version = 14 : i64} {
  func.func @_idx_body(%arg0: memref<400x128xi32, #tpu.memory_space<vmem>>, %arg1: memref<400x128xi32, #tpu.memory_space<vmem>>, %arg2: memref<400x128xi32, #tpu.memory_space<vmem>>, %arg3: memref<400x128xi32, #tpu.memory_space<vmem>>, %arg4: memref<400x128xi32, #tpu.memory_space<vmem>>, %arg5: memref<400x128xi32, #tpu.memory_space<vmem>>, %arg6: memref<400x128xi32, #tpu.memory_space<vmem>>, %arg7: memref<400x128xi32, #tpu.memory_space<vmem>>) attributes {dimension_semantics = [], scalar_prefetch = 0 : i64, scratch_operands = 0 : i64, tpu.core_type = #tpu.core_type<tc>} {
    %iota3A = tpu.iota {dimensions = array<i32: 0>} : vector<400x128xi32>
    %iota3A_0 = tpu.iota {dimensions = array<i32: 1>} : vector<400x128xi32>
    %mul3A = arith.constant 128 : i32
    %mul3A_1 = vector.broadcast %mul3A : i32 to vector<400x128xi32>
    %mul3A_2 = arith.muli %iota3A, %mul3A_1 : vector<400x128xi32>
    %add3A = arith.addi %mul3A_2, %iota3A_0 : vector<400x128xi32>
    %rem3A = arith.constant 50 : i32
    %rem3A_3 = vector.broadcast %rem3A : i32 to vector<400x128xi32>
    %rem3A_4 = arith.remsi %add3A, %rem3A_3 : vector<400x128xi32>
    %get3A = arith.constant 0 : index
    %get3A_5 = arith.constant 0 : index
    %get3A_6 = vector.load %arg0[%get3A, %get3A_5] : memref<400x128xi32, #tpu.memory_space<vmem>>, vector<400x128xi32>
    %mul3A_7 = arith.constant 32 : i32
    %mul3A_8 = vector.broadcast %mul3A_7 : i32 to vector<400x128xi32>
    %mul3A_9 = arith.muli %get3A_6, %mul3A_8 : vector<400x128xi32>
    %get3A_10 = arith.constant 0 : index
    %get3A_11 = arith.constant 0 : index
    %get3A_12 = vector.load %arg4[%get3A_10, %get3A_11] : memref<400x128xi32, #tpu.memory_space<vmem>>, vector<400x128xi32>
    %add3A_13 = arith.addi %mul3A_9, %get3A_12 : vector<400x128xi32>
    %swap3A = arith.constant 0 : index
    %swap3A_14 = arith.constant 0 : index
    %swap3A_15 = vector.load %arg5[%swap3A, %swap3A_14] : memref<400x128xi32, #tpu.memory_space<vmem>>, vector<400x128xi32>
    tpu.vector_store %arg5[%swap3A, %swap3A_14], %add3A_13 {strides = array<i32>} : memref<400x128xi32, #tpu.memory_space<vmem>>, vector<400x128xi32>,
    %get3A_16 = arith.constant 0 : index
    %get3A_17 = arith.constant 0 : index
    %get3A_18 = vector.load %arg1[%get3A_16, %get3A_17] : memref<400x128xi32, #tpu.memory_space<vmem>>, vector<400x128xi32>
    %mul3A_19 = arith.constant 56 : i32
    %mul3A_20 = vector.broadcast %mul3A_19 : i32 to vector<400x128xi32>
    %mul3A_21 = arith.muli %get3A_18, %mul3A_20 : vector<400x128xi32>
    %add3A_22 = arith.addi %mul3A_21, %rem3A_4 : vector<400x128xi32>
    %swap3A_23 = arith.constant 0 : index
    %swap3A_24 = arith.constant 0 : index
    %swap3A_25 = vector.load %arg6[%swap3A_23, %swap3A_24] : memref<400x128xi32, #tpu.memory_space<vmem>>, vector<400x128xi32>
    tpu.vector_store %arg6[%swap3A_23, %swap3A_24], %add3A_22 {strides = array<i32>} : memref<400x128xi32, #tpu.memory_space<vmem>>, vector<400x128xi32>,
    %get3A_26 = arith.constant 0 : index
    %get3A_27 = arith.constant 0 : index
    %get3A_28 = vector.load %arg2[%get3A_26, %get3A_27] : memref<400x128xi32, #tpu.memory_space<vmem>>, vector<400x128xi32>
    %mul3A_29 = arith.constant 96 : i32
    %mul3A_30 = vector.broadcast %mul3A_29 : i32 to vector<400x128xi32>
    %mul3A_31 = arith.muli %get3A_28, %mul3A_30 : vector<400x128xi32>
    %get3A_32 = arith.constant 0 : index
    %get3A_33 = arith.constant 0 : index
    %get3A_34 = vector.load %arg3[%get3A_32, %get3A_33] : memref<400x128xi32, #tpu.memory_space<vmem>>, vector<400x128xi32>
    %add3A_35 = arith.addi %mul3A_31, %get3A_34 : vector<400x128xi32>
    %swap3A_36 = arith.constant 0 : index
    %swap3A_37 = arith.constant 0 : index
    %swap3A_38 = vector.load %arg7[%swap3A_36, %swap3A_37] : memref<400x128xi32, #tpu.memory_space<vmem>>, vector<400x128xi32>
    tpu.vector_store %arg7[%swap3A_36, %swap3A_37], %add3A_35 {strides = array<i32>} : memref<400x128xi32, #tpu.memory_space<vmem>>, vector<400x128xi32>,
    return
  }
}

module attributes {stable_mosaic.version = 14 : i64} {
  func.func @_prep_body(%arg0: memref<16x512xf32, #tpu.memory_space<vmem>>, %arg1: memref<64x512xf32, #tpu.memory_space<vmem>>, %arg2: memref<256x512xf32, #tpu.memory_space<vmem>>, %arg3: memref<96x512xf32, #tpu.memory_space<vmem>>, %arg4: memref<32x512xf32, #tpu.memory_space<vmem>>, %arg5: memref<512x2560xf32, #tpu.memory_space<vmem>>, %arg6: memref<512xf32, #tpu.memory_space<vmem>>, %arg7: memref<50x512xf32, #tpu.memory_space<vmem>>, %arg8: memref<16x32x512xf32, #tpu.memory_space<vmem>>, %arg9: memref<64x56x512xf32, #tpu.memory_space<vmem>>, %arg10: memref<256x512xf32, #tpu.memory_space<vmem>>, %arg11: memref<96x512xf32, #tpu.memory_space<vmem>>) attributes {dimension_semantics = [], scalar_prefetch = 0 : i64, scratch_operands = 0 : i64, tpu.core_type = #tpu.core_type<tc>} {
    %get3A = arith.constant 0 : index
    %get3A_0 = arith.constant 0 : index
    %get3A_1 = vector.load %arg5[%get3A, %get3A_0] : memref<512x2560xf32, #tpu.memory_space<vmem>>, vector<512x512xf32>
    %get3A_2 = arith.constant 0 : index
    %get3A_3 = arith.constant 0 : index
    %get3A_4 = vector.load %arg0[%get3A_2, %get3A_3] : memref<16x512xf32, #tpu.memory_space<vmem>>, vector<16x512xf32>
    %dot_general3A = arith.constant dense<0.000000e+00> : vector<16x512xf32>
    %dot_general3A_5 = tpu.matmul %get3A_4, %get3A_1, %dot_general3A {dimension_numbers = #tpu.dot_dimension_numbers<[1], [1], [0], [0], [0, 0, 1, 0], [], []>, transpose_lhs_hint = false} : vector<16x512xf32>, vector<512x512xf32>, vector<16x512xf32> -> vector<16x512xf32>
    %get3A_6 = arith.constant 0 : index
    %get3A_7 = arith.constant 2048 : index
    %get3A_8 = vector.load %arg5[%get3A_6, %get3A_7] : memref<512x2560xf32, #tpu.memory_space<vmem>>, vector<512x512xf32>
    %get3A_9 = arith.constant 0 : index
    %get3A_10 = arith.constant 0 : index
    %get3A_11 = vector.load %arg4[%get3A_9, %get3A_10] : memref<32x512xf32, #tpu.memory_space<vmem>>, vector<32x512xf32>
    %dot_general3A_12 = arith.constant dense<0.000000e+00> : vector<32x512xf32>
    %dot_general3A_13 = tpu.matmul %get3A_11, %get3A_8, %dot_general3A_12 {dimension_numbers = #tpu.dot_dimension_numbers<[1], [1], [0], [0], [0, 0, 1, 0], [], []>, transpose_lhs_hint = false} : vector<32x512xf32>, vector<512x512xf32>, vector<32x512xf32> -> vector<32x512xf32>
    %broadcast_in_dim3A = vector.shape_cast %dot_general3A_5 : vector<16x512xf32> to vector<16x1x512xf32>
    %broadcast_in_dim3A_14 = vector.shape_cast %dot_general3A_13 : vector<32x512xf32> to vector<1x32x512xf32>
    %add3A = vector.broadcast %broadcast_in_dim3A : vector<16x1x512xf32> to vector<16x32x512xf32>
    %add3A_15 = vector.broadcast %broadcast_in_dim3A_14 : vector<1x32x512xf32> to vector<16x32x512xf32>
    %add3A_16 = arith.addf %add3A, %add3A_15 : vector<16x32x512xf32>
    %swap3A = arith.constant 0 : index
    %swap3A_17 = arith.constant 0 : index
    %swap3A_18 = arith.constant 0 : index
    %swap3A_19 = vector.load %arg8[%swap3A, %swap3A_17, %swap3A_18] : memref<16x32x512xf32, #tpu.memory_space<vmem>>, vector<16x32x512xf32>
    tpu.vector_store %arg8[%swap3A, %swap3A_17, %swap3A_18], %add3A_16 {strides = array<i32>} : memref<16x32x512xf32, #tpu.memory_space<vmem>>, vector<16x32x512xf32>,
    %get3A_20 = arith.constant 0 : index
    %get3A_21 = arith.constant 512 : index
    %get3A_22 = vector.load %arg5[%get3A_20, %get3A_21] : memref<512x2560xf32, #tpu.memory_space<vmem>>, vector<512x512xf32>
    %get3A_23 = arith.constant 0 : index
    %get3A_24 = arith.constant 0 : index
    %get3A_25 = vector.load %arg1[%get3A_23, %get3A_24] : memref<64x512xf32, #tpu.memory_space<vmem>>, vector<64x512xf32>
    %dot_general3A_26 = arith.constant dense<0.000000e+00> : vector<64x512xf32>
    %dot_general3A_27 = tpu.matmul %get3A_25, %get3A_22, %dot_general3A_26 {dimension_numbers = #tpu.dot_dimension_numbers<[1], [1], [0], [0], [0, 0, 1, 0], [], []>, transpose_lhs_hint = false} : vector<64x512xf32>, vector<512x512xf32>, vector<64x512xf32> -> vector<64x512xf32>
    %get3A_28 = arith.constant 0 : index
    %get3A_29 = arith.constant 0 : index
    %get3A_30 = vector.load %arg7[%get3A_28, %get3A_29] : memref<50x512xf32, #tpu.memory_space<vmem>>, vector<50x512xf32>
    %get3A_31 = arith.constant 0 : index
    %get3A_32 = vector.load %arg6[%get3A_31] : memref<512xf32, #tpu.memory_space<vmem>>, vector<512xf32>
    %broadcast_in_dim3A_33 = vector.shape_cast %get3A_32 : vector<512xf32> to vector<1x512xf32>
    %add3A_34 = vector.broadcast %broadcast_in_dim3A_33 : vector<1x512xf32> to vector<50x512xf32>
    %add3A_35 = arith.addf %get3A_30, %add3A_34 : vector<50x512xf32>
    %broadcast_in_dim3A_36 = arith.constant 0.000000e+00 : f32
    %broadcast_in_dim3A_37 = vector.broadcast %broadcast_in_dim3A_36 : f32 to vector<6x512xf32>
    %concatenate3A = tpu.concatenate %add3A_35, %broadcast_in_dim3A_37 in 0 : vector<50x512xf32>, vector<6x512xf32> -> vector<56x512xf32>
    %broadcast_in_dim3A_38 = vector.shape_cast %dot_general3A_27 : vector<64x512xf32> to vector<64x1x512xf32>
    %broadcast_in_dim3A_39 = vector.shape_cast %concatenate3A : vector<56x512xf32> to vector<1x56x512xf32>
    %add3A_40 = vector.broadcast %broadcast_in_dim3A_38 : vector<64x1x512xf32> to vector<64x56x512xf32>
    %add3A_41 = vector.broadcast %broadcast_in_dim3A_39 : vector<1x56x512xf32> to vector<64x56x512xf32>
    %add3A_42 = arith.addf %add3A_40, %add3A_41 : vector<64x56x512xf32>
    %swap3A_43 = arith.constant 0 : index
    %swap3A_44 = arith.constant 0 : index
    %swap3A_45 = arith.constant 0 : index
    %swap3A_46 = vector.load %arg9[%swap3A_43, %swap3A_44, %swap3A_45] : memref<64x56x512xf32, #tpu.memory_space<vmem>>, vector<64x56x512xf32>
    tpu.vector_store %arg9[%swap3A_43, %swap3A_44, %swap3A_45], %add3A_42 {strides = array<i32>} : memref<64x56x512xf32, #tpu.memory_space<vmem>>, vector<64x56x512xf32>,
    %get3A_47 = arith.constant 0 : index
    %get3A_48 = arith.constant 1024 : index
    %get3A_49 = vector.load %arg5[%get3A_47, %get3A_48] : memref<512x2560xf32, #tpu.memory_space<vmem>>, vector<512x512xf32>
    %get3A_50 = arith.constant 0 : index
    %get3A_51 = arith.constant 0 : index
    %get3A_52 = vector.load %arg2[%get3A_50, %get3A_51] : memref<256x512xf32, #tpu.memory_space<vmem>>, vector<256x512xf32>
    %dot_general3A_53 = arith.constant dense<0.000000e+00> : vector<256x512xf32>
    %dot_general3A_54 = tpu.matmul %get3A_52, %get3A_49, %dot_general3A_53 {dimension_numbers = #tpu.dot_dimension_numbers<[1], [1], [0], [0], [0, 0, 1, 0], [], []>, transpose_lhs_hint = false} : vector<256x512xf32>, vector<512x512xf32>, vector<256x512xf32> -> vector<256x512xf32>
    %swap3A_55 = arith.constant 0 : index
    %swap3A_56 = arith.constant 0 : index
    %swap3A_57 = vector.load %arg10[%swap3A_55, %swap3A_56] : memref<256x512xf32, #tpu.memory_space<vmem>>, vector<256x512xf32>
    tpu.vector_store %arg10[%swap3A_55, %swap3A_56], %dot_general3A_54 {strides = array<i32>} : memref<256x512xf32, #tpu.memory_space<vmem>>, vector<256x512xf32>,
    %get3A_58 = arith.constant 0 : index
    %get3A_59 = arith.constant 1536 : index
    %get3A_60 = vector.load %arg5[%get3A_58, %get3A_59] : memref<512x2560xf32, #tpu.memory_space<vmem>>, vector<512x512xf32>
    %get3A_61 = arith.constant 0 : index
    %get3A_62 = arith.constant 0 : index
    %get3A_63 = vector.load %arg3[%get3A_61, %get3A_62] : memref<96x512xf32, #tpu.memory_space<vmem>>, vector<96x512xf32>
    %dot_general3A_64 = arith.constant dense<0.000000e+00> : vector<96x512xf32>
    %dot_general3A_65 = tpu.matmul %get3A_63, %get3A_60, %dot_general3A_64 {dimension_numbers = #tpu.dot_dimension_numbers<[1], [1], [0], [0], [0, 0, 1, 0], [], []>, transpose_lhs_hint = false} : vector<96x512xf32>, vector<512x512xf32>, vector<96x512xf32> -> vector<96x512xf32>
    %swap3A_66 = arith.constant 0 : index
    %swap3A_67 = arith.constant 0 : index
    %swap3A_68 = vector.load %arg11[%swap3A_66, %swap3A_67] : memref<96x512xf32, #tpu.memory_space<vmem>>, vector<96x512xf32>
    tpu.vector_store %arg11[%swap3A_66, %swap3A_67], %dot_general3A_65 {strides = array<i32>} : memref<96x512xf32, #tpu.memory_space<vmem>>, vector<96x512xf32>,
    return
  }
}

module attributes {stable_mosaic.version = 14 : i64} {
  func.func @_t3_body(%arg0: i32, %arg1: memref<32x512xf32, #tpu.memory_space<vmem>>, %arg2: memref<96x512xf32, #tpu.memory_space<vmem>>, %arg3: memref<32x96x512xf32, #tpu.memory_space<vmem>>) attributes {dimension_semantics = [#tpu.dimension_semantics<arbitrary>], iteration_bounds = array<i64: 8>, scalar_prefetch = 0 : i64, scratch_operands = 0 : i64, tpu.core_type = #tpu.core_type<tc>, window_params = [{transform_indices = @transform_0, window_bounds = array<i64: 32, 512>}, {pipeline_mode = #tpu.pipeline_mode<synchronous>, transform_indices = @transform_1, window_bounds = array<i64: 96, 512>}, {transform_indices = @transform_2, window_bounds = array<i64: 32, 96, 512>}]} {
    %get3A = arith.constant 0 : index
    %get3A_0 = arith.constant 0 : index
    %get3A_1 = vector.load %arg1[%get3A, %get3A_0] : memref<32x512xf32, #tpu.memory_space<vmem>>, vector<32x512xf32>
    %broadcast_in_dim3A = vector.shape_cast %get3A_1 : vector<32x512xf32> to vector<32x1x512xf32>
    %get3A_2 = arith.constant 0 : index
    %get3A_3 = arith.constant 0 : index
    %get3A_4 = vector.load %arg2[%get3A_2, %get3A_3] : memref<96x512xf32, #tpu.memory_space<vmem>>, vector<96x512xf32>
    %broadcast_in_dim3A_5 = vector.shape_cast %get3A_4 : vector<96x512xf32> to vector<1x96x512xf32>
    %add3A = vector.broadcast %broadcast_in_dim3A : vector<32x1x512xf32> to vector<32x96x512xf32>
    %add3A_6 = vector.broadcast %broadcast_in_dim3A_5 : vector<1x96x512xf32> to vector<32x96x512xf32>
    %add3A_7 = arith.addf %add3A, %add3A_6 : vector<32x96x512xf32>
    %swap3A = arith.constant 0 : index
    %swap3A_8 = arith.constant 0 : index
    %swap3A_9 = arith.constant 0 : index
    %swap3A_10 = vector.load %arg3[%swap3A, %swap3A_8, %swap3A_9] : memref<32x96x512xf32, #tpu.memory_space<vmem>>, vector<32x96x512xf32>
    tpu.vector_store %arg3[%swap3A, %swap3A_8, %swap3A_9], %add3A_7 {strides = array<i32>} : memref<32x96x512xf32, #tpu.memory_space<vmem>>, vector<32x96x512xf32>,
    return
  }
  func.func @transform_0(%arg0: i32) -> (i32, i32) {
    %c0_i32 = arith.constant 0 : i32
    %c0_i32_0 = arith.constant 0 : i32
    return %arg0, %c0_i32 : i32, i32
  }
  func.func @transform_1(%arg0: i32) -> (i32, i32) {
    %c0_i32 = arith.constant 0 : i32
    %c0_i32_0 = arith.constant 0 : i32
    %c0_i32_1 = arith.constant 0 : i32
    return %c0_i32, %c0_i32_0 : i32, i32
  }
  func.func @transform_2(%arg0: i32) -> (i32, i32, i32) {
    %c0_i32 = arith.constant 0 : i32
    %c0_i32_0 = arith.constant 0 : i32
    %c0_i32_1 = arith.constant 0 : i32
    return %arg0, %c0_i32, %c0_i32_0 : i32, i32, i32
  }
}

</mosaic_0001>

<sc_bundles>
// kernel: kernel.6.cloned.1.call-start
scs
__scs_entry_jumppad:
0x0: {  	(pc) =	sbr.rel $0x88, $3  }
0x1: {  	(tag) =	ssettag $0x0;
	lr =	simm.s32 $0x1  }
0x2: {  	[smem:$0x3F95] =	sst lr;
	_ =	strace $0xD0000000  }
0x3: {  	_ = 	snop  }
0x4: {  	_ = 	snop  }
0x5: {  	_ = 	snop  }
0x6: {  	_ = 	snop  }
0x7: {  	_ = 	snop  }
__scs_overlays_trampoline_lowered:
0x8: {  	[smem:$0x3FA4] =	sst s0  }
0x9: {  	[smem:$0x3FA5] =	sst s1  }
0xa: {  	[smem:$0x3FA6] =	sst s2  }
0xb: {  	[smem:$0x3FA7] =	sst s3  }
0xc: {  	[smem:$0x3FA8] =	sst s4  }
0xd: {  	[smem:$0x3FA9] =	sst s5  }
0xe: {  	[smem:$0x3FAA] =	sst s6  }
0xf: {  	[smem:$0x3FAB] =	sst s7  }
0x10: {  	[smem:$0x3FAC] =	sst s8  }
0x11: {  	[smem:$0x3FAD] =	sst s9;
	s0 =	simm.s32 @!p0 $0x0  }
0x12: {  	s1 =	sld [smem:$0x3F93];
	s0 =	simm.s32 @p0 $0x1  }
0x13: {  	[smem:$0x3FAE] =	sst s0;
	s0 =	simm.s32 @!p1 $0x0  }
0x14: {  	s2 =	sld [smem:$0x3F92];
	s0 =	simm.s32 @p1 $0x1  }
0x15: {  	[smem:$0x3FAF] =	sst s0;
	s0 =	simm.s32 @!p2 $0x0  }
0x16: {  	s3 =	sld [smem:$0x3FDB];
	s0 =	simm.s32 @p2 $0x1  }
0x17: {  	s4 =	simm.s32 $0x1BF5;
	[smem:$0x3FB1] =	sst s0  }
0x18: {  	s0 =	sld [smem:$0x3F94];
	_ =	swait.ge [sflag:s4], $0x0  }
0x19: {  	s7 =	sld [smem:$0x3F95]  }
0x1a: {  	s8 =	sadd.s32 $0xFFFFE003, lr  }
0x1b: {  	s9 =	sadd.s32 $0xFFFFFEF7, lr;
	s5 =	simm.s32 $0xFFFFFFFF;
	p2 =	slt.u32 s8, $0xFFFFF086  }
0x1c: {  	p1 =	slt.u32 s9, $0xF7A;
	s5 =	simm.s32 @!p2 $0x0  }
0x1d: {  	s5 =	simm.s32 @p1 $0x1;
	p0 =	seq.s32 s7, s2  }
0x1e: {  	s7 =	smul.u32 @!p0 $0xF7A, s2;
	p2 =	seq.s32 @!p0 s5, $0x0  }
0x1f: {  	s9 =	smul.u32 $0xF7A, s1;
	s8 =	simm.s32 @!p0 $0x1BF5;
	p2 =	por !p2, p0  }
0x20: {  	[sflag:s8] =	ssyncset.s32 @!p0 $0xFFFFF086;
	s6 =	sadd.s32 @!p0 s3, s7;
	s7 =	simm.s32 @!p0 $0x108  }
0x21: {  	s3 =	sadd.s32 s3, s9;
	s6 =	sadd.s32 @!p0 $0x88, s6;
	s7 =	simm.s32 @p2 $0x1082  }
0x22: {  	[simem:s7], [sflag:s8] =	dma.local @!p0 [hbm:s6], $0xF7A  }
0x23: {  	s9 =	sor.u32 $0xD0000000, s2;
	s6 =	simm.s32 $0x108;
	_ =	swait.ge @!p0 [sflag:s8], $0x0  }
0x24: {  	s3 =	sadd.s32 $0x88, s3;
	s6 =	simm.s32 @!p1 $0x1082;
	[sflag:s4] =	ssyncset.s32 $0xFFFFF086  }
0x25: {  	[simem:s6], [sflag:s4] =	dma.local [hbm:s3], $0xF7A  }
0x26: {  	[smem:$0x3F95] =	sst s1;
	(tag) =	ssettag s2;
	_ =	strace s9  }
0x27: {  	s1 =	sld [smem:$0x3FA5]  }
0x28: {  	s2 =	sld [smem:$0x3FA6]  }
0x29: {  	s4 =	sld [smem:$0x3FA8]  }
0x2a: {  	p0 =	seq.s32 s5, $0x0;
	s5 =	sld [smem:$0x3FA9]  }
0x2b: {  	s6 =	sld [smem:$0x3FAA]  }
0x2c: {  	s7 =	sld [smem:$0x3FAB]  }
0x2d: {  	s3 =	simm.s32 $0x108;
	s8 =	sld [smem:$0x3FAC]  }
0x2e: {  	s3 =	simm.s32 @!p0 $0x1082;
	s9 =	sld [smem:$0x3FAD]  }
0x2f: {  	lr =	sadd.s32 s0, s3;
	s0 =	sld [smem:$0x3FA4]  }
0x30: {  	s3 =	sld [smem:$0x3FA7]  }
0x31: {  	[smem:$0x3FB0] =	sst s10  }
0x32: {  	s10 =	sld [smem:$0x3FAE];
	_ =	sdelay $0x3  }
0x33: {  	p0 =	seq.s32 s10, $0x1;
	s10 =	sld [smem:$0x3FB0];
	_ =	sdelay $0x3  }
0x34: {  	[smem:$0x3FB0] =	sst s10  }
0x35: {  	s10 =	sld [smem:$0x3FAF];
	_ =	sdelay $0x3  }
0x36: {  	p1 =	seq.s32 s10, $0x1;
	s10 =	sld [smem:$0x3FB0];
	_ =	sdelay $0x3  }
0x37: {  	[smem:$0x3FB0] =	sst s10  }
0x38: {  	s10 =	sld [smem:$0x3FB1]  }
0x39: {  	_ = 	snop;
	(pc) =	sbr.ind lr, $3  }
0x3a: {  	_ = 	snop  }
0x3b: {  	_ = 	snop  }
0x3c: {  	p2 =	seq.s32 s10, $0x1;
	s10 =	sld [smem:$0x3FB0]  }
0x3d: {  	_ =	shalt  }
0x3e: {  	_ =	shalt  }
0x3f: {  	_ =	shalt  }
0x40: {  	_ =	shalt  }
0x41: {  	_ =	shalt  }
0x42: {  	_ =	shalt  }
0x43: {  	_ =	shalt  }
0x44: {  	_ =	shalt  }
0x45: {  	_ =	shalt  }
0x46: {  	_ =	shalt  }
0x47: {  	_ =	shalt  }
0x48: {  	_ =	shalt  }
0x49: {  	_ =	shalt  }
0x4a: {  	_ =	shalt  }
0x4b: {  	_ =	shalt  }
0x4c: {  	_ =	shalt  }
0x4d: {  	_ =	shalt  }
0x4e: {  	_ =	shalt  }
0x4f: {  	_ =	shalt  }
0x50: {  	_ =	shalt  }
0x51: {  	_ =	shalt  }
0x52: {  	_ =	shalt  }
0x53: {  	_ =	shalt  }
0x54: {  	_ =	shalt  }
0x55: {  	_ =	shalt  }
0x56: {  	_ =	shalt  }
0x57: {  	_ =	shalt  }
0x58: {  	_ =	shalt  }
0x59: {  	_ =	shalt  }
0x5a: {  	_ =	shalt  }
0x5b: {  	_ =	shalt  }
0x5c: {  	_ =	shalt  }
0x5d: {  	_ =	shalt  }
0x5e: {  	_ =	shalt  }
0x5f: {  	_ =	shalt  }
0x60: {  	_ =	shalt  }
0x61: {  	_ =	shalt  }
0x62: {  	_ =	shalt  }
0x63: {  	_ =	shalt  }
0x64: {  	_ =	shalt  }
0x65: {  	_ =	shalt  }
0x66: {  	_ =	shalt  }
0x67: {  	_ =	shalt  }
0x68: {  	_ =	shalt  }
0x69: {  	_ =	shalt  }
0x6a: {  	_ =	shalt  }
0x6b: {  	_ =	shalt  }
0x6c: {  	_ =	shalt  }
0x6d: {  	_ =	shalt  }
0x6e: {  	_ =	shalt  }
0x6f: {  	_ =	shalt  }
0x70: {  	_ =	shalt  }
0x71: {  	_ =	shalt  }
0x72: {  	_ =	shalt  }
0x73: {  	_ =	shalt  }
0x74: {  	_ =	shalt  }
0x75: {  	_ =	shalt  }
0x76: {  	_ =	shalt  }
0x77: {  	_ =	shalt  }
0x78: {  	_ =	shalt  }
0x79: {  	_ =	shalt  }
0x7a: {  	_ =	shalt  }
0x7b: {  	_ =	shalt  }
0x7c: {  	_ =	shalt  }
0x7d: {  	_ =	shalt  }
0x7e: {  	_ =	shalt  }
0x7f: {  	_ =	shalt  }
0x80: {  	_ =	shalt  }
0x81: {  	_ =	shalt  }
0x82: {  	_ =	shalt  }
0x83: {  	_ =	shalt  }
0x84: {  	_ =	shalt  }
0x85: {  	_ =	shalt  }
0x86: {  	_ =	shalt  }
0x87: {  	_ =	shalt  }
.Lfunc_end0:
.L_simem_size_0:
called_computation.1_lowered:
.L_overlay_start_0:
0x88: {  	s2 =	sld [smem:$0x3FD9]  }
0x89: {  	s3 =	sld [smem:$0x3FFE];
	_ =	sdelay $0x1  }
0x8a: {  	s1 =	srdreg.scid  }
0x8b: {  	s0 =	sand.u32 $0x1, s1  }
0x8c: {  	s17 =	sshll.u32 s0, $0xA;
	s2 =	sadd.s32 s3, s2  }
0x8d: {  	s2 =	sadd.s32 s2, s17  }
0x8e: {  	[smem:$0x3FBC] =	sst s2  }
0x8f: {  	_ = 	snop  }
0x90: {  	s2 =	sld [smem:$0x3FD0];
	(tm) =	ssettm $0x1  }
0x91: {  	s18 =	sld [smem:$0x3FFB];
	_ =	sdelay $0x3  }
0x92: {  	_ =	strace s18  }
0x93: {  	s3 =	sld [smem:$0x3FFC];
	_ =	sdelay $0x3  }
0x94: {  	_ =	strace s3  }
0x95: {  	s3 =	sld [smem:$0x3FFD];
	_ =	sdelay $0x3  }
0x96: {  	_ =	strace s3  }
0x97: {  	_ =	strace $0x8FFFFFFF  }
0x98: {  	s19 =	sld [smem:$0x3FDB];
	_ =	sdelay $0x1  }
0x99: {  	s4 =	simm.s32 $_scs_section_size  }
0x9a: {  	s5 =	simm.s32 $_size__tile_overlayer_lowered;
	s6 =	simm.s32 $_tile_overlayer_lowered  }
0x9b: {  	s22 =	simm.s32 $0x1BFF;
	s21 =	sshll.u32 s6, $0x1;
	s3 =	sadd.s32 s4, s19  }
0x9c: {  	s7 =	simm.s32 $0x0;
	s20 =	sshll.u32 s5, $0x1;
	s5 =	sadd.s32 s21, s3  }
0x9d: {  	[timem:s7], [sflag:s22] =	dma.local [hbm:s5], s20  }
0x9e: {  	_ =	swait.ge [sflag:s22], s20  }
0x9f: {  	s4 =	ssub.s32 $0x0, s20;
	[sflag:s22] =	ssyncset.done $0x0  }
0xa0: {  	[sflag:s22] =	ssyncadd.s32 s4;
	_ =	sdelay $0x1  }
0xa1: {  	s23 =	simm.s32 $0x1B8B  }
0xa2: {  	_ =	swait.ge [sflag:s23], $0x1  }
0xa3: {  	[sflag:s23] =	ssyncset.done $0x0  }
0xa4: {  	s25 =	simm.s32 $0x1B8E;
	s24 =	sld [smem:$0x3FFE];
	[sflag:s23] =	ssyncadd.s32 $0xFFFFFFFF  }
0xa5: {  	s26 =	simm.s32 $execute0_lowered;
	[smem:$0x3FD2] =	sst s25  }
0xa6: {  	s5 =	sshll.u32 s26, $0x1;
	_ =	strace $0x80000046;
	[dreg:$0x1] =	wrdreg $0xFFFFFFFF  }
0xa7: {  	s28 =	simm.s32 $_size_execute0_lowered;
	s3 =	sadd.s32 s3, s5;
	[dreg:$0x0] =	wrdreg $0x0  }
0xa8: {  	s5 =	sshll.u32 s28, $0x1;
	[dreg:$0x2] =	wrdreg s3  }
0xa9: {  	[dreg:$0x3] =	wrdreg s5  }
0xaa: {  	[dreg:$0x4] =	wrdreg $0xC0  }
0xab: {  	_ =	task [dreg:s7], $0x5FFFF  }
0xac: {  	[dreg:$0x1] =	wrdreg $0xFFFFFFFF  }
0xad: {  	[dreg:$0x0] =	wrdreg $0x60  }
0xae: {  	[dreg:$0x2] =	wrdreg s24  }
0xaf: {  	[dreg:$0x3] =	wrdreg s2  }
0xb0: {  	[dreg:$0x4] =	wrdreg $0x9  }
0xb1: {  	_ =	task.clear_ibuf [dreg:s7], $0x5FFFF;
	_ =	strace $0x90000046  }
0xb2: {  	s29 =	simm.s32 $0x9;
	_ =	strace $0x80000048  }
0xb3: {  	_ =	swait.ge [sflag:s29], $0x1  }
0xb4: {  	[sflag:s29] =	ssyncadd.s32 $0xFFFFFFFF  }
0xb5: {  	_ =	strace $0x90000048  }
0xb6: {  	_ =	sfence  }
0xb7: {  	s30 =	sld [smem:$0x0];
	_ =	sdelay $0x2  }
0xb8: {  	s31 =	sshll.u32 s1, $0xD;
	s1 =	sshrl.u32 s1, $0x2  }
0xb9: {  	s3 =	sand.u32 $0x4000, s31;
	s1 =	sadd.s32 s1, s30  }
0xba: {  	s0 =	sor.u32 s3, s0;
	s1 =	sshll.u32 s1, $0x11  }
0xbb: {  	s0 =	sor.u32 s1, s0  }
0xbc: {  	s0 =	sadd.s32 $0x8F2B, s0  }
0xbd: {  	[sflag:s0] =	ssyncadd.remote.s32 $0x1  }
0xbe: {  	_ =	sfence.sel $0xFFFF  }
0xbf: {  	[dreg:$0x0] =	wrdreg $0xFFFFFFFF;
	(pc) =	sbr.abs _section_cstart, $3  }
0xc0: {  	[dreg:$0x1] =	wrdreg $0xFFFFFFFF  }
0xc1: {  	_ =	task.clear_ibuf [dreg:s7], $0x2FFFF;
	_ =	strace $0x9FFFFFFF  }
0xc2: {  	(tm) =	ssettm $0x7FFFFFFF  }
0xc3: {  	_ =	shalt  }
tec
execute0_lowered:
.L_overlay_start_1:
0x0: {  	(tag) =	ssettag $0x1  }
0x1: {  	s0 =	srdreg.scid  }
0x2: {  	s2 =	stileid.u32;
	s1 =	rddreg [dreg:$0x0]  }
0x3: {  	s9 =	rddreg [dreg:$0x1];
	s3 =	simm.s32 $0x0;
	s19 =	simm.s32 $0x5400  }
0x4: {  	s22 =	simm.s32 $0x11400;
	s14 =	simm.s32 $0x19400;
	s16 =	simm.s32 $0x19C00  }
0x5: {  	s20 =	simm.s32 $0x1AC00;
	s21 =	simm.s32 $0x1B400;
	s23 =	simm.s32 $0x1BC00  }
0x6: {  	s28 =	simm.s32 $0x2;
	s29 =	simm.s32 $0x3;
	s30 =	simm.s32 $0x4  }
0x7: {  	s0 =	sand.u32 $0x1, s0;
	s2 =	sshll.u32 s2, $0x1;
	[smem:$0x7FF] =	sst s3  }
0x8: {  	s5 =	sadd.s32 $0x1F000, s1;
	s6 =	sadd.s32 $0x57000, s1;
	s2 =	sor.u32 s0, s2  }
0x9: {  	s10 =	sadd.s32 $0x17100, s1;
	s11 =	sadd.s32 $0x1F100, s1;
	s4 =	smul.u32 $0x380, s2  }
0xa: {  	s12 =	sadd.s32 $0x57100, s1;
	s0 =	ssub.s32 $0x2, s0;
	s26 =	smul.u32 $0x19000, s2  }
0xb: {  	_ =	strace $0x80000047;
	s8 =	sshrl.u32 s0, $0x1;
	s13 =	smul.u32 $0xC8000, s2  }
0xc: {  	s2 =	simm.s32 $0x1A400;
	s0 =	ssub.s32 s0, s8;
	s8 =	simm.s32 $0x18400  }
0xd: {  	s7 =	sadd.s32 s4, s1;
	s4 =	sadd.s32 $0x17000, s1;
	s0 =	smax.u32 s0, $0x1  }
.Ltmp0:
0xe: {  	v2 =	vlaneseq.u32;
	s31 =	sadd.s32 s26, s9;
	s9 =	simm.s32 $0x18C00;
	(pc) =	sbr.rel .LBB2_1-.Ltmp0, $4  }
0xf: {  	v0 =	vand.u32 $0x7, v2;
	v1 =	vshrl.u32 v2, $0x3;
	s26 =	simm.s32 $0x1;
	s24 =	sadd.s32 $0x2000, s7;
	[dreg:$0x6] =	wrdreg s0  }
0x10: {  	v63 =	vor.u32 $0x8, v2;
	[tilespmem:$0x1FFD0] =	vst v0;
	v62 =	vmul.u32 $0x8, v1;
	s1 =	simm.s32 $0x0;
	s25 =	sadd.s32 $0x9000, s7;
	[dreg:$0x3] =	wrdreg s24  }
0x11: {  	[tilespmem:$0x1FFF0] =	vst v63;
	s7 =	sadd.s32 $0x10000, s7;
	s15 =	sadd.s32 $0x800, s31;
	[dreg:$0x4] =	wrdreg s25  }
0x12: {  	vm0 =	vmmov $0xffff;
	[tilespmem:$0x1FFE0] =	vst v62;
	[dreg:$0x5] =	wrdreg s7;
	s24 =	simm.s32 $0x1C400;
	s25 =	simm.s32 $0x1CC00  }
.LBB2_8:
0x13: {  	_ =	swait.ge [sflag:s30], $0x4000  }
0x14: {  	s1 =	rddreg [dreg:$0x7]  }
0x15: {  	s0 =	rddreg [dreg:$0x6];
	s1 =	sadd.s32 $0x1, s1  }
0x16: {  	p0 =	sne.s32 s1, s0  }
.Ltmp1:
0x17: {  	_ = 	snop;
	(pc) =	sbr.rel @!p0 .LBB2_9-.Ltmp1, $3  }
0x18: {  	_ =	sdelay $0x1  }
0x19: {  	[sflag:s30] =	ssyncset.done $0x0  }
0x1a: {  	[sflag:s30] =	ssyncadd.s32 $0xFFFFC000  }
.LBB2_1:
0x1b: {  	[dreg:$0x7] =	wrdreg s1  }
0x1c: {  	s0 =	rddreg [dreg:$0x3];
	s1 =	simm.s32 $0x5  }
0x1d: {  	[tilespmem:s3], [sflag:$0x5] =	stream.linear.gather [hbm4b:s0+s3], $0x1900, $0x38;
	[tilespmem:$0x1D400] =	vst v63  }
0x1e: {  	_ =	swait.ge [sflag:s1], $0x1900  }
0x1f: {  	[sflag:s1] =	ssyncset.done $0x0  }
0x20: {  	s7 =	simm.s32 $0x1C00;
	s18 =	rddreg [dreg:$0x4];
	[sflag:s1] =	ssyncadd.s32 $0xFFFFE700  }
0x21: {  	[tilespmem:s7], [sflag:$0x5] =	stream.linear.gather [hbm4b:s18+s3], $0x1900, $0x38;
	[tilespmem:$0x1D400] =	vst v63  }
0x22: {  	_ =	swait.ge [sflag:s1], $0x1900  }
0x23: {  	[sflag:s1] =	ssyncset.done $0x0  }
0x24: {  	s18 =	simm.s32 $0x3800;
	s17 =	rddreg [dreg:$0x5];
	[sflag:s1] =	ssyncadd.s32 $0xFFFFE700  }
0x25: {  	[tilespmem:s18], [sflag:$0x5] =	stream.linear.gather [hbm4b:s17+s3], $0x1900, $0x38;
	[tilespmem:$0x1D400] =	vst v63  }
0x26: {  	_ =	swait.ge [sflag:s1], $0x1900  }
0x27: {  	[sflag:s1] =	ssyncset.done $0x0  }
0x28: {  	[sflag:s1] =	ssyncadd.s32 $0xFFFFE700  }
0x29: {  	v3 =	vld [tilespmem:$0x0];
	_ =	sdelay $0x2  }
0x2a: {  	v0 =	vld [tilespmem:$0x1FFD0];
	_ =	sdelay $0x1  }
0x2b: {  	v1 =	vld [tilespmem:$0x1FFE0];
	v4 =	vshll.u32 v3, $0x2  }
0x2c: {  	v3 =	vand.u32 $0x7, v3;
	v4 =	vand.u32 $0xFFFFFFE0, v4  }
0x2d: {  	v2 =	vld [tilespmem:$0x1FFF0];
	v3 =	vor.u32 v3, v4  }
0x2e: {  	v4 =	vperm.xlane v3, v0;
	_ =	sdelay $0x1  }
0x2f: {  	v4 =	vadd.s32 v1, v4;
	_ =	sdelay $0x1  }
0x30: {  	v3 =	vperm.xlane v3, v2;
	_ =	sdelay $0x1  }
0x31: {  	v3 =	vadd.s32 v1, v3  }
0x32: {  	[tilespmem:s19], [sflag:$0x1] =	stream.indirect_vreg.gather [hbm4b:s4+s3], $0x80, v4, vm0, $0xb8;
	[tilespmem:$0x1D400] =	vst v63  }
0x33: {  	s1 =	simm.s32 $0x5C00  }
0x34: {  	[tilespmem:s1], [sflag:$0x1] =	stream.indirect_vreg.gather [hbm4b:s10+s3], $0x80, v4, vm0, $0xb8;
	[tilespmem:$0x1D400] =	vst v63  }
0x35: {  	s7 =	simm.s32 $0x6400  }
0x36: {  	[tilespmem:s7], [sflag:$0x1] =	stream.indirect_vreg.gather [hbm4b:s4+s3], $0x80, v3, vm0, $0xb8;
	[tilespmem:$0x1D400] =	vst v63  }
0x37: {  	s17 =	simm.s32 $0x6C00  }
0x38: {  	[tilespmem:s17], [sflag:$0x1] =	stream.indirect_vreg.gather [hbm4b:s10+s3], $0x80, v3, vm0, $0xb8;
	[tilespmem:$0x1D400] =	vst v63  }
0x39: {  	v3 =	vld [tilespmem:$0x10];
	_ =	sdelay $0x4  }
0x3a: {  	v53 =	vshll.u32 v3, $0x2  }
0x3b: {  	v3 =	vand.u32 $0x7, v3;
	v4 =	vand.u32 $0xFFFFFFE0, v53  }
0x3c: {  	v3 =	vor.u32 v3, v4  }
0x3d: {  	v4 =	vperm.xlane v3, v0;
	_ =	sdelay $0x1  }
0x3e: {  	v4 =	vadd.s32 v1, v4;
	_ =	sdelay $0x1  }
0x3f: {  	v3 =	vperm.xlane v3, v2;
	_ =	sdelay $0x1  }
0x40: {  	s18 =	simm.s32 $0x7400;
	v3 =	vadd.s32 v1, v3  }
0x41: {  	[tilespmem:s18], [sflag:$0x1] =	stream.indirect_vreg.gather [hbm4b:s4+s3], $0x80, v4, vm0, $0xb8;
	[tilespmem:$0x1D400] =	vst v63  }
0x42: {  	s1 =	simm.s32 $0x7C00  }
0x43: {  	[tilespmem:s1], [sflag:$0x1] =	stream.indirect_vreg.gather [hbm4b:s10+s3], $0x80, v4, vm0, $0xb8;
	[tilespmem:$0x1D400] =	vst v63  }
0x44: {  	s7 =	simm.s32 $0x8400  }
0x45: {  	[tilespmem:s7], [sflag:$0x1] =	stream.indirect_vreg.gather [hbm4b:s4+s3], $0x80, v3, vm0, $0xb8;
	[tilespmem:$0x1D400] =	vst v63  }
0x46: {  	s17 =	simm.s32 $0x8C00  }
0x47: {  	[tilespmem:s17], [sflag:$0x1] =	stream.indirect_vreg.gather [hbm4b:s10+s3], $0x80, v3, vm0, $0xb8;
	[tilespmem:$0x1D400] =	vst v63  }
0x48: {  	v3 =	vld [tilespmem:$0x1C00];
	_ =	sdelay $0x4  }
0x49: {  	v54 =	vshll.u32 v3, $0x2  }
0x4a: {  	v3 =	vand.u32 $0x7, v3;
	v4 =	vand.u32 $0xFFFFFFE0, v54  }
0x4b: {  	v3 =	vor.u32 v3, v4  }
0x4c: {  	v4 =	vperm.xlane v3, v0;
	_ =	sdelay $0x1  }
0x4d: {  	v4 =	vadd.s32 v1, v4;
	_ =	sdelay $0x1  }
0x4e: {  	v3 =	vperm.xlane v3, v2;
	_ =	sdelay $0x1  }
0x4f: {  	s18 =	simm.s32 $0x9400;
	v3 =	vadd.s32 v1, v3  }
0x50: {  	[tilespmem:s18], [sflag:$0x1] =	stream.indirect_vreg.gather [hbm4b:s5+s3], $0x80, v4, vm0, $0xb8;
	[tilespmem:$0x1D400] =	vst v63  }
0x51: {  	s1 =	simm.s32 $0x9C00  }
0x52: {  	[tilespmem:s1], [sflag:$0x1] =	stream.indirect_vreg.gather [hbm4b:s11+s3], $0x80, v4, vm0, $0xb8;
	[tilespmem:$0x1D400] =	vst v63  }
0x53: {  	s7 =	simm.s32 $0xA400  }
0x54: {  	[tilespmem:s7], [sflag:$0x1] =	stream.indirect_vreg.gather [hbm4b:s5+s3], $0x80, v3, vm0, $0xb8;
	[tilespmem:$0x1D400] =	vst v63  }
0x55: {  	s17 =	simm.s32 $0xAC00  }
0x56: {  	[tilespmem:s17], [sflag:$0x1] =	stream.indirect_vreg.gather [hbm4b:s11+s3], $0x80, v3, vm0, $0xb8;
	[tilespmem:$0x1D400] =	vst v63  }
0x57: {  	v3 =	vld [tilespmem:$0x1C10];
	_ =	sdelay $0x4  }
0x58: {  	v55 =	vshll.u32 v3, $0x2  }
0x59: {  	v3 =	vand.u32 $0x7, v3;
	v4 =	vand.u32 $0xFFFFFFE0, v55  }
0x5a: {  	v3 =	vor.u32 v3, v4  }
0x5b: {  	v4 =	vperm.xlane v3, v0;
	_ =	sdelay $0x1  }
0x5c: {  	v4 =	vadd.s32 v1, v4;
	_ =	sdelay $0x1  }
0x5d: {  	v3 =	vperm.xlane v3, v2;
	_ =	sdelay $0x1  }
0x5e: {  	s18 =	simm.s32 $0xB400;
	v3 =	vadd.s32 v1, v3  }
0x5f: {  	[tilespmem:s18], [sflag:$0x1] =	stream.indirect_vreg.gather [hbm4b:s5+s3], $0x80, v4, vm0, $0xb8;
	[tilespmem:$0x1D400] =	vst v63  }
0x60: {  	s1 =	simm.s32 $0xBC00  }
0x61: {  	[tilespmem:s1], [sflag:$0x1] =	stream.indirect_vreg.gather [hbm4b:s11+s3], $0x80, v4, vm0, $0xb8;
	[tilespmem:$0x1D400] =	vst v63  }
0x62: {  	s7 =	simm.s32 $0xC400  }
0x63: {  	[tilespmem:s7], [sflag:$0x1] =	stream.indirect_vreg.gather [hbm4b:s5+s3], $0x80, v3, vm0, $0xb8;
	[tilespmem:$0x1D400] =	vst v63  }
0x64: {  	s17 =	simm.s32 $0xCC00  }
0x65: {  	[tilespmem:s17], [sflag:$0x1] =	stream.indirect_vreg.gather [hbm4b:s11+s3], $0x80, v3, vm0, $0xb8;
	[tilespmem:$0x1D400] =	vst v63  }
0x66: {  	v3 =	vld [tilespmem:$0x3800];
	_ =	sdelay $0x4  }
0x67: {  	v56 =	vshll.u32 v3, $0x2  }
0x68: {  	v3 =	vand.u32 $0x7, v3;
	v4 =	vand.u32 $0xFFFFFFE0, v56  }
0x69: {  	v3 =	vor.u32 v3, v4  }
0x6a: {  	v4 =	vperm.xlane v3, v0;
	_ =	sdelay $0x1  }
0x6b: {  	v4 =	vadd.s32 v1, v4;
	_ =	sdelay $0x1  }
0x6c: {  	v3 =	vperm.xlane v3, v2;
	_ =	sdelay $0x1  }
0x6d: {  	s18 =	simm.s32 $0xD400;
	v3 =	vadd.s32 v1, v3  }
0x6e: {  	[tilespmem:s18], [sflag:$0x1] =	stream.indirect_vreg.gather [hbm4b:s6+s3], $0x80, v4, vm0, $0xb8;
	[tilespmem:$0x1D400] =	vst v63  }
0x6f: {  	s1 =	simm.s32 $0xDC00  }
0x70: {  	[tilespmem:s1], [sflag:$0x1] =	stream.indirect_vreg.gather [hbm4b:s12+s3], $0x80, v4, vm0, $0xb8;
	[tilespmem:$0x1D400] =	vst v63  }
0x71: {  	s7 =	simm.s32 $0xE400  }
0x72: {  	[tilespmem:s7], [sflag:$0x1] =	stream.indirect_vreg.gather [hbm4b:s6+s3], $0x80, v3, vm0, $0xb8;
	[tilespmem:$0x1D400] =	vst v63  }
0x73: {  	s17 =	simm.s32 $0xEC00  }
0x74: {  	[tilespmem:s17], [sflag:$0x1] =	stream.indirect_vreg.gather [hbm4b:s12+s3], $0x80, v3, vm0, $0xb8;
	[tilespmem:$0x1D400] =	vst v63  }
0x75: {  	v3 =	vld [tilespmem:$0x3810];
	_ =	sdelay $0x4  }
0x76: {  	v57 =	vshll.u32 v3, $0x2  }
0x77: {  	v3 =	vand.u32 $0x7, v3;
	v4 =	vand.u32 $0xFFFFFFE0, v57  }
0x78: {  	v3 =	vor.u32 v3, v4  }
0x79: {  	v4 =	vperm.xlane v3, v0;
	_ =	sdelay $0x1  }
0x7a: {  	v4 =	vadd.s32 v1, v4;
	_ =	sdelay $0x1  }
0x7b: {  	v3 =	vperm.xlane v3, v2;
	_ =	sdelay $0x1  }
0x7c: {  	s18 =	simm.s32 $0xF400;
	v3 =	vadd.s32 v1, v3  }
0x7d: {  	[tilespmem:s18], [sflag:$0x1] =	stream.indirect_vreg.gather [hbm4b:s6+s3], $0x80, v4, vm0, $0xb8;
	[tilespmem:$0x1D400] =	vst v63  }
0x7e: {  	s1 =	simm.s32 $0xFC00  }
0x7f: {  	[tilespmem:s1], [sflag:$0x1] =	stream.indirect_vreg.gather [hbm4b:s12+s3], $0x80, v4, vm0, $0xb8;
	[tilespmem:$0x1D400] =	vst v63  }
0x80: {  	s7 =	simm.s32 $0x10400  }
0x81: {  	[tilespmem:s7], [sflag:$0x1] =	stream.indirect_vreg.gather [hbm4b:s6+s3], $0x80, v3, vm0, $0xb8;
	[tilespmem:$0x1D400] =	vst v63  }
0x82: {  	s17 =	simm.s32 $0x10C00  }
0x83: {  	[tilespmem:s17], [sflag:$0x1] =	stream.indirect_vreg.gather [hbm4b:s12+s3], $0x80, v3, vm0, $0xb8;
	[tilespmem:$0x1D400] =	vst v63  }
0x84: {  	v3 =	vld [tilespmem:$0x80];
	_ =	sdelay $0x4  }
0x85: {  	v58 =	vshll.u32 v3, $0x2  }
0x86: {  	v3 =	vand.u32 $0x7, v3;
	v4 =	vand.u32 $0xFFFFFFE0, v58  }
0x87: {  	v3 =	vor.u32 v3, v4  }
0x88: {  	v4 =	vperm.xlane v3, v0;
	_ =	sdelay $0x1  }
0x89: {  	v4 =	vadd.s32 v1, v4;
	_ =	sdelay $0x1  }
0x8a: {  	v3 =	vperm.xlane v3, v2;
	_ =	sdelay $0x1  }
0x8b: {  	v3 =	vadd.s32 v1, v3  }
0x8c: {  	[tilespmem:s22], [sflag:$0x2] =	stream.indirect_vreg.gather [hbm4b:s4+s3], $0x80, v4, vm0, $0xb8;
	[tilespmem:$0x1D400] =	vst v63  }
0x8d: {  	s18 =	simm.s32 $0x11C00  }
0x8e: {  	[tilespmem:s18], [sflag:$0x2] =	stream.indirect_vreg.gather [hbm4b:s10+s3], $0x80, v4, vm0, $0xb8;
	[tilespmem:$0x1D400] =	vst v63  }
0x8f: {  	s1 =	simm.s32 $0x12400  }
0x90: {  	[tilespmem:s1], [sflag:$0x2] =	stream.indirect_vreg.gather [hbm4b:s4+s3], $0x80, v3, vm0, $0xb8;
	[tilespmem:$0x1D400] =	vst v63  }
0x91: {  	s7 =	simm.s32 $0x12C00  }
0x92: {  	[tilespmem:s7], [sflag:$0x2] =	stream.indirect_vreg.gather [hbm4b:s10+s3], $0x80, v3, vm0, $0xb8;
	[tilespmem:$0x1D400] =	vst v63  }
0x93: {  	v3 =	vld [tilespmem:$0x90];
	_ =	sdelay $0x4  }
0x94: {  	v59 =	vshll.u32 v3, $0x2  }
0x95: {  	v3 =	vand.u32 $0x7, v3;
	v4 =	vand.u32 $0xFFFFFFE0, v59  }
0x96: {  	v3 =	vor.u32 v3, v4  }
0x97: {  	v4 =	vperm.xlane v3, v0;
	_ =	sdelay $0x1  }
0x98: {  	v4 =	vadd.s32 v1, v4;
	_ =	sdelay $0x1  }
0x99: {  	v3 =	vperm.xlane v3, v2;
	_ =	sdelay $0x1  }
0x9a: {  	s17 =	simm.s32 $0x13400;
	v3 =	vadd.s32 v1, v3  }
0x9b: {  	[tilespmem:s17], [sflag:$0x2] =	stream.indirect_vreg.gather [hbm4b:s4+s3], $0x80, v4, vm0, $0xb8;
	[tilespmem:$0x1D400] =	vst v63  }
0x9c: {  	s18 =	simm.s32 $0x13C00  }
0x9d: {  	[tilespmem:s18], [sflag:$0x2] =	stream.indirect_vreg.gather [hbm4b:s10+s3], $0x80, v4, vm0, $0xb8;
	[tilespmem:$0x1D400] =	vst v63  }
0x9e: {  	s1 =	simm.s32 $0x14400  }
0x9f: {  	[tilespmem:s1], [sflag:$0x2] =	stream.indirect_vreg.gather [hbm4b:s4+s3], $0x80, v3, vm0, $0xb8;
	[tilespmem:$0x1D400] =	vst v63  }
0xa0: {  	s7 =	simm.s32 $0x14C00  }
0xa1: {  	[tilespmem:s7], [sflag:$0x2] =	stream.indirect_vreg.gather [hbm4b:s10+s3], $0x80, v3, vm0, $0xb8;
	[tilespmem:$0x1D400] =	vst v63  }
0xa2: {  	v3 =	vld [tilespmem:$0x1C80];
	_ =	sdelay $0x4  }
0xa3: {  	v60 =	vshll.u32 v3, $0x2  }
0xa4: {  	v3 =	vand.u32 $0x7, v3;
	v4 =	vand.u32 $0xFFFFFFE0, v60  }
0xa5: {  	v3 =	vor.u32 v3, v4  }
0xa6: {  	v4 =	vperm.xlane v3, v0;
	_ =	sdelay $0x1  }
0xa7: {  	v4 =	vadd.s32 v1, v4;
	_ =	sdelay $0x1  }
0xa8: {  	v3 =	vperm.xlane v3, v2;
	_ =	sdelay $0x1  }
0xa9: {  	s17 =	simm.s32 $0x15400;
	v3 =	vadd.s32 v1, v3  }
0xaa: {  	[tilespmem:s17], [sflag:$0x2] =	stream.indirect_vreg.gather [hbm4b:s5+s3], $0x80, v4, vm0, $0xb8;
	[tilespmem:$0x1D400] =	vst v63  }
0xab: {  	s18 =	simm.s32 $0x15C00  }
0xac: {  	[tilespmem:s18], [sflag:$0x2] =	stream.indirect_vreg.gather [hbm4b:s11+s3], $0x80, v4, vm0, $0xb8;
	[tilespmem:$0x1D400] =	vst v63  }
0xad: {  	s1 =	simm.s32 $0x16400  }
0xae: {  	[tilespmem:s1], [sflag:$0x2] =	stream.indirect_vreg.gather [hbm4b:s5+s3], $0x80, v3, vm0, $0xb8;
	[tilespmem:$0x1D400] =	vst v63  }
0xaf: {  	s7 =	simm.s32 $0x16C00  }
0xb0: {  	[tilespmem:s7], [sflag:$0x2] =	stream.indirect_vreg.gather [hbm4b:s11+s3], $0x80, v3, vm0, $0xb8;
	[tilespmem:$0x1D400] =	vst v63  }
0xb1: {  	v3 =	vld [tilespmem:$0x1C90];
	_ =	sdelay $0x4  }
0xb2: {  	v61 =	vshll.u32 v3, $0x2  }
0xb3: {  	v3 =	vand.u32 $0x7, v3;
	v4 =	vand.u32 $0xFFFFFFE0, v61  }
0xb4: {  	v3 =	vor.u32 v3, v4  }
0xb5: {  	v4 =	vperm.xlane v3, v0;
	_ =	sdelay $0x1  }
0xb6: {  	v4 =	vadd.s32 v1, v4;
	_ =	sdelay $0x1  }
0xb7: {  	v3 =	vperm.xlane v3, v2;
	_ =	sdelay $0x1  }
0xb8: {  	s17 =	simm.s32 $0x17400;
	v3 =	vadd.s32 v1, v3  }
0xb9: {  	[tilespmem:s17], [sflag:$0x2] =	stream.indirect_vreg.gather [hbm4b:s5+s3], $0x80, v4, vm0, $0xb8;
	[tilespmem:$0x1D400] =	vst v63  }
0xba: {  	s18 =	simm.s32 $0x17C00  }
0xbb: {  	[tilespmem:s18], [sflag:$0x2] =	stream.indirect_vreg.gather [hbm4b:s11+s3], $0x80, v4, vm0, $0xb8;
	[tilespmem:$0x1D400] =	vst v63  }
0xbc: {  	_ = 	snop  }
0xbd: {  	[tilespmem:s8], [sflag:$0x2] =	stream.indirect_vreg.gather [hbm4b:s5+s3], $0x80, v3, vm0, $0xb8;
	[tilespmem:$0x1D400] =	vst v63  }
0xbe: {  	_ = 	snop  }
0xbf: {  	[tilespmem:s9], [sflag:$0x2] =	stream.indirect_vreg.gather [hbm4b:s11+s3], $0x80, v3, vm0, $0xb8;
	[tilespmem:$0x1D400] =	vst v63  }
0xc0: {  	v3 =	vld [tilespmem:$0x3880];
	_ =	sdelay $0x4  }
0xc1: {  	v62 =	vshll.u32 v3, $0x2  }
0xc2: {  	v3 =	vand.u32 $0x7, v3;
	v4 =	vand.u32 $0xFFFFFFE0, v62  }
0xc3: {  	v3 =	vor.u32 v3, v4  }
0xc4: {  	v4 =	vperm.xlane v3, v0;
	_ =	sdelay $0x1  }
0xc5: {  	v4 =	vadd.s32 v1, v4;
	_ =	sdelay $0x1  }
0xc6: {  	v3 =	vperm.xlane v3, v2;
	_ =	sdelay $0x1  }
0xc7: {  	v3 =	vadd.s32 v1, v3  }
0xc8: {  	[tilespmem:s14], [sflag:$0x2] =	stream.indirect_vreg.gather [hbm4b:s6+s3], $0x80, v4, vm0, $0xb8;
	[tilespmem:$0x1D400] =	vst v63  }
0xc9: {  	_ = 	snop  }
0xca: {  	[tilespmem:s16], [sflag:$0x2] =	stream.indirect_vreg.gather [hbm4b:s12+s3], $0x80, v4, vm0, $0xb8;
	[tilespmem:$0x1D400] =	vst v63  }
0xcb: {  	_ = 	snop  }
0xcc: {  	[tilespmem:s2], [sflag:$0x2] =	stream.indirect_vreg.gather [hbm4b:s6+s3], $0x80, v3, vm0, $0xb8;
	[tilespmem:$0x1D400] =	vst v63  }
0xcd: {  	_ = 	snop  }
0xce: {  	[tilespmem:s20], [sflag:$0x2] =	stream.indirect_vreg.gather [hbm4b:s12+s3], $0x80, v3, vm0, $0xb8;
	[tilespmem:$0x1D400] =	vst v63  }
0xcf: {  	v3 =	vld [tilespmem:$0x3890];
	_ =	sdelay $0x4  }
0xd0: {  	v63 =	vshll.u32 v3, $0x2  }
0xd1: {  	v3 =	vand.u32 $0x7, v3;
	v4 =	vand.u32 $0xFFFFFFE0, v63  }
0xd2: {  	v3 =	vor.u32 v3, v4  }
0xd3: {  	v4 =	vperm.xlane v3, v0;
	_ =	sdelay $0x1  }
0xd4: {  	v4 =	vadd.s32 v1, v4;
	_ =	sdelay $0x1  }
0xd5: {  	v3 =	vperm.xlane v3, v2;
	_ =	sdelay $0x1  }
0xd6: {  	v3 =	vadd.s32 v1, v3  }
0xd7: {  	[tilespmem:s21], [sflag:$0x2] =	stream.indirect_vreg.gather [hbm4b:s6+s3], $0x80, v4, vm0, $0xb8;
	[tilespmem:$0x1D400] =	vst v63  }
0xd8: {  	_ = 	snop  }
0xd9: {  	[tilespmem:s23], [sflag:$0x2] =	stream.indirect_vreg.gather [hbm4b:s12+s3], $0x80, v4, vm0, $0xb8;
	[tilespmem:$0x1D400] =	vst v63  }
0xda: {  	_ = 	snop  }
0xdb: {  	[tilespmem:s24], [sflag:$0x2] =	stream.indirect_vreg.gather [hbm4b:s6+s3], $0x80, v3, vm0, $0xb8;
	[tilespmem:$0x1D400] =	vst v63  }
0xdc: {  	s31 =	simm.s32 $0x0  }
0xdd: {  	[tilespmem:s25], [sflag:$0x2] =	stream.indirect_vreg.gather [hbm4b:s12+s3], $0x80, v3, vm0, $0xb8;
	[tilespmem:$0x1D400] =	vst v63  }
.LBB2_2:
0xde: {  	_ =	swait.ge [sflag:s26], $0x4000  }
0xdf: {  	[sflag:s26] =	ssyncset.done $0x0  }
0xe0: {  	[sflag:s26] =	ssyncadd.s32 $0xFFFFC000  }
0xe1: {  	_ =	swait.ge [sflag:s26], $0x4000  }
0xe2: {  	[sflag:s26] =	ssyncset.done $0x0  }
0xe3: {  	[sflag:s26] =	ssyncadd.s32 $0xFFFFC000  }
0xe4: {  	s0 =	simm.s32 $0x0;
	_ =	swait.ge [sflag:s26], $0x4000  }
0xe5: {  	s1 =	sand.u32 $0x3000, s0;
	s17 =	sand.u32 $0x380, s0;
	[sflag:s26] =	ssyncset.done $0x0  }
0xe6: {  	s1 =	sor.u32 s17, s1;
	[sflag:s26] =	ssyncadd.s32 $0xFFFFC000  }
0xe7: {  	v20 =	vld [tilespmem:s1+$0xD400]  }
0xe8: {  	v21 =	vld [tilespmem:s1+$0xD410]  }
0xe9: {  	v22 =	vld [tilespmem:s1+$0xD420]  }
0xea: {  	v23 =	vld [tilespmem:s1+$0xD430]  }
0xeb: {  	v24 =	vld [tilespmem:s1+$0xD440]  }
0xec: {  	v25 =	vld [tilespmem:s1+$0xD450]  }
0xed: {  	v26 =	vld [tilespmem:s1+$0xD460]  }
0xee: {  	v3 =	vld [tilespmem:s1+$0xD470]  }
0xef: {  	v28 =	vld [tilespmem:s1+$0xD800]  }
0xf0: {  	v29 =	vld [tilespmem:s1+$0xD810]  }
0xf1: {  	v30 =	vld [tilespmem:s1+$0xD820]  }
0xf2: {  	v19 =	vld [tilespmem:s1+$0xD830]  }
0xf3: {  	v33 =	vld [tilespmem:s1+$0xD840]  }
0xf4: {  	v34 =	vld [tilespmem:s1+$0xD850]  }
0xf5: {  	v35 =	vld [tilespmem:s1+$0xD860]  }
0xf6: {  	v36 =	vld [tilespmem:s1+$0xD870]  }
0xf7: {  	v37 =	vld [tilespmem:s1+$0xDC00]  }
0xf8: {  	v38 =	vld [tilespmem:s1+$0xDC10]  }
0xf9: {  	v39 =	vld [tilespmem:s1+$0xDC20]  }
0xfa: {  	v0 =	vld [tilespmem:s1+$0xDC30]  }
0xfb: {  	v7 =	vld [tilespmem:s1+$0xDC40]  }
0xfc: {  	v5 =	vld [tilespmem:s1+$0xDC50]  }
0xfd: {  	v4 =	vld [tilespmem:s1+$0xDC60]  }
0xfe: {  	v9 =	vld [tilespmem:s1+$0xDC70]  }
0xff: {  	v8 =	vld [tilespmem:s1+$0xE000]  }
0x100: {  	v27 =	vld [tilespmem:s1+$0xE010]  }
0x101: {  	v6 =	vld [tilespmem:s1+$0xE020]  }
0x102: {  	v40 =	vld [tilespmem:s1+$0xE030]  }
0x103: {  	v41 =	vld [tilespmem:s1+$0xE040]  }
0x104: {  	v63 =	vld [tilespmem:s1+$0xE050]  }
0x105: {  	v42 =	vld [tilespmem:s1+$0x9420]  }
0x106: {  	v43 =	vld [tilespmem:s1+$0x9430]  }
0x107: {  	v44 =	vld [tilespmem:s1+$0x9440]  }
0x108: {  	v45 =	vld [tilespmem:s1+$0x9450]  }
0x109: {  	v46 =	vld [tilespmem:s1+$0x9460]  }
0x10a: {  	v47 =	vld [tilespmem:s1+$0x9470]  }
0x10b: {  	v48 =	vld [tilespmem:s1+$0x9800]  }
0x10c: {  	v49 =	vld [tilespmem:s1+$0x9810]  }
0x10d: {  	v50 =	vld [tilespmem:s1+$0x9820]  }
0x10e: {  	v51 =	vld [tilespmem:s1+$0x9830]  }
0x10f: {  	v52 =	vld [tilespmem:s1+$0x9840]  }
0x110: {  	v53 =	vld [tilespmem:s1+$0x9850]  }
0x111: {  	v54 =	vld [tilespmem:s1+$0x9860]  }
0x112: {  	v55 =	vld [tilespmem:s1+$0x9870]  }
0x113: {  	v56 =	vld [tilespmem:s1+$0x9C00]  }
0x114: {  	v57 =	vld [tilespmem:s1+$0x9C10]  }
0x115: {  	v58 =	vld [tilespmem:s1+$0x9C20]  }
0x116: {  	v59 =	vld [tilespmem:s1+$0x9C30]  }
0x117: {  	v60 =	vld [tilespmem:s1+$0x9C40]  }
0x118: {  	v61 =	vld [tilespmem:s1+$0x9C50]  }
0x119: {  	v62 =	vld [tilespmem:s1+$0x9C60]  }
0x11a: {  	v31 =	vld [tilespmem:s1+$0x9C70]  }
0x11b: {  	v32 =	vld [tilespmem:s1+$0xA000]  }
0x11c: {  	v16 =	vld [tilespmem:s1+$0xA010]  }
0x11d: {  	v15 =	vld [tilespmem:s1+$0xA020]  }
0x11e: {  	v14 =	vld [tilespmem:s1+$0xA030]  }
0x11f: {  	v13 =	vld [tilespmem:s1+$0xA040]  }
0x120: {  	v2 =	vld [tilespmem:s1+$0x5400]  }
0x121: {  	[tilespmem:$0x1FFA0] =	vst v40;
	v40 =	vld [tilespmem:s1+$0x9400]  }
0x122: {  	[tilespmem:$0x1FFB0] =	vst v41;
	v41 =	vld [tilespmem:s1+$0x9410]  }
0x123: {  	[tilespmem:$0x1FFC0] =	vst v0;
	v0 =	vld [tilespmem:s1+$0x5410]  }
0x124: {  	v1 =	vld [tilespmem:s1+$0x5420]  }
0x125: {  	v17 =	vld [tilespmem:s1+$0x5430]  }
0x126: {  	v18 =	vld [tilespmem:s1+$0x5440]  }
0x127: {  	v2 =	vadd.f32 v40, v2;
	v40 =	vld [tilespmem:s1+$0x5450]  }
0x128: {  	v0 =	vadd.f32 v41, v0;
	v41 =	vld [tilespmem:s1+$0x5460]  }
0x129: {  	v1 =	vadd.f32 v42, v1;
	v2 =	vadd.f32 v20, v2;
	v20 =	vld [tilespmem:s1+$0x5470]  }
0x12a: {  	v17 =	vadd.f32 v43, v17;
	v0 =	vadd.f32 v21, v0;
	v21 =	vld [tilespmem:s1+$0x5800]  }
0x12b: {  	v42 =	vadd.f32 v44, v18;
	v18 =	vld [tilespmem:s1+$0x5810];
	v1 =	vadd.f32 v22, v1  }
0x12c: {  	v43 =	vadd.f32 v23, v17;
	v22 =	vld [tilespmem:s1+$0x5820];
	v17 =	vadd.f32 v45, v40  }
0x12d: {  	v23 =	vld [tilespmem:s1+$0x5830];
	v45 =	vadd.f32 v46, v41  }
0x12e: {  	v46 =	vadd.f32 v25, v17;
	v17 =	vadd.f32 v47, v20;
	v20 =	vld [tilespmem:s1+$0x5840]  }
0x12f: {  	v44 =	vadd.f32 v24, v42;
	[tilespmem:s1+$0x5420] =	vst v1;
	v41 =	vadd.f32 v48, v21;
	v21 =	vld [tilespmem:s1+$0x5850]  }
0x130: {  	[tilespmem:s1+$0x5430] =	vst v43;
	v42 =	vadd.f32 v3, v17;
	v17 =	vadd.f32 v49, v18;
	v18 =	vld [tilespmem:s1+$0x5860]  }
0x131: {  	[tilespmem:s1+$0x5440] =	vst v44;
	v44 =	vadd.f32 v50, v22;
	v22 =	vld [tilespmem:s1+$0x5870];
	v40 =	vadd.f32 v26, v45  }
0x132: {  	v12 =	vld [tilespmem:s1+$0xA050];
	[tilespmem:s1+$0x5400] =	vst v2;
	v45 =	vadd.f32 v29, v17;
	v17 =	vadd.f32 v51, v23  }
0x133: {  	[tilespmem:s1+$0x5410] =	vst v0;
	v43 =	vadd.f32 v28, v41;
	v47 =	vadd.f32 v52, v20;
	v20 =	vld [tilespmem:s1+$0x5C10]  }
0x134: {  	[tilespmem:s1+$0x5450] =	vst v46;
	v23 =	vld [tilespmem:s1+$0x5C00];
	v48 =	vadd.f32 v19, v17;
	v17 =	vadd.f32 v53, v21  }
0x135: {  	[tilespmem:s1+$0x5460] =	vst v40;
	v46 =	vadd.f32 v30, v44;
	v21 =	vld [tilespmem:s1+$0x5C40];
	v50 =	vadd.f32 v54, v18  }
0x136: {  	[tilespmem:s1+$0x5470] =	vst v42;
	v18 =	vld [tilespmem:s1+$0x5C30];
	v51 =	vadd.f32 v34, v17;
	v17 =	vadd.f32 v55, v22  }
0x137: {  	v11 =	vld [tilespmem:s1+$0xA060];
	[tilespmem:s1+$0x5800] =	vst v43  }
0x138: {  	[tilespmem:s1+$0x5820] =	vst v46;
	v19 =	vld [tilespmem:s1+$0x5C20];
	v54 =	vadd.f32 v36, v17;
	v17 =	vadd.f32 v57, v20  }
0x139: {  	v24 =	vld [tilespmem:s1+$0x5C70];
	[tilespmem:s1+$0x5810] =	vst v45;
	v49 =	vadd.f32 v33, v47;
	v52 =	vadd.f32 v35, v50  }
0x13a: {  	[tilespmem:s1+$0x5830] =	vst v48;
	v53 =	vadd.f32 v56, v23;
	v23 =	vld [tilespmem:s1+$0x5C60];
	v57 =	vadd.f32 v38, v17  }
0x13b: {  	[tilespmem:s1+$0x5840] =	vst v49;
	v17 =	vadd.f32 v59, v18;
	v59 =	vadd.f32 v60, v21;
	v60 =	vld [tilespmem:$0x1FFC0]  }
0x13c: {  	v22 =	vld [tilespmem:s1+$0x5C50];
	[tilespmem:s1+$0x5850] =	vst v51  }
0x13d: {  	v26 =	vld [tilespmem:s1+$0x6000];
	[tilespmem:s1+$0x5860] =	vst v52;
	v55 =	vadd.f32 v37, v53;
	v56 =	vadd.f32 v58, v19  }
0x13e: {  	v10 =	vld [tilespmem:s1+$0xA070];
	[tilespmem:s1+$0x5870] =	vst v54  }
0x13f: {  	v20 =	vld [tilespmem:s1+$0x6020];
	[tilespmem:s1+$0x5C00] =	vst v55;
	v58 =	vadd.f32 v39, v56  }
0x140: {  	v19 =	vld [tilespmem:s1+$0x6030];
	[tilespmem:s1+$0x5C10] =	vst v57;
	v62 =	vadd.f32 v62, v23;
	v0 =	vadd.f32 v60, v17  }
0x141: {  	v21 =	vld [tilespmem:s1+$0x6010];
	[tilespmem:s1+$0x5C20] =	vst v58;
	v17 =	vadd.f32 v61, v22;
	v61 =	vadd.f32 v7, v59  }
0x142: {  	v18 =	vld [tilespmem:s1+$0x6040];
	v23 =	vadd.f32 v31, v24;
	v24 =	vadd.f32 v32, v26;
	[tilespmem:s1+$0x5C30] =	vst v0  }
0x143: {  	s17 =	simm.s32 $0x200;
	v25 =	vadd.f32 v4, v62;
	v22 =	vadd.f32 v5, v17;
	[tilespmem:s1+$0x5C40] =	vst v61;
	v17 =	vld [tilespmem:s1+$0x6050]  }
.LBB2_3:
0x144: {  	_ = 	snop  }
0x145: {  	v2 =	vld [tilespmem:s1+$0x6060]  }
0x146: {  	v31 =	vld [tilespmem:$0x1FFA0]  }
0x147: {  	v3 =	vld [tilespmem:$0x1FFB0];
	[tilespmem:s1+$0x5C50] =	vst v22;
	v0 =	vadd.f32 v9, v23;
	v1 =	vadd.f32 v16, v21  }
0x148: {  	s0 =	sadd.s32 $0x80, s0;
	[tilespmem:s1+$0x5C60] =	vst v25;
	v8 =	vadd.f32 v8, v24;
	v9 =	vadd.f32 v15, v20;
	v15 =	vld [tilespmem:s1+$0x6070]  }
0x149: {  	s18 =	sand.u32 $0x3000, s17;
	v7 =	vld [tilespmem:s1+$0xE060];
	s7 =	sand.u32 $0x380, s0;
	v30 =	vadd.f32 v14, v19;
	[tilespmem:s1+$0x5C70] =	vst v0;
	v62 =	vadd.f32 v27, v1  }
0x14a: {  	s7 =	sor.u32 s7, s18;
	[tilespmem:s1+$0x6000] =	vst v8;
	v6 =	vadd.f32 v6, v9;
	v8 =	vadd.f32 v13, v18;
	v9 =	vld [tilespmem:s1+$0xE070]  }
0x14b: {  	v32 =	vadd.f32 v12, v17;
	v0 =	vadd.f32 v31, v30;
	v35 =	vld [tilespmem:s7+$0xD400];
	[tilespmem:s1+$0x6010] =	vst v62  }
0x14c: {  	v2 =	vadd.f32 v11, v2;
	v4 =	vadd.f32 v3, v8;
	v37 =	vld [tilespmem:s7+$0xD410];
	[tilespmem:s1+$0x6020] =	vst v6  }
0x14d: {  	v33 =	vadd.f32 v63, v32;
	v34 =	vadd.f32 v10, v15;
	v38 =	vld [tilespmem:s7+$0xD420];
	[tilespmem:s1+$0x6030] =	vst v0  }
0x14e: {  	v2 =	vadd.f32 v7, v2;
	v39 =	vld [tilespmem:s7+$0xD430];
	[tilespmem:s1+$0x6040] =	vst v4  }
0x14f: {  	v42 =	vadd.f32 v9, v34;
	v36 =	vld [tilespmem:s7+$0xD440];
	[tilespmem:s1+$0x6050] =	vst v33  }
0x150: {  	v34 =	vld [tilespmem:s7+$0xD450];
	[tilespmem:s1+$0x6060] =	vst v2  }
0x151: {  	v33 =	vld [tilespmem:s7+$0xD460];
	[tilespmem:s1+$0x6070] =	vst v42;
	s1 =	smov.u32 s7  }
0x152: {  	v32 =	vld [tilespmem:s1+$0xD470]  }
0x153: {  	v31 =	vld [tilespmem:s1+$0xD800]  }
0x154: {  	v30 =	vld [tilespmem:s1+$0xD810]  }
0x155: {  	v29 =	vld [tilespmem:s1+$0xD820]  }
0x156: {  	v28 =	vld [tilespmem:s1+$0xD830]  }
0x157: {  	v17 =	vld [tilespmem:s1+$0xD840]  }
0x158: {  	v26 =	vld [tilespmem:s1+$0xD850]  }
0x159: {  	v25 =	vld [tilespmem:s1+$0xD860]  }
0x15a: {  	v24 =	vld [tilespmem:s1+$0xD870]  }
0x15b: {  	v23 =	vld [tilespmem:s1+$0xDC00]  }
0x15c: {  	v22 =	vld [tilespmem:s1+$0xDC10]  }
0x15d: {  	v21 =	vld [tilespmem:s1+$0xDC20]  }
0x15e: {  	v20 =	vld [tilespmem:s1+$0xDC30]  }
0x15f: {  	v19 =	vld [tilespmem:s1+$0xDC40]  }
0x160: {  	v18 =	vld [tilespmem:s1+$0xDC50]  }
0x161: {  	v0 =	vld [tilespmem:s1+$0xDC60]  }
0x162: {  	v9 =	vld [tilespmem:s1+$0xDC70]  }
0x163: {  	v8 =	vld [tilespmem:s1+$0xE000]  }
0x164: {  	v27 =	vld [tilespmem:s1+$0xE010]  }
0x165: {  	v7 =	vld [tilespmem:s1+$0xE020]  }
0x166: {  	v43 =	vld [tilespmem:s1+$0xE030]  }
0x167: {  	v44 =	vld [tilespmem:s1+$0xE040]  }
0x168: {  	v6 =	vld [tilespmem:s1+$0xE050]  }
0x169: {  	v1 =	vld [tilespmem:s1+$0x9410]  }
0x16a: {  	v2 =	vld [tilespmem:s1+$0x9420]  }
0x16b: {  	v45 =	vld [tilespmem:s1+$0x9430]  }
0x16c: {  	v46 =	vld [tilespmem:s1+$0x9440]  }
0x16d: {  	v47 =	vld [tilespmem:s1+$0x9450]  }
0x16e: {  	v48 =	vld [tilespmem:s1+$0x9460]  }
0x16f: {  	v49 =	vld [tilespmem:s1+$0x9470]  }
0x170: {  	v50 =	vld [tilespmem:s1+$0x9800]  }
0x171: {  	v51 =	vld [tilespmem:s1+$0x9810]  }
0x172: {  	v52 =	vld [tilespmem:s1+$0x9820]  }
0x173: {  	v53 =	vld [tilespmem:s1+$0x9830]  }
0x174: {  	v54 =	vld [tilespmem:s1+$0x9840]  }
0x175: {  	v55 =	vld [tilespmem:s1+$0x9850]  }
0x176: {  	v56 =	vld [tilespmem:s1+$0x9860]  }
0x177: {  	v57 =	vld [tilespmem:s1+$0x9870]  }
0x178: {  	v58 =	vld [tilespmem:s1+$0x9C00]  }
0x179: {  	v59 =	vld [tilespmem:s1+$0x9C10]  }
0x17a: {  	v60 =	vld [tilespmem:s1+$0x9C20]  }
0x17b: {  	v61 =	vld [tilespmem:s1+$0x9C30]  }
0x17c: {  	v42 =	vld [tilespmem:s1+$0x9C60]  }
0x17d: {  	v41 =	vld [tilespmem:s1+$0x9C70]  }
0x17e: {  	v40 =	vld [tilespmem:s1+$0xA000]  }
0x17f: {  	v16 =	vld [tilespmem:s1+$0xA010]  }
0x180: {  	v15 =	vld [tilespmem:s1+$0xA020]  }
0x181: {  	v14 =	vld [tilespmem:s1+$0xA030]  }
0x182: {  	v13 =	vld [tilespmem:s1+$0xA040]  }
0x183: {  	v12 =	vld [tilespmem:s1+$0xA050]  }
0x184: {  	v11 =	vld [tilespmem:s1+$0xA060]  }
0x185: {  	v10 =	vld [tilespmem:s1+$0xA070]  }
0x186: {  	v62 =	vld [tilespmem:s1+$0x5400]  }
0x187: {  	v63 =	vld [tilespmem:s1+$0x5410]  }
0x188: {  	v4 =	vld [tilespmem:s1+$0x5430]  }
0x189: {  	v5 =	vld [tilespmem:s1+$0x5440]  }
0x18a: {  	[tilespmem:$0x1FF90] =	vst v0;
	v0 =	vld [tilespmem:s1+$0x9400]  }
0x18b: {  	v3 =	vld [tilespmem:s1+$0x5420]  }
0x18c: {  	v1 =	vadd.f32 v1, v63;
	v63 =	vld [tilespmem:s1+$0x5460]  }
0x18d: {  	[tilespmem:$0x1FFB0] =	vst v44;
	v44 =	vld [tilespmem:s1+$0x9C40]  }
0x18e: {  	v4 =	vadd.f32 v45, v4;
	v45 =	vadd.f32 v46, v5;
	v5 =	vld [tilespmem:s1+$0x5810]  }
0x18f: {  	v0 =	vadd.f32 v0, v62;
	v62 =	vld [tilespmem:s1+$0x5450]  }
0x190: {  	v2 =	vadd.f32 v2, v3;
	v3 =	vld [tilespmem:s1+$0x5470];
	v1 =	vadd.f32 v37, v1  }
0x191: {  	v46 =	vadd.f32 v39, v4;
	v37 =	vld [tilespmem:s1+$0x5820];
	v48 =	vadd.f32 v48, v63  }
0x192: {  	[tilespmem:$0x1FFA0] =	vst v43;
	v0 =	vadd.f32 v35, v0;
	v35 =	vld [tilespmem:s1+$0x5800]  }
0x193: {  	[tilespmem:s1+$0x5430] =	vst v46;
	v46 =	vld [tilespmem:s1+$0x5850];
	v39 =	vadd.f32 v33, v48  }
0x194: {  	[tilespmem:s1+$0x5410] =	vst v1;
	v48 =	vadd.f32 v51, v5;
	v5 =	vld [tilespmem:s1+$0x5860];
	v4 =	vadd.f32 v47, v62  }
0x195: {  	v3 =	vadd.f32 v49, v3;
	v51 =	vld [tilespmem:s1+$0x5870];
	[tilespmem:s1+$0x5400] =	vst v0;
	v0 =	vadd.f32 v38, v2  }
0x196: {  	[tilespmem:s1+$0x5460] =	vst v39;
	v47 =	vadd.f32 v36, v45;
	v38 =	vadd.f32 v34, v4;
	v4 =	vld [tilespmem:s1+$0x5840]  }
0x197: {  	v62 =	vld [tilespmem:s1+$0x5830];
	[tilespmem:s1+$0x5420] =	vst v0;
	v45 =	vadd.f32 v50, v35;
	v50 =	vadd.f32 v52, v37  }
0x198: {  	v43 =	vld [tilespmem:s1+$0x9C50];
	[tilespmem:s1+$0x5440] =	vst v47;
	v47 =	vadd.f32 v32, v3;
	v52 =	vadd.f32 v30, v48  }
0x199: {  	v34 =	vld [tilespmem:s1+$0x5C00];
	[tilespmem:s1+$0x5450] =	vst v38;
	v49 =	vadd.f32 v31, v45;
	v35 =	vadd.f32 v29, v50  }
0x19a: {  	[tilespmem:s1+$0x5470] =	vst v47;
	v38 =	vadd.f32 v55, v46;
	v45 =	vadd.f32 v56, v5;
	v5 =	vld [tilespmem:s1+$0x5C30]  }
0x19b: {  	[tilespmem:s1+$0x5810] =	vst v52;
	v47 =	vadd.f32 v57, v51;
	v36 =	vadd.f32 v54, v4;
	v4 =	vld [tilespmem:s1+$0x5C10]  }
0x19c: {  	v62 =	vadd.f32 v53, v62;
	[tilespmem:s1+$0x5800] =	vst v49;
	v46 =	vadd.f32 v26, v38;
	v26 =	vld [tilespmem:s1+$0x5C40]  }
0x19d: {  	[tilespmem:s1+$0x5820] =	vst v35;
	v48 =	vadd.f32 v25, v45;
	v25 =	vld [tilespmem:s1+$0x5C50]  }
0x19e: {  	v50 =	vadd.f32 v24, v47;
	v37 =	vadd.f32 v28, v62;
	v28 =	vld [tilespmem:s1+$0x5C20];
	[tilespmem:s1+$0x5850] =	vst v46  }
0x19f: {  	v49 =	vadd.f32 v58, v34;
	v62 =	vld [tilespmem:$0x1FF90];
	[tilespmem:s1+$0x5860] =	vst v48;
	v39 =	vadd.f32 v17, v36  }
0x1a0: {  	[tilespmem:s1+$0x5870] =	vst v50;
	v55 =	vadd.f32 v61, v5;
	v51 =	vadd.f32 v59, v4;
	v4 =	vld [tilespmem:s1+$0x5C60]  }
0x1a1: {  	[tilespmem:s1+$0x5830] =	vst v37;
	v52 =	vadd.f32 v23, v49;
	v23 =	vld [tilespmem:s1+$0x5C70];
	v57 =	vadd.f32 v44, v26  }
0x1a2: {  	p0 =	sne.s32 s17, $0x3E00;
	v5 =	vld [tilespmem:s1+$0x6000];
	[tilespmem:s1+$0x5840] =	vst v39;
	v58 =	vadd.f32 v20, v55  }
.Ltmp2:
0x1a3: {  	v17 =	vld [tilespmem:s1+$0x6050];
	[tilespmem:s1+$0x5C00] =	vst v52;
	v53 =	vadd.f32 v60, v28;
	v60 =	vadd.f32 v19, v57;
	(pc) =	sbr.rel @p0 .LBB2_3-.Ltmp2, $4  }
0x1a4: {  	v20 =	vld [tilespmem:s1+$0x6020];
	v59 =	vadd.f32 v43, v25;
	[tilespmem:s1+$0x5C30] =	vst v58;
	v54 =	vadd.f32 v22, v51  }
0x1a5: {  	v19 =	vld [tilespmem:s1+$0x6030];
	v56 =	vadd.f32 v21, v53;
	[tilespmem:s1+$0x5C40] =	vst v60;
	v61 =	vadd.f32 v42, v4  }
0x1a6: {  	v21 =	vld [tilespmem:s1+$0x6010];
	v22 =	vadd.f32 v18, v59;
	v23 =	vadd.f32 v41, v23;
	[tilespmem:s1+$0x5C10] =	vst v54  }
0x1a7: {  	s17 =	sadd.s32 $0x200, s17;
	v63 =	vmovc v6;
	v6 =	vmov v7;
	v18 =	vld [tilespmem:s1+$0x6040];
	v24 =	vadd.f32 v40, v5;
	[tilespmem:s1+$0x5C20] =	vst v56;
	v25 =	vadd.f32 v62, v61  }
0x1a8: {  	v1 =	vld [tilespmem:s1+$0x6060]  }
0x1a9: {  	v4 =	vld [tilespmem:s1+$0x6070]  }
0x1aa: {  	v32 =	vld [tilespmem:$0x1FFB0]  }
0x1ab: {  	[tilespmem:s1+$0x5C50] =	vst v22;
	v0 =	vadd.f32 v9, v23;
	v31 =	vld [tilespmem:$0x1FFA0];
	v29 =	vadd.f32 v15, v20  }
0x1ac: {  	v5 =	vld [tilespmem:s1+$0xE060];
	[tilespmem:s1+$0x5C60] =	vst v25;
	v3 =	vadd.f32 v8, v24;
	v2 =	vadd.f32 v16, v21  }
0x1ad: {  	[tilespmem:s1+$0x5C70] =	vst v0;
	v0 =	vadd.f32 v6, v29;
	v6 =	vld [tilespmem:s1+$0xE070];
	v30 =	vadd.f32 v13, v18  }
0x1ae: {  	v7 =	vadd.f32 v14, v19;
	[tilespmem:s1+$0x6000] =	vst v3;
	v2 =	vadd.f32 v27, v2  }
0x1af: {  	[tilespmem:s1+$0x6020] =	vst v0;
	v1 =	vadd.f32 v11, v1;
	v0 =	vadd.f32 v32, v30  }
0x1b0: {  	v34 =	vadd.f32 v10, v4;
	[tilespmem:s1+$0x6010] =	vst v2;
	v2 =	vadd.f32 v31, v7  }
0x1b1: {  	v7 =	vadd.f32 v12, v17;
	v35 =	vadd.f32 v5, v1;
	[tilespmem:s1+$0x6040] =	vst v0  }
0x1b2: {  	s0 =	sshll.u32 s31, $0xF;
	v36 =	vadd.f32 v6, v34;
	[tilespmem:s1+$0x6030] =	vst v2  }
0x1b3: {  	s0 =	sadd.s32 s13, s0;
	v33 =	vadd.f32 v63, v7;
	[tilespmem:s1+$0x6060] =	vst v35  }
0x1b4: {  	s17 =	rddreg [dreg:$0x1];
	s0 =	sshrl.u32 s0, $0x3;
	[tilespmem:s1+$0x6070] =	vst v36  }
0x1b5: {  	[tilespmem:s1+$0x6050] =	vst v33;
	s1 =	sadd.s32 s17, s0;
	s0 =	simm.s32 $0x0  }
0x1b6: {  	[hbm4b:s1+s0] =	stream.linear.scatter [tilespmem:s19], [sflag:$0x3], $0x4000, $0x38;
	[tilespmem:$0x1D400] =	vst v63  }
0x1b7: {  	_ =	swait.ge [sflag:s28], $0x4000  }
0x1b8: {  	[sflag:s28] =	ssyncset.done $0x0  }
0x1b9: {  	[sflag:s28] =	ssyncadd.s32 $0xFFFFC000  }
0x1ba: {  	_ =	swait.ge [sflag:s28], $0x4000  }
0x1bb: {  	[sflag:s28] =	ssyncset.done $0x0  }
0x1bc: {  	[sflag:s28] =	ssyncadd.s32 $0xFFFFC000  }
0x1bd: {  	_ =	swait.ge [sflag:s28], $0x4000  }
0x1be: {  	s18 =	sand.u32 $0x3000, s0;
	s7 =	sand.u32 $0x380, s0;
	[sflag:s28] =	ssyncset.done $0x0  }
0x1bf: {  	s1 =	sor.u32 s7, s18;
	[sflag:s28] =	ssyncadd.s32 $0xFFFFC000  }
0x1c0: {  	v17 =	vld [tilespmem:s1+$0x19400]  }
0x1c1: {  	v18 =	vld [tilespmem:s1+$0x19410]  }
0x1c2: {  	v19 =	vld [tilespmem:s1+$0x19420]  }
0x1c3: {  	v20 =	vld [tilespmem:s1+$0x19430]  }
0x1c4: {  	v21 =	vld [tilespmem:s1+$0x19440]  }
0x1c5: {  	v22 =	vld [tilespmem:s1+$0x19450]  }
0x1c6: {  	v23 =	vld [tilespmem:s1+$0x19460]  }
0x1c7: {  	v24 =	vld [tilespmem:s1+$0x19470]  }
0x1c8: {  	v25 =	vld [tilespmem:s1+$0x19800]  }
0x1c9: {  	v26 =	vld [tilespmem:s1+$0x19810]  }
0x1ca: {  	v27 =	vld [tilespmem:s1+$0x19820]  }
0x1cb: {  	v28 =	vld [tilespmem:s1+$0x19830]  }
0x1cc: {  	v29 =	vld [tilespmem:s1+$0x19840]  }
0x1cd: {  	v30 =	vld [tilespmem:s1+$0x19850]  }
0x1ce: {  	v31 =	vld [tilespmem:s1+$0x19860]  }
0x1cf: {  	v32 =	vld [tilespmem:s1+$0x19870]  }
0x1d0: {  	v33 =	vld [tilespmem:s1+$0x19C00]  }
0x1d1: {  	v34 =	vld [tilespmem:s1+$0x19C10]  }
0x1d2: {  	v35 =	vld [tilespmem:s1+$0x19C20]  }
0x1d3: {  	v36 =	vld [tilespmem:s1+$0x19C30]  }
0x1d4: {  	v5 =	vld [tilespmem:s1+$0x19C40]  }
0x1d5: {  	v4 =	vld [tilespmem:s1+$0x19C50]  }
0x1d6: {  	v3 =	vld [tilespmem:s1+$0x19C60]  }
0x1d7: {  	v9 =	vld [tilespmem:s1+$0x19C70]  }
0x1d8: {  	v8 =	vld [tilespmem:s1+$0x1A000]  }
0x1d9: {  	v7 =	vld [tilespmem:s1+$0x1A010]  }
0x1da: {  	v6 =	vld [tilespmem:s1+$0x1A020]  }
0x1db: {  	v37 =	vld [tilespmem:s1+$0x1A030]  }
0x1dc: {  	v38 =	vld [tilespmem:s1+$0x1A040]  }
0x1dd: {  	v39 =	vld [tilespmem:s1+$0x1A050]  }
0x1de: {  	v40 =	vld [tilespmem:s1+$0x15430]  }
0x1df: {  	v41 =	vld [tilespmem:s1+$0x15440]  }
0x1e0: {  	v42 =	vld [tilespmem:s1+$0x15450]  }
0x1e1: {  	v43 =	vld [tilespmem:s1+$0x15460]  }
0x1e2: {  	v44 =	vld [tilespmem:s1+$0x15470]  }
0x1e3: {  	v45 =	vld [tilespmem:s1+$0x15800]  }
0x1e4: {  	v46 =	vld [tilespmem:s1+$0x15810]  }
0x1e5: {  	v47 =	vld [tilespmem:s1+$0x15820]  }
0x1e6: {  	v48 =	vld [tilespmem:s1+$0x15830]  }
0x1e7: {  	v49 =	vld [tilespmem:s1+$0x15840]  }
0x1e8: {  	v50 =	vld [tilespmem:s1+$0x15850]  }
0x1e9: {  	v51 =	vld [tilespmem:s1+$0x15860]  }
0x1ea: {  	v52 =	vld [tilespmem:s1+$0x15870]  }
0x1eb: {  	v53 =	vld [tilespmem:s1+$0x15C00]  }
0x1ec: {  	v54 =	vld [tilespmem:s1+$0x15C10]  }
0x1ed: {  	v55 =	vld [tilespmem:s1+$0x15C20]  }
0x1ee: {  	v56 =	vld [tilespmem:s1+$0x15C30]  }
0x1ef: {  	v57 =	vld [tilespmem:s1+$0x15C40]  }
0x1f0: {  	v58 =	vld [tilespmem:s1+$0x15C50]  }
0x1f1: {  	v59 =	vld [tilespmem:s1+$0x15C60]  }
0x1f2: {  	v60 =	vld [tilespmem:s1+$0x15C70]  }
0x1f3: {  	v61 =	vld [tilespmem:s1+$0x16000]  }
0x1f4: {  	v16 =	vld [tilespmem:s1+$0x16010]  }
0x1f5: {  	v15 =	vld [tilespmem:s1+$0x16020]  }
0x1f6: {  	v14 =	vld [tilespmem:s1+$0x16030]  }
0x1f7: {  	v13 =	vld [tilespmem:s1+$0x16040]  }
0x1f8: {  	v12 =	vld [tilespmem:s1+$0x16050]  }
0x1f9: {  	v62 =	vld [tilespmem:s1+$0x11400]  }
0x1fa: {  	v63 =	vld [tilespmem:s1+$0x11410]  }
0x1fb: {  	v0 =	vld [tilespmem:s1+$0x11420]  }
0x1fc: {  	v1 =	vld [tilespmem:s1+$0x11430]  }
0x1fd: {  	[tilespmem:$0x1FF60] =	vst v37;
	v37 =	vld [tilespmem:s1+$0x15400]  }
0x1fe: {  	[tilespmem:$0x1FF70] =	vst v38;
	v38 =	vld [tilespmem:s1+$0x15410]  }
0x1ff: {  	[tilespmem:$0x1FF80] =	vst v39;
	v39 =	vld [tilespmem:s1+$0x15420]  }
0x200: {  	v2 =	vld [tilespmem:s1+$0x11440]  }
0x201: {  	v11 =	vld [tilespmem:s1+$0x16060]  }
0x202: {  	v1 =	vadd.f32 v40, v1;
	v40 =	vld [tilespmem:s1+$0x11800]  }
0x203: {  	v37 =	vadd.f32 v37, v62;
	v62 =	vld [tilespmem:s1+$0x11450]  }
0x204: {  	v38 =	vadd.f32 v38, v63;
	v63 =	vld [tilespmem:s1+$0x11460];
	v0 =	vadd.f32 v39, v0  }
0x205: {  	v2 =	vadd.f32 v41, v2;
	v17 =	vadd.f32 v17, v37;
	v37 =	vld [tilespmem:s1+$0x11470]  }
0x206: {  	v18 =	vadd.f32 v18, v38;
	v0 =	vadd.f32 v19, v0;
	v19 =	vld [tilespmem:s1+$0x11820]  }
0x207: {  	v1 =	vadd.f32 v20, v1;
	v38 =	vadd.f32 v45, v40;
	[tilespmem:s1+$0x11400] =	vst v17;
	v17 =	vld [tilespmem:s1+$0x11810]  }
0x208: {  	[tilespmem:s1+$0x11410] =	vst v18;
	v18 =	vadd.f32 v42, v62;
	v42 =	vadd.f32 v21, v2;
	v21 =	vld [tilespmem:s1+$0x11840]  }
0x209: {  	v20 =	vld [tilespmem:s1+$0x11830];
	[tilespmem:s1+$0x11430] =	vst v1;
	v40 =	vadd.f32 v25, v38;
	v62 =	vadd.f32 v43, v63  }
0x20a: {  	v10 =	vld [tilespmem:s1+$0x16070];
	[tilespmem:s1+$0x11420] =	vst v0;
	v63 =	vadd.f32 v22, v18;
	v18 =	vadd.f32 v44, v37  }
0x20b: {  	[tilespmem:s1+$0x11800] =	vst v40;
	v37 =	vadd.f32 v23, v62;
	v22 =	vld [tilespmem:s1+$0x11850];
	v41 =	vadd.f32 v47, v19  }
0x20c: {  	[tilespmem:s1+$0x11440] =	vst v42;
	v39 =	vadd.f32 v24, v18;
	v17 =	vadd.f32 v46, v17;
	v18 =	vld [tilespmem:s1+$0x11860]  }
0x20d: {  	v19 =	vld [tilespmem:s1+$0x11870];
	[tilespmem:s1+$0x11450] =	vst v63;
	v43 =	vadd.f32 v27, v41;
	v44 =	vadd.f32 v49, v21  }
0x20e: {  	[tilespmem:s1+$0x11460] =	vst v37;
	v42 =	vadd.f32 v26, v17;
	v17 =	vadd.f32 v48, v20;
	v20 =	vld [tilespmem:s1+$0x11C00]  }
0x20f: {  	v21 =	vld [tilespmem:s1+$0x11C10];
	[tilespmem:s1+$0x11470] =	vst v39;
	v46 =	vadd.f32 v29, v44  }
0x210: {  	[tilespmem:s1+$0x11820] =	vst v43;
	v45 =	vadd.f32 v28, v17;
	v17 =	vadd.f32 v50, v22;
	v22 =	vld [tilespmem:s1+$0x11C20]  }
0x211: {  	[tilespmem:s1+$0x11810] =	vst v42;
	v47 =	vadd.f32 v51, v18;
	v18 =	vld [tilespmem:s1+$0x11C30]  }
0x212: {  	[tilespmem:s1+$0x11840] =	vst v46;
	v48 =	vadd.f32 v30, v17;
	v17 =	vadd.f32 v52, v19;
	v19 =	vld [tilespmem:s1+$0x11C40]  }
0x213: {  	v23 =	vld [tilespmem:s1+$0x11C60];
	[tilespmem:s1+$0x11830] =	vst v45;
	v49 =	vadd.f32 v31, v47;
	v50 =	vadd.f32 v53, v20  }
0x214: {  	v20 =	vld [tilespmem:s1+$0x11C50];
	[tilespmem:s1+$0x11850] =	vst v48;
	v51 =	vadd.f32 v32, v17;
	v17 =	vadd.f32 v54, v21  }
0x215: {  	v24 =	vld [tilespmem:s1+$0x11C70];
	[tilespmem:s1+$0x11860] =	vst v49;
	v52 =	vadd.f32 v33, v50;
	v53 =	vadd.f32 v55, v22  }
0x216: {  	v26 =	vld [tilespmem:s1+$0x12000];
	[tilespmem:s1+$0x11870] =	vst v51;
	v54 =	vadd.f32 v34, v17;
	v17 =	vadd.f32 v56, v18  }
0x217: {  	v21 =	vld [tilespmem:s1+$0x12010];
	[tilespmem:s1+$0x11C00] =	vst v52;
	v55 =	vadd.f32 v35, v53;
	v56 =	vadd.f32 v57, v19  }
0x218: {  	v63 =	vadd.f32 v59, v23;
	v18 =	vld [tilespmem:s1+$0x12040];
	[tilespmem:s1+$0x11C10] =	vst v54;
	v57 =	vadd.f32 v36, v17  }
0x219: {  	v19 =	vld [tilespmem:s1+$0x12030];
	v17 =	vadd.f32 v58, v20;
	[tilespmem:s1+$0x11C20] =	vst v55;
	v62 =	vadd.f32 v5, v56  }
0x21a: {  	v23 =	vadd.f32 v60, v24;
	v25 =	vadd.f32 v3, v63;
	v20 =	vld [tilespmem:s1+$0x12020];
	[tilespmem:s1+$0x11C30] =	vst v57  }
0x21b: {  	s17 =	simm.s32 $0x200;
	v24 =	vadd.f32 v61, v26;
	v22 =	vadd.f32 v4, v17;
	v17 =	vld [tilespmem:s1+$0x12050];
	[tilespmem:s1+$0x11C40] =	vst v62  }
.LBB2_5:
0x21c: {  	v2 =	vld [tilespmem:s1+$0x12060]  }
0x21d: {  	v31 =	vld [tilespmem:$0x1FF60]  }
0x21e: {  	v3 =	vld [tilespmem:$0x1FF70]  }
0x21f: {  	v33 =	vld [tilespmem:$0x1FF80];
	[tilespmem:s1+$0x11C50] =	vst v22;
	v0 =	vadd.f32 v9, v23;
	v1 =	vadd.f32 v16, v21  }
0x220: {  	s0 =	sadd.s32 $0x80, s0;
	[tilespmem:s1+$0x11C60] =	vst v25;
	v8 =	vadd.f32 v8, v24;
	v9 =	vadd.f32 v15, v20;
	v15 =	vld [tilespmem:s1+$0x12070]  }
0x221: {  	s7 =	sand.u32 $0x3000, s17;
	s18 =	sand.u32 $0x380, s0;
	v30 =	vadd.f32 v14, v19;
	[tilespmem:s1+$0x11C70] =	vst v0;
	v29 =	vadd.f32 v7, v1;
	v7 =	vld [tilespmem:s1+$0x1A060]  }
0x222: {  	s7 =	sor.u32 s18, s7;
	[tilespmem:s1+$0x12000] =	vst v8;
	v6 =	vadd.f32 v6, v9;
	v8 =	vadd.f32 v13, v18;
	v9 =	vld [tilespmem:s1+$0x1A070]  }
0x223: {  	v32 =	vadd.f32 v12, v17;
	v0 =	vadd.f32 v31, v30;
	v35 =	vld [tilespmem:s7+$0x19400];
	[tilespmem:s1+$0x12010] =	vst v29  }
0x224: {  	v2 =	vadd.f32 v11, v2;
	v4 =	vadd.f32 v3, v8;
	v37 =	vld [tilespmem:s7+$0x19410];
	[tilespmem:s1+$0x12020] =	vst v6  }
0x225: {  	v34 =	vadd.f32 v10, v15;
	v38 =	vld [tilespmem:s7+$0x19420];
	[tilespmem:s1+$0x12030] =	vst v0;
	v0 =	vadd.f32 v33, v32  }
0x226: {  	v39 =	vld [tilespmem:s7+$0x19430];
	[tilespmem:s1+$0x12040] =	vst v4;
	v2 =	vadd.f32 v7, v2  }
0x227: {  	v42 =	vadd.f32 v9, v34;
	v36 =	vld [tilespmem:s7+$0x19440];
	[tilespmem:s1+$0x12050] =	vst v0  }
0x228: {  	v34 =	vld [tilespmem:s7+$0x19450];
	[tilespmem:s1+$0x12060] =	vst v2  }
0x229: {  	v33 =	vld [tilespmem:s7+$0x19460];
	[tilespmem:s1+$0x12070] =	vst v42;
	s1 =	smov.u32 s7  }
0x22a: {  	v32 =	vld [tilespmem:s1+$0x19470]  }
0x22b: {  	v31 =	vld [tilespmem:s1+$0x19800]  }
0x22c: {  	v30 =	vld [tilespmem:s1+$0x19810]  }
0x22d: {  	v29 =	vld [tilespmem:s1+$0x19820]  }
0x22e: {  	v28 =	vld [tilespmem:s1+$0x19830]  }
0x22f: {  	v27 =	vld [tilespmem:s1+$0x19840]  }
0x230: {  	v26 =	vld [tilespmem:s1+$0x19850]  }
0x231: {  	v25 =	vld [tilespmem:s1+$0x19860]  }
0x232: {  	v24 =	vld [tilespmem:s1+$0x19870]  }
0x233: {  	v23 =	vld [tilespmem:s1+$0x19C00]  }
0x234: {  	v22 =	vld [tilespmem:s1+$0x19C10]  }
0x235: {  	v21 =	vld [tilespmem:s1+$0x19C20]  }
0x236: {  	v20 =	vld [tilespmem:s1+$0x19C30]  }
0x237: {  	v19 =	vld [tilespmem:s1+$0x19C40]  }
0x238: {  	v18 =	vld [tilespmem:s1+$0x19C50]  }
0x239: {  	v17 =	vld [tilespmem:s1+$0x19C60]  }
0x23a: {  	v9 =	vld [tilespmem:s1+$0x19C70]  }
0x23b: {  	v8 =	vld [tilespmem:s1+$0x1A000]  }
0x23c: {  	v7 =	vld [tilespmem:s1+$0x1A010]  }
0x23d: {  	v6 =	vld [tilespmem:s1+$0x1A020]  }
0x23e: {  	v0 =	vld [tilespmem:s1+$0x1A030]  }
0x23f: {  	v43 =	vld [tilespmem:s1+$0x1A040]  }
0x240: {  	v44 =	vld [tilespmem:s1+$0x1A050]  }
0x241: {  	v1 =	vld [tilespmem:s1+$0x15410]  }
0x242: {  	v2 =	vld [tilespmem:s1+$0x15420]  }
0x243: {  	v45 =	vld [tilespmem:s1+$0x15430]  }
0x244: {  	v46 =	vld [tilespmem:s1+$0x15440]  }
0x245: {  	v47 =	vld [tilespmem:s1+$0x15450]  }
0x246: {  	v48 =	vld [tilespmem:s1+$0x15460]  }
0x247: {  	v49 =	vld [tilespmem:s1+$0x15470]  }
0x248: {  	v50 =	vld [tilespmem:s1+$0x15800]  }
0x249: {  	v51 =	vld [tilespmem:s1+$0x15810]  }
0x24a: {  	v52 =	vld [tilespmem:s1+$0x15820]  }
0x24b: {  	v53 =	vld [tilespmem:s1+$0x15830]  }
0x24c: {  	v54 =	vld [tilespmem:s1+$0x15840]  }
0x24d: {  	v55 =	vld [tilespmem:s1+$0x15850]  }
0x24e: {  	v56 =	vld [tilespmem:s1+$0x15860]  }
0x24f: {  	v57 =	vld [tilespmem:s1+$0x15870]  }
0x250: {  	v58 =	vld [tilespmem:s1+$0x15C00]  }
0x251: {  	v59 =	vld [tilespmem:s1+$0x15C10]  }
0x252: {  	v60 =	vld [tilespmem:s1+$0x15C20]  }
0x253: {  	v61 =	vld [tilespmem:s1+$0x15C30]  }
0x254: {  	v42 =	vld [tilespmem:s1+$0x15C60]  }
0x255: {  	v41 =	vld [tilespmem:s1+$0x15C70]  }
0x256: {  	v40 =	vld [tilespmem:s1+$0x16000]  }
0x257: {  	v16 =	vld [tilespmem:s1+$0x16010]  }
0x258: {  	v15 =	vld [tilespmem:s1+$0x16020]  }
0x259: {  	v14 =	vld [tilespmem:s1+$0x16030]  }
0x25a: {  	v13 =	vld [tilespmem:s1+$0x16040]  }
0x25b: {  	v12 =	vld [tilespmem:s1+$0x16050]  }
0x25c: {  	v11 =	vld [tilespmem:s1+$0x16060]  }
0x25d: {  	v62 =	vld [tilespmem:s1+$0x11400]  }
0x25e: {  	v63 =	vld [tilespmem:s1+$0x11410]  }
0x25f: {  	v3 =	vld [tilespmem:s1+$0x11420]  }
0x260: {  	v4 =	vld [tilespmem:s1+$0x11430]  }
0x261: {  	[tilespmem:$0x1FF60] =	vst v0;
	v0 =	vld [tilespmem:s1+$0x15400]  }
0x262: {  	v5 =	vld [tilespmem:s1+$0x11440]  }
0x263: {  	v1 =	vadd.f32 v1, v63;
	v63 =	vld [tilespmem:s1+$0x11460]  }
0x264: {  	v2 =	vadd.f32 v2, v3;
	v3 =	vld [tilespmem:s1+$0x11470]  }
0x265: {  	v10 =	vld [tilespmem:s1+$0x16070]  }
0x266: {  	v4 =	vadd.f32 v45, v4;
	v0 =	vadd.f32 v0, v62;
	v62 =	vld [tilespmem:s1+$0x11450]  }
0x267: {  	v45 =	vadd.f32 v46, v5;
	v5 =	vld [tilespmem:s1+$0x11810];
	v1 =	vadd.f32 v37, v1  }
0x268: {  	[tilespmem:$0x1FF70] =	vst v43;
	v46 =	vadd.f32 v39, v4;
	v63 =	vadd.f32 v48, v63;
	v48 =	vld [tilespmem:s1+$0x11850]  }
0x269: {  	[tilespmem:$0x1FF80] =	vst v44;
	v3 =	vadd.f32 v49, v3;
	v0 =	vadd.f32 v35, v0;
	v35 =	vld [tilespmem:s1+$0x11800]  }
0x26a: {  	v44 =	vld [tilespmem:s1+$0x15C40];
	[tilespmem:s1+$0x11430] =	vst v46;
	v46 =	vadd.f32 v33, v63  }
0x26b: {  	v37 =	vld [tilespmem:s1+$0x11820];
	[tilespmem:s1+$0x11410] =	vst v1;
	v49 =	vadd.f32 v32, v3;
	v4 =	vadd.f32 v47, v62  }
0x26c: {  	[tilespmem:s1+$0x11400] =	vst v0;
	v0 =	vadd.f32 v38, v2;
	v62 =	vadd.f32 v36, v45;
	v36 =	vld [tilespmem:s1+$0x11830]  }
0x26d: {  	[tilespmem:s1+$0x11460] =	vst v46;
	v39 =	vadd.f32 v55, v48;
	v45 =	vadd.f32 v34, v4;
	v4 =	vld [tilespmem:s1+$0x11840]  }
0x26e: {  	[tilespmem:s1+$0x11470] =	vst v49;
	v47 =	vadd.f32 v50, v35;
	v50 =	vadd.f32 v51, v5;
	v5 =	vld [tilespmem:s1+$0x11860]  }
0x26f: {  	[tilespmem:s1+$0x11440] =	vst v62;
	v62 =	vld [tilespmem:s1+$0x11870]  }
0x270: {  	v52 =	vadd.f32 v52, v37;
	[tilespmem:s1+$0x11420] =	vst v0;
	v35 =	vld [tilespmem:s1+$0x11C00];
	v48 =	vadd.f32 v26, v39  }
0x271: {  	[tilespmem:s1+$0x11450] =	vst v45;
	v51 =	vadd.f32 v31, v47;
	v45 =	vld [tilespmem:s1+$0x11C20];
	v34 =	vadd.f32 v53, v36  }
0x272: {  	v63 =	vadd.f32 v30, v50;
	[tilespmem:s1+$0x11850] =	vst v48;
	v37 =	vadd.f32 v54, v4;
	v4 =	vld [tilespmem:s1+$0x11C10]  }
0x273: {  	v43 =	vld [tilespmem:s1+$0x15C50];
	v36 =	vadd.f32 v29, v52;
	[tilespmem:s1+$0x11800] =	vst v51;
	v38 =	vadd.f32 v28, v34  }
0x274: {  	[tilespmem:s1+$0x11810] =	vst v63;
	v47 =	vadd.f32 v56, v5;
	v5 =	vld [tilespmem:s1+$0x11C30];
	v49 =	vadd.f32 v57, v62  }
0x275: {  	v26 =	vld [tilespmem:s1+$0x11C40];
	[tilespmem:s1+$0x11820] =	vst v36;
	v51 =	vadd.f32 v58, v35;
	v46 =	vadd.f32 v27, v37  }
0x276: {  	[tilespmem:s1+$0x11830] =	vst v38;
	v50 =	vadd.f32 v25, v47;
	v25 =	vld [tilespmem:s1+$0x11C50];
	v52 =	vadd.f32 v24, v49  }
0x277: {  	v55 =	vadd.f32 v60, v45;
	[tilespmem:s1+$0x11840] =	vst v46;
	v53 =	vadd.f32 v59, v4;
	v4 =	vld [tilespmem:s1+$0x11C60]  }
0x278: {  	v54 =	vadd.f32 v23, v51;
	v23 =	vld [tilespmem:s1+$0x11C70];
	[tilespmem:s1+$0x11860] =	vst v50  }
0x279: {  	p0 =	sne.s32 s17, $0x3E00;
	[tilespmem:s1+$0x11870] =	vst v52;
	v58 =	vadd.f32 v21, v55;
	v57 =	vadd.f32 v61, v5;
	v5 =	vld [tilespmem:s1+$0x12000]  }
.Ltmp3:
0x27a: {  	[tilespmem:s1+$0x11C00] =	vst v54;
	v21 =	vld [tilespmem:s1+$0x12010];
	v59 =	vadd.f32 v44, v26;
	v56 =	vadd.f32 v22, v53;
	(pc) =	sbr.rel @p0 .LBB2_5-.Ltmp3, $4  }
0x27b: {  	[tilespmem:s1+$0x11C20] =	vst v58;
	v60 =	vadd.f32 v20, v57;
	v61 =	vadd.f32 v43, v25;
	v20 =	vld [tilespmem:s1+$0x12020]  }
0x27c: {  	v62 =	vadd.f32 v19, v59;
	v19 =	vld [tilespmem:s1+$0x12030];
	[tilespmem:s1+$0x11C10] =	vst v56;
	v63 =	vadd.f32 v42, v4  }
0x27d: {  	v23 =	vadd.f32 v41, v23;
	[tilespmem:s1+$0x11C30] =	vst v60;
	v22 =	vadd.f32 v18, v61;
	v18 =	vld [tilespmem:s1+$0x12040]  }
0x27e: {  	s17 =	sadd.s32 $0x200, s17;
	[tilespmem:s1+$0x11C40] =	vst v62;
	v24 =	vadd.f32 v40, v5;
	v25 =	vadd.f32 v17, v63;
	v17 =	vld [tilespmem:s1+$0x12050]  }
0x27f: {  	v1 =	vld [tilespmem:s1+$0x12060]  }
0x280: {  	v4 =	vld [tilespmem:s1+$0x12070]  }
0x281: {  	v57 =	vld [tilespmem:$0x1FF60]  }
0x282: {  	[tilespmem:s1+$0x11C50] =	vst v22;
	v0 =	vadd.f32 v9, v23;
	v2 =	vadd.f32 v16, v21;
	v59 =	vld [tilespmem:$0x1FF70]  }
0x283: {  	v60 =	vld [tilespmem:$0x1FF80];
	[tilespmem:s1+$0x11C60] =	vst v25;
	v3 =	vadd.f32 v8, v24;
	v53 =	vadd.f32 v15, v20  }
0x284: {  	v5 =	vld [tilespmem:s1+$0x1A060];
	[tilespmem:s1+$0x11C70] =	vst v0;
	v2 =	vadd.f32 v7, v2;
	v54 =	vadd.f32 v14, v19  }
0x285: {  	v56 =	vld [tilespmem:s1+$0x1A070];
	[tilespmem:s1+$0x12000] =	vst v3;
	v0 =	vadd.f32 v6, v53;
	v55 =	vadd.f32 v13, v18  }
0x286: {  	[tilespmem:s1+$0x12010] =	vst v2;
	v58 =	vadd.f32 v12, v17;
	v2 =	vadd.f32 v57, v54  }
0x287: {  	[tilespmem:s1+$0x12020] =	vst v0;
	v0 =	vadd.f32 v59, v55;
	v1 =	vadd.f32 v11, v1  }
0x288: {  	v61 =	vadd.f32 v10, v4;
	[tilespmem:s1+$0x12030] =	vst v2;
	v2 =	vadd.f32 v60, v58  }
0x289: {  	[tilespmem:s1+$0x12040] =	vst v0;
	v62 =	vadd.f32 v5, v1  }
0x28a: {  	v63 =	vadd.f32 v56, v61;
	[tilespmem:s1+$0x12050] =	vst v2  }
0x28b: {  	s0 =	sshll.u32 s31, $0xC;
	p0 =	seq.s32 s31, $0x18;
	[tilespmem:s1+$0x12060] =	vst v62  }
.Ltmp4:
0x28c: {  	s0 =	sadd.s32 s15, s0;
	[tilespmem:s1+$0x12070] =	vst v63;
	(pc) =	sbr.rel @p0 .LBB2_8-.Ltmp4, $4  }
0x28d: {  	[hbm4b:s0+s3] =	stream.linear.scatter [tilespmem:s22], [sflag:$0x4], $0x4000, $0x38;
	[tilespmem:$0x1D400] =	vst v63  }
0x28e: {  	_ =	swait.ge [sflag:s29], $0x4000  }
0x28f: {  	[sflag:s29] =	ssyncset.done $0x0  }
0x290: {  	[sflag:s29] =	ssyncadd.s32 $0xFFFFC000  }
0x291: {  	s0 =	sshll.u32 s31, $0x8  }
0x292: {  	s0 =	sand.u32 $0x3FFFFF00, s0  }
0x293: {  	v0 =	vld [tilespmem:s0+$0x100];
	_ =	sdelay $0x2  }
0x294: {  	v2 =	vld [tilespmem:$0x1FFD0];
	_ =	sdelay $0x1  }
0x295: {  	v3 =	vld [tilespmem:$0x1FFE0];
	v1 =	vshll.u32 v0, $0x2  }
0x296: {  	v0 =	vand.u32 $0x7, v0;
	v1 =	vand.u32 $0xFFFFFFE0, v1  }
0x297: {  	v4 =	vld [tilespmem:$0x1FFF0];
	v0 =	vor.u32 v0, v1  }
0x298: {  	v1 =	vperm.xlane v0, v2;
	_ =	sdelay $0x1  }
0x299: {  	v1 =	vadd.s32 v3, v1;
	_ =	sdelay $0x1  }
0x29a: {  	v0 =	vperm.xlane v0, v4;
	_ =	sdelay $0x1  }
0x29b: {  	v0 =	vadd.s32 v3, v0  }
0x29c: {  	[tilespmem:s19], [sflag:$0x1] =	stream.indirect_vreg.gather [hbm4b:s4+s3], $0x80, v1, vm0, $0xb8;
	[tilespmem:$0x1D400] =	vst v63  }
0x29d: {  	s1 =	simm.s32 $0x5C00  }
0x29e: {  	[tilespmem:s1], [sflag:$0x1] =	stream.indirect_vreg.gather [hbm4b:s10+s3], $0x80, v1, vm0, $0xb8;
	[tilespmem:$0x1D400] =	vst v63  }
0x29f: {  	s17 =	simm.s32 $0x6400  }
0x2a0: {  	[tilespmem:s17], [sflag:$0x1] =	stream.indirect_vreg.gather [hbm4b:s4+s3], $0x80, v0, vm0, $0xb8;
	[tilespmem:$0x1D400] =	vst v63  }
0x2a1: {  	s18 =	simm.s32 $0x6C00  }
0x2a2: {  	[tilespmem:s18], [sflag:$0x1] =	stream.indirect_vreg.gather [hbm4b:s10+s3], $0x80, v0, vm0, $0xb8;
	[tilespmem:$0x1D400] =	vst v63  }
0x2a3: {  	v0 =	vld [tilespmem:s0+$0x110];
	_ =	sdelay $0x4  }
0x2a4: {  	v52 =	vshll.u32 v0, $0x2  }
0x2a5: {  	v0 =	vand.u32 $0x7, v0;
	v1 =	vand.u32 $0xFFFFFFE0, v52  }
0x2a6: {  	v0 =	vor.u32 v0, v1  }
0x2a7: {  	v1 =	vperm.xlane v0, v2;
	_ =	sdelay $0x1  }
0x2a8: {  	v1 =	vadd.s32 v3, v1;
	_ =	sdelay $0x1  }
0x2a9: {  	v0 =	vperm.xlane v0, v4;
	_ =	sdelay $0x1  }
0x2aa: {  	s7 =	simm.s32 $0x7400;
	v0 =	vadd.s32 v3, v0  }
0x2ab: {  	[tilespmem:s7], [sflag:$0x1] =	stream.indirect_vreg.gather [hbm4b:s4+s3], $0x80, v1, vm0, $0xb8;
	[tilespmem:$0x1D400] =	vst v63  }
0x2ac: {  	s17 =	simm.s32 $0x7C00  }
0x2ad: {  	[tilespmem:s17], [sflag:$0x1] =	stream.indirect_vreg.gather [hbm4b:s10+s3], $0x80, v1, vm0, $0xb8;
	[tilespmem:$0x1D400] =	vst v63  }
0x2ae: {  	s18 =	simm.s32 $0x8400  }
0x2af: {  	[tilespmem:s18], [sflag:$0x1] =	stream.indirect_vreg.gather [hbm4b:s4+s3], $0x80, v0, vm0, $0xb8;
	[tilespmem:$0x1D400] =	vst v63  }
0x2b0: {  	s7 =	simm.s32 $0x8C00  }
0x2b1: {  	[tilespmem:s7], [sflag:$0x1] =	stream.indirect_vreg.gather [hbm4b:s10+s3], $0x80, v0, vm0, $0xb8;
	[tilespmem:$0x1D400] =	vst v63  }
0x2b2: {  	v0 =	vld [tilespmem:s0+$0x1D00];
	_ =	sdelay $0x4  }
0x2b3: {  	v53 =	vshll.u32 v0, $0x2  }
0x2b4: {  	v0 =	vand.u32 $0x7, v0;
	v1 =	vand.u32 $0xFFFFFFE0, v53  }
0x2b5: {  	v0 =	vor.u32 v0, v1  }
0x2b6: {  	v1 =	vperm.xlane v0, v2;
	_ =	sdelay $0x1  }
0x2b7: {  	v1 =	vadd.s32 v3, v1;
	_ =	sdelay $0x1  }
0x2b8: {  	v0 =	vperm.xlane v0, v4;
	_ =	sdelay $0x1  }
0x2b9: {  	s17 =	simm.s32 $0x9400;
	v0 =	vadd.s32 v3, v0  }
0x2ba: {  	[tilespmem:s17], [sflag:$0x1] =	stream.indirect_vreg.gather [hbm4b:s5+s3], $0x80, v1, vm0, $0xb8;
	[tilespmem:$0x1D400] =	vst v63  }
0x2bb: {  	s18 =	simm.s32 $0x9C00  }
0x2bc: {  	[tilespmem:s18], [sflag:$0x1] =	stream.indirect_vreg.gather [hbm4b:s11+s3], $0x80, v1, vm0, $0xb8;
	[tilespmem:$0x1D400] =	vst v63  }
0x2bd: {  	s7 =	simm.s32 $0xA400  }
0x2be: {  	[tilespmem:s7], [sflag:$0x1] =	stream.indirect_vreg.gather [hbm4b:s5+s3], $0x80, v0, vm0, $0xb8;
	[tilespmem:$0x1D400] =	vst v63  }
0x2bf: {  	s17 =	simm.s32 $0xAC00  }
0x2c0: {  	[tilespmem:s17], [sflag:$0x1] =	stream.indirect_vreg.gather [hbm4b:s11+s3], $0x80, v0, vm0, $0xb8;
	[tilespmem:$0x1D400] =	vst v63  }
0x2c1: {  	v0 =	vld [tilespmem:s0+$0x1D10];
	_ =	sdelay $0x4  }
0x2c2: {  	v54 =	vshll.u32 v0, $0x2  }
0x2c3: {  	v0 =	vand.u32 $0x7, v0;
	v1 =	vand.u32 $0xFFFFFFE0, v54  }
0x2c4: {  	v0 =	vor.u32 v0, v1  }
0x2c5: {  	v1 =	vperm.xlane v0, v2;
	_ =	sdelay $0x1  }
0x2c6: {  	v1 =	vadd.s32 v3, v1;
	_ =	sdelay $0x1  }
0x2c7: {  	v0 =	vperm.xlane v0, v4;
	_ =	sdelay $0x1  }
0x2c8: {  	s18 =	simm.s32 $0xB400;
	v0 =	vadd.s32 v3, v0  }
0x2c9: {  	[tilespmem:s18], [sflag:$0x1] =	stream.indirect_vreg.gather [hbm4b:s5+s3], $0x80, v1, vm0, $0xb8;
	[tilespmem:$0x1D400] =	vst v63  }
0x2ca: {  	s7 =	simm.s32 $0xBC00  }
0x2cb: {  	[tilespmem:s7], [sflag:$0x1] =	stream.indirect_vreg.gather [hbm4b:s11+s3], $0x80, v1, vm0, $0xb8;
	[tilespmem:$0x1D400] =	vst v63  }
0x2cc: {  	s17 =	simm.s32 $0xC400  }
0x2cd: {  	[tilespmem:s17], [sflag:$0x1] =	stream.indirect_vreg.gather [hbm4b:s5+s3], $0x80, v0, vm0, $0xb8;
	[tilespmem:$0x1D400] =	vst v63  }
0x2ce: {  	s18 =	simm.s32 $0xCC00  }
0x2cf: {  	[tilespmem:s18], [sflag:$0x1] =	stream.indirect_vreg.gather [hbm4b:s11+s3], $0x80, v0, vm0, $0xb8;
	[tilespmem:$0x1D400] =	vst v63  }
0x2d0: {  	v0 =	vld [tilespmem:s0+$0x3900];
	_ =	sdelay $0x4  }
0x2d1: {  	v55 =	vshll.u32 v0, $0x2  }
0x2d2: {  	v0 =	vand.u32 $0x7, v0;
	v1 =	vand.u32 $0xFFFFFFE0, v55  }
0x2d3: {  	v0 =	vor.u32 v0, v1  }
0x2d4: {  	v1 =	vperm.xlane v0, v2;
	_ =	sdelay $0x1  }
0x2d5: {  	v1 =	vadd.s32 v3, v1;
	_ =	sdelay $0x1  }
0x2d6: {  	v0 =	vperm.xlane v0, v4;
	_ =	sdelay $0x1  }
0x2d7: {  	s7 =	simm.s32 $0xD400;
	v0 =	vadd.s32 v3, v0  }
0x2d8: {  	[tilespmem:s7], [sflag:$0x1] =	stream.indirect_vreg.gather [hbm4b:s6+s3], $0x80, v1, vm0, $0xb8;
	[tilespmem:$0x1D400] =	vst v63  }
0x2d9: {  	s17 =	simm.s32 $0xDC00  }
0x2da: {  	[tilespmem:s17], [sflag:$0x1] =	stream.indirect_vreg.gather [hbm4b:s12+s3], $0x80, v1, vm0, $0xb8;
	[tilespmem:$0x1D400] =	vst v63  }
0x2db: {  	s18 =	simm.s32 $0xE400  }
0x2dc: {  	[tilespmem:s18], [sflag:$0x1] =	stream.indirect_vreg.gather [hbm4b:s6+s3], $0x80, v0, vm0, $0xb8;
	[tilespmem:$0x1D400] =	vst v63  }
0x2dd: {  	s7 =	simm.s32 $0xEC00  }
0x2de: {  	[tilespmem:s7], [sflag:$0x1] =	stream.indirect_vreg.gather [hbm4b:s12+s3], $0x80, v0, vm0, $0xb8;
	[tilespmem:$0x1D400] =	vst v63  }
0x2df: {  	v0 =	vld [tilespmem:s0+$0x3910];
	_ =	sdelay $0x4  }
0x2e0: {  	v56 =	vshll.u32 v0, $0x2  }
0x2e1: {  	v0 =	vand.u32 $0x7, v0;
	v1 =	vand.u32 $0xFFFFFFE0, v56  }
0x2e2: {  	v0 =	vor.u32 v0, v1  }
0x2e3: {  	v1 =	vperm.xlane v0, v2;
	_ =	sdelay $0x1  }
0x2e4: {  	v1 =	vadd.s32 v3, v1;
	_ =	sdelay $0x1  }
0x2e5: {  	v0 =	vperm.xlane v0, v4;
	_ =	sdelay $0x1  }
0x2e6: {  	s17 =	simm.s32 $0xF400;
	v0 =	vadd.s32 v3, v0  }
0x2e7: {  	[tilespmem:s17], [sflag:$0x1] =	stream.indirect_vreg.gather [hbm4b:s6+s3], $0x80, v1, vm0, $0xb8;
	[tilespmem:$0x1D400] =	vst v63  }
0x2e8: {  	s18 =	simm.s32 $0xFC00  }
0x2e9: {  	[tilespmem:s18], [sflag:$0x1] =	stream.indirect_vreg.gather [hbm4b:s12+s3], $0x80, v1, vm0, $0xb8;
	[tilespmem:$0x1D400] =	vst v63  }
0x2ea: {  	s7 =	simm.s32 $0x10400  }
0x2eb: {  	[tilespmem:s7], [sflag:$0x1] =	stream.indirect_vreg.gather [hbm4b:s6+s3], $0x80, v0, vm0, $0xb8;
	[tilespmem:$0x1D400] =	vst v63  }
0x2ec: {  	s17 =	simm.s32 $0x10C00  }
0x2ed: {  	[tilespmem:s17], [sflag:$0x1] =	stream.indirect_vreg.gather [hbm4b:s12+s3], $0x80, v0, vm0, $0xb8;
	[tilespmem:$0x1D400] =	vst v63  }
0x2ee: {  	_ =	swait.ge [sflag:s30], $0x4000  }
0x2ef: {  	[sflag:s30] =	ssyncset.done $0x0  }
0x2f0: {  	[sflag:s30] =	ssyncadd.s32 $0xFFFFC000  }
0x2f1: {  	v57 =	vld [tilespmem:s0+$0x180];
	_ =	sdelay $0x4  }
0x2f2: {  	v58 =	vshll.u32 v57, $0x2  }
0x2f3: {  	v0 =	vand.u32 $0x7, v57;
	v1 =	vand.u32 $0xFFFFFFE0, v58  }
0x2f4: {  	v0 =	vor.u32 v0, v1  }
0x2f5: {  	v1 =	vperm.xlane v0, v2;
	_ =	sdelay $0x1  }
0x2f6: {  	v1 =	vadd.s32 v3, v1;
	_ =	sdelay $0x1  }
0x2f7: {  	v0 =	vperm.xlane v0, v4;
	_ =	sdelay $0x1  }
0x2f8: {  	v0 =	vadd.s32 v3, v0  }
0x2f9: {  	[tilespmem:s22], [sflag:$0x2] =	stream.indirect_vreg.gather [hbm4b:s4+s3], $0x80, v1, vm0, $0xb8;
	[tilespmem:$0x1D400] =	vst v63  }
0x2fa: {  	s18 =	simm.s32 $0x11C00  }
0x2fb: {  	[tilespmem:s18], [sflag:$0x2] =	stream.indirect_vreg.gather [hbm4b:s10+s3], $0x80, v1, vm0, $0xb8;
	[tilespmem:$0x1D400] =	vst v63  }
0x2fc: {  	s7 =	simm.s32 $0x12400  }
0x2fd: {  	[tilespmem:s7], [sflag:$0x2] =	stream.indirect_vreg.gather [hbm4b:s4+s3], $0x80, v0, vm0, $0xb8;
	[tilespmem:$0x1D400] =	vst v63  }
0x2fe: {  	s17 =	simm.s32 $0x12C00  }
0x2ff: {  	[tilespmem:s17], [sflag:$0x2] =	stream.indirect_vreg.gather [hbm4b:s10+s3], $0x80, v0, vm0, $0xb8;
	[tilespmem:$0x1D400] =	vst v63  }
0x300: {  	v0 =	vld [tilespmem:s0+$0x190];
	_ =	sdelay $0x4  }
0x301: {  	v59 =	vshll.u32 v0, $0x2  }
0x302: {  	v0 =	vand.u32 $0x7, v0;
	v1 =	vand.u32 $0xFFFFFFE0, v59  }
0x303: {  	v0 =	vor.u32 v0, v1  }
0x304: {  	v1 =	vperm.xlane v0, v2;
	_ =	sdelay $0x1  }
0x305: {  	v1 =	vadd.s32 v3, v1;
	_ =	sdelay $0x1  }
0x306: {  	v0 =	vperm.xlane v0, v4;
	_ =	sdelay $0x1  }
0x307: {  	s18 =	simm.s32 $0x13400;
	v0 =	vadd.s32 v3, v0  }
0x308: {  	[tilespmem:s18], [sflag:$0x2] =	stream.indirect_vreg.gather [hbm4b:s4+s3], $0x80, v1, vm0, $0xb8;
	[tilespmem:$0x1D400] =	vst v63  }
0x309: {  	s7 =	simm.s32 $0x13C00  }
0x30a: {  	[tilespmem:s7], [sflag:$0x2] =	stream.indirect_vreg.gather [hbm4b:s10+s3], $0x80, v1, vm0, $0xb8;
	[tilespmem:$0x1D400] =	vst v63  }
0x30b: {  	s17 =	simm.s32 $0x14400  }
0x30c: {  	[tilespmem:s17], [sflag:$0x2] =	stream.indirect_vreg.gather [hbm4b:s4+s3], $0x80, v0, vm0, $0xb8;
	[tilespmem:$0x1D400] =	vst v63  }
0x30d: {  	s18 =	simm.s32 $0x14C00  }
0x30e: {  	[tilespmem:s18], [sflag:$0x2] =	stream.indirect_vreg.gather [hbm4b:s10+s3], $0x80, v0, vm0, $0xb8;
	[tilespmem:$0x1D400] =	vst v63  }
0x30f: {  	v0 =	vld [tilespmem:s0+$0x1D80];
	_ =	sdelay $0x4  }
0x310: {  	v60 =	vshll.u32 v0, $0x2  }
0x311: {  	v0 =	vand.u32 $0x7, v0;
	v1 =	vand.u32 $0xFFFFFFE0, v60  }
0x312: {  	v0 =	vor.u32 v0, v1  }
0x313: {  	v1 =	vperm.xlane v0, v2;
	_ =	sdelay $0x1  }
0x314: {  	v1 =	vadd.s32 v3, v1;
	_ =	sdelay $0x1  }
0x315: {  	v0 =	vperm.xlane v0, v4;
	_ =	sdelay $0x1  }
0x316: {  	s7 =	simm.s32 $0x15400;
	v0 =	vadd.s32 v3, v0  }
0x317: {  	[tilespmem:s7], [sflag:$0x2] =	stream.indirect_vreg.gather [hbm4b:s5+s3], $0x80, v1, vm0, $0xb8;
	[tilespmem:$0x1D400] =	vst v63  }
0x318: {  	s17 =	simm.s32 $0x15C00  }
0x319: {  	[tilespmem:s17], [sflag:$0x2] =	stream.indirect_vreg.gather [hbm4b:s11+s3], $0x80, v1, vm0, $0xb8;
	[tilespmem:$0x1D400] =	vst v63  }
0x31a: {  	s18 =	simm.s32 $0x16400  }
0x31b: {  	[tilespmem:s18], [sflag:$0x2] =	stream.indirect_vreg.gather [hbm4b:s5+s3], $0x80, v0, vm0, $0xb8;
	[tilespmem:$0x1D400] =	vst v63  }
0x31c: {  	s7 =	simm.s32 $0x16C00  }
0x31d: {  	[tilespmem:s7], [sflag:$0x2] =	stream.indirect_vreg.gather [hbm4b:s11+s3], $0x80, v0, vm0, $0xb8;
	[tilespmem:$0x1D400] =	vst v63  }
0x31e: {  	v0 =	vld [tilespmem:s0+$0x1D90];
	_ =	sdelay $0x4  }
0x31f: {  	v61 =	vshll.u32 v0, $0x2  }
0x320: {  	v0 =	vand.u32 $0x7, v0;
	v1 =	vand.u32 $0xFFFFFFE0, v61  }
0x321: {  	v0 =	vor.u32 v0, v1  }
0x322: {  	v1 =	vperm.xlane v0, v2;
	_ =	sdelay $0x1  }
0x323: {  	v1 =	vadd.s32 v3, v1;
	_ =	sdelay $0x1  }
0x324: {  	v0 =	vperm.xlane v0, v4;
	_ =	sdelay $0x1  }
0x325: {  	s17 =	simm.s32 $0x17400;
	v0 =	vadd.s32 v3, v0  }
0x326: {  	[tilespmem:s17], [sflag:$0x2] =	stream.indirect_vreg.gather [hbm4b:s5+s3], $0x80, v1, vm0, $0xb8;
	[tilespmem:$0x1D400] =	vst v63  }
0x327: {  	s18 =	simm.s32 $0x17C00  }
0x328: {  	[tilespmem:s18], [sflag:$0x2] =	stream.indirect_vreg.gather [hbm4b:s11+s3], $0x80, v1, vm0, $0xb8;
	[tilespmem:$0x1D400] =	vst v63  }
0x329: {  	_ = 	snop  }
0x32a: {  	[tilespmem:s8], [sflag:$0x2] =	stream.indirect_vreg.gather [hbm4b:s5+s3], $0x80, v0, vm0, $0xb8;
	[tilespmem:$0x1D400] =	vst v63  }
0x32b: {  	_ = 	snop  }
0x32c: {  	[tilespmem:s9], [sflag:$0x2] =	stream.indirect_vreg.gather [hbm4b:s11+s3], $0x80, v0, vm0, $0xb8;
	[tilespmem:$0x1D400] =	vst v63  }
0x32d: {  	v0 =	vld [tilespmem:s0+$0x3980];
	_ =	sdelay $0x4  }
0x32e: {  	v62 =	vshll.u32 v0, $0x2  }
0x32f: {  	v0 =	vand.u32 $0x7, v0;
	v1 =	vand.u32 $0xFFFFFFE0, v62  }
0x330: {  	v0 =	vor.u32 v0, v1  }
0x331: {  	v1 =	vperm.xlane v0, v2;
	_ =	sdelay $0x1  }
0x332: {  	v1 =	vadd.s32 v3, v1;
	_ =	sdelay $0x1  }
0x333: {  	v0 =	vperm.xlane v0, v4;
	_ =	sdelay $0x1  }
0x334: {  	v0 =	vadd.s32 v3, v0  }
0x335: {  	[tilespmem:s14], [sflag:$0x2] =	stream.indirect_vreg.gather [hbm4b:s6+s3], $0x80, v1, vm0, $0xb8;
	[tilespmem:$0x1D400] =	vst v63  }
0x336: {  	_ = 	snop  }
0x337: {  	[tilespmem:s16], [sflag:$0x2] =	stream.indirect_vreg.gather [hbm4b:s12+s3], $0x80, v1, vm0, $0xb8;
	[tilespmem:$0x1D400] =	vst v63  }
0x338: {  	_ = 	snop  }
0x339: {  	[tilespmem:s2], [sflag:$0x2] =	stream.indirect_vreg.gather [hbm4b:s6+s3], $0x80, v0, vm0, $0xb8;
	[tilespmem:$0x1D400] =	vst v63  }
0x33a: {  	_ = 	snop  }
0x33b: {  	[tilespmem:s20], [sflag:$0x2] =	stream.indirect_vreg.gather [hbm4b:s12+s3], $0x80, v0, vm0, $0xb8;
	[tilespmem:$0x1D400] =	vst v63  }
0x33c: {  	v0 =	vld [tilespmem:s0+$0x3990];
	_ =	sdelay $0x4  }
0x33d: {  	v63 =	vshll.u32 v0, $0x2  }
0x33e: {  	v0 =	vand.u32 $0x7, v0;
	v1 =	vand.u32 $0xFFFFFFE0, v63  }
0x33f: {  	v0 =	vor.u32 v0, v1  }
0x340: {  	v1 =	vperm.xlane v0, v2;
	_ =	sdelay $0x1  }
0x341: {  	v1 =	vadd.s32 v3, v1;
	_ =	sdelay $0x2  }
0x342: {  	v0 =	vperm.xlane v0, v4;
	_ =	sdelay $0x1  }
0x343: {  	v0 =	vadd.s32 v3, v0;
	[tilespmem:s21], [sflag:$0x2] =	stream.indirect_vreg.gather [hbm4b:s6+s3], $0x80, v1, vm0, $0xb8;
	[tilespmem:$0x1D400] =	vst v63  }
0x344: {  	_ = 	snop  }
0x345: {  	[tilespmem:s23], [sflag:$0x2] =	stream.indirect_vreg.gather [hbm4b:s12+s3], $0x80, v1, vm0, $0xb8;
	[tilespmem:$0x1D400] =	vst v63  }
.Ltmp5:
0x346: {  	_ = 	snop;
	(pc) =	sbr.rel .LBB2_2-.Ltmp5, $4  }
0x347: {  	_ = 	snop  }
0x348: {  	[tilespmem:s24], [sflag:$0x2] =	stream.indirect_vreg.gather [hbm4b:s6+s3], $0x80, v0, vm0, $0xb8;
	[tilespmem:$0x1D400] =	vst v63  }
0x349: {  	s31 =	sadd.s32 $0x1, s31  }
0x34a: {  	[tilespmem:s25], [sflag:$0x2] =	stream.indirect_vreg.gather [hbm4b:s12+s3], $0x80, v0, vm0, $0xb8;
	[tilespmem:$0x1D400] =	vst v63  }
.LBB2_9:
0x34b: {  	_ =	sfence.sel $0x180000  }
0x34c: {  	[bflag:$0x0] =	sbarrier.arrive $0xFFFF  }
0x34d: {  	_ =	strace $0x90000047  }
0x34e: {  	s0 =	stileid.u32;
	[bflag:$0x2] =	sbarrier.arrive $0xFFFF  }
0x34f: {  	p0 =	sne.s32 s0, $0x0;
	s0 =	rddreg [dreg:$0x2]  }
0x350: {  	s0 =	sadd.s32 @!p0 $0x100000, s0  }
0x351: {  	[sflag:s0] =	ssyncadd.tile.s32 @!p0 $0x1;
	_ =	shalt  }
.Lfunc_end2:
_tile_overlayer_lowered:
.L_overlay_start_2:
0x352: {  	(tag) =	ssettag $0x2  }
0x353: {  	s0 =	rddreg [dreg:$0x0];
	s2 =	stileid.u32  }
0x354: {  	s1 =	rddreg [dreg:$0x1];
	p0 =	sne.s32 s2, $0x0  }
0x355: {  	s3 =	rddreg [dreg:$0x2];
	[bflag:$0x3] =	sbarrier.arrive $0xFFFF;
	s2 =	simm.s32 @!p0 $0x1C05  }
0x356: {  	[timem:s3], [sflag:s2] =	dma.local @!p0 [hbm:s0], s1  }
0x357: {  	s0 =	simm.s32 @!p0 $0x5  }
0x358: {  	_ =	swait.ge @!p0 [sflag:s0], s1  }
0x359: {  	s1 =	ssub.s32 @!p0 $0x0, s1;
	[sflag:s0] =	ssyncset.done @!p0 $0x0  }
0x35a: {  	[sflag:s0] =	ssyncadd.s32 @!p0 s1  }
0x35b: {  	[bflag:$0x3] =	sbarrier.arrive $0xFFFF  }
0x35c: {  	_ =	shalt  }

// kernel: sparse-core-data-format-call.cloned.1.call-start
scs
called_computation_lowered:
.L_overlay_start_0:
0x0: {  	s2 =	sld [smem:$0x3FD9]  }
0x1: {  	s3 =	sld [smem:$0x3FFE];
	_ =	sdelay $0x1  }
0x2: {  	s1 =	srdreg.scid  }
0x3: {  	s0 =	sand.u32 $0x1, s1  }
0x4: {  	s18 =	sshll.u32 s0, $0xA;
	s2 =	sadd.s32 s3, s2  }
0x5: {  	s2 =	sadd.s32 s2, s18  }
0x6: {  	[smem:$0x3FBC] =	sst s2  }
0x7: {  	_ = 	snop  }
0x8: {  	s2 =	sld [smem:$0x3FD0];
	(tm) =	ssettm $0x1  }
0x9: {  	s19 =	sld [smem:$0x3FFB];
	_ =	sdelay $0x3  }
0xa: {  	_ =	strace s19  }
0xb: {  	s3 =	sld [smem:$0x3FFC];
	_ =	sdelay $0x3  }
0xc: {  	_ =	strace s3  }
0xd: {  	s3 =	sld [smem:$0x3FFD];
	_ =	sdelay $0x3  }
0xe: {  	_ =	strace s3  }
0xf: {  	_ =	strace $0x8FFFFFFF  }
0x10: {  	s20 =	sld [smem:$0x3FDB];
	_ =	sdelay $0x1  }
0x11: {  	s4 =	simm.s32 $_scs_section_size  }
0x12: {  	s5 =	simm.s32 $_size__tile_overlayer_lowered;
	s6 =	simm.s32 $_tile_overlayer_lowered  }
0x13: {  	s23 =	simm.s32 $0x1BFF;
	s22 =	sshll.u32 s6, $0x1;
	s3 =	sadd.s32 s4, s20  }
0x14: {  	s7 =	simm.s32 $0x0;
	s21 =	sshll.u32 s5, $0x1;
	s5 =	sadd.s32 s22, s3  }
0x15: {  	[timem:s7], [sflag:s23] =	dma.local [hbm:s5], s21  }
0x16: {  	_ =	swait.ge [sflag:s23], s21  }
0x17: {  	s4 =	ssub.s32 $0x0, s21;
	[sflag:s23] =	ssyncset.done $0x0  }
0x18: {  	[sflag:s23] =	ssyncadd.s32 s4;
	_ =	sdelay $0x1  }
0x19: {  	s24 =	simm.s32 $0x1B8B  }
0x1a: {  	_ =	swait.ge [sflag:s24], $0x1  }
0x1b: {  	[sflag:s24] =	ssyncset.done $0x0  }
0x1c: {  	s26 =	simm.s32 $0x1B8E;
	s25 =	sld [smem:$0x3FFE];
	[sflag:s24] =	ssyncadd.s32 $0xFFFFFFFF  }
0x1d: {  	s27 =	simm.s32 $execute0_lowered;
	[smem:$0x3FD2] =	sst s26  }
0x1e: {  	s5 =	sshll.u32 s27, $0x1;
	_ =	strace $0x80000049;
	[dreg:$0x1] =	wrdreg $0xFFFFFFFF  }
0x1f: {  	s28 =	simm.s32 $_size_execute0_lowered;
	s3 =	sadd.s32 s3, s5;
	[dreg:$0x0] =	wrdreg $0x0  }
0x20: {  	s5 =	sshll.u32 s28, $0x1;
	[dreg:$0x2] =	wrdreg s3  }
0x21: {  	[dreg:$0x3] =	wrdreg s5  }
0x22: {  	[dreg:$0x4] =	wrdreg $0xC0  }
0x23: {  	_ =	task [dreg:s7], $0x5FFFF  }
0x24: {  	[dreg:$0x1] =	wrdreg $0xFFFFFFFF  }
0x25: {  	[dreg:$0x0] =	wrdreg $0x60  }
0x26: {  	[dreg:$0x2] =	wrdreg s25  }
0x27: {  	[dreg:$0x3] =	wrdreg s2  }
0x28: {  	[dreg:$0x4] =	wrdreg $0x9  }
0x29: {  	_ =	task.clear_ibuf [dreg:s7], $0x5FFFF;
	_ =	strace $0x90000049  }
0x2a: {  	s29 =	simm.s32 $0x9;
	_ =	strace $0x8000004B  }
0x2b: {  	_ =	swait.ge [sflag:s29], $0x1  }
0x2c: {  	[sflag:s29] =	ssyncadd.s32 $0xFFFFFFFF  }
0x2d: {  	_ =	strace $0x9000004B  }
0x2e: {  	_ =	sfence  }
0x2f: {  	s30 =	sld [smem:$0x0];
	_ =	sdelay $0x2  }
0x30: {  	s31 =	sshll.u32 s1, $0xD;
	s1 =	sshrl.u32 s1, $0x2  }
0x31: {  	s3 =	sand.u32 $0x4000, s31;
	s1 =	sadd.s32 s1, s30  }
0x32: {  	s0 =	sor.u32 s3, s0;
	s1 =	sshll.u32 s1, $0x11  }
0x33: {  	s0 =	sor.u32 s1, s0  }
0x34: {  	s0 =	sadd.s32 $0x8F2B, s0  }
0x35: {  	[sflag:s0] =	ssyncadd.remote.s32 $0x1  }
0x36: {  	_ =	sfence.sel $0xFFFF  }
0x37: {  	[dreg:$0x0] =	wrdreg $0xFFFFFFFF;
	(pc) =	sbr.abs _section_cstart, $3  }
0x38: {  	[dreg:$0x1] =	wrdreg $0xFFFFFFFF  }
0x39: {  	_ =	task.clear_ibuf [dreg:s7], $0x2FFFF;
	_ =	strace $0x9FFFFFFF  }
0x3a: {  	(tm) =	ssettm $0x7FFFFFFF  }
0x3b: {  	_ =	shalt  }
tec
execute0_lowered:
.L_overlay_start_1:
0x0: {  	(tag) =	ssettag $0x1  }
0x1: {  	s0 =	srdreg.scid  }
0x2: {  	s1 =	sshll.u32 s0, $0x4  }
0x3: {  	s8 =	rddreg [dreg:$0x0];
	s0 =	stileid.u32;
	s1 =	sand.u32 $0x10, s1  }
0x4: {  	s3 =	rddreg [dreg:$0x1];
	s29 =	sshll.u32 s0, $0x7;
	s7 =	sor.u32 s0, s1  }
0x5: {  	s30 =	simm.s32 $0x2;
	s1 =	sand.u32 $0x380, s29;
	s2 =	sshll.u32 s7, $0x4  }
0x6: {  	s18 =	simm.s32 $0x0;
	s4 =	ssub.s32 $0x400, s1;
	s2 =	sand.u32 $0x180, s2  }
0x7: {  	s11 =	simm.s32 $0x1000;
	s5 =	sand.u32 $0x380, s4;
	s6 =	ssub.s32 $0x200, s2  }
0x8: {  	p0 =	sne.s32 s5, $0x0;
	s5 =	simm.s32 $0x1;
	s9 =	sand.u32 $0x180, s6  }
0x9: {  	s5 =	simm.s32 @!p0 $0x0;
	p0 =	sne.s32 s9, $0x0;
	s9 =	simm.s32 $0x1  }
0xa: {  	s10 =	sshrl.u32 s4, $0xA;
	s6 =	sshrl.u32 s6, $0x9;
	s9 =	simm.s32 @!p0 $0x0  }
0xb: {  	s12 =	simm.s32 $0x0;
	s10 =	sadd.s32 s5, s10;
	s6 =	sadd.s32 s9, s6  }
0xc: {  	s16 =	simm.s32 $0x0;
	s17 =	simm.s32 $0x0;
	s6 =	smul.u32 s6, s10  }
.Ltmp0:
0xd: {  	s13 =	simm.s32 $0x0;
	s15 =	simm.s32 $0x0;
	(pc) =	sbr.rel .LBB1_1-.Ltmp0, $4  }
0xe: {  	s31 =	sshll.u32 s7, $0x7;
	s7 =	sadd.s32 $0x2000, s8;
	s4 =	rddreg [dreg:$0x2]  }
0xf: {  	_ =	strace $0x8000004A;
	s5 =	simm.s32 $0x1;
	s6 =	smul.u32 $0x32, s6  }
0x10: {  	s14 =	smov.u32 s1;
	s8 =	sand.u32 $0xC00, s31;
	[sflag:s5] =	ssyncpa.u1 $0x0  }
0x11: {  	[sflag:s30] =	ssyncpa.u1 $0x0;
	s10 =	simm.s32 $0x400;
	s9 =	sor.u32 $0x1, s6  }
.LBB1_4:
0x12: {  	_ =	sdelay $0x3  }
0x13: {  	[tilespmem:v0+s21+$0xFFFFFFD0 ss:$0x1] =	vst.idx.msk $0xffff, v6  }
0x14: {  	v56 =	vld.idx.msk [tilespmem:v1+s20+$0x0 ss:$0x1], $0xffff;
	[tilespmem:v0+s21+$0xFFFFFFE0 ss:$0x1] =	vst.idx.msk $0xffff, v4  }
0x15: {  	v57 =	vld.idx.msk [tilespmem:v1+s20+$0xFFFFFF90 ss:$0x1], $0xffff;
	[tilespmem:v0+s21+$0xFFFFFFF0 ss:$0x1] =	vst.idx.msk $0xffff, v2  }
0x16: {  	v58 =	vld.idx.msk [tilespmem:v1+s20+$0xFFFFFFA0 ss:$0x1], $0xffff;
	[tilespmem:v0+s21+$0x0 ss:$0x1] =	vst.idx.msk $0xffff, v3  }
0x17: {  	v59 =	vld.idx.msk [tilespmem:v1+s20+$0xFFFFFFB0 ss:$0x1], $0xffff;
	[tilespmem:v0+s21+$0x10 ss:$0x1] =	vst.idx.msk $0xffff, v5  }
0x18: {  	v60 =	vld.idx.msk [tilespmem:v1+s20+$0xFFFFFFC0 ss:$0x1], $0xffff;
	[tilespmem:v0+s21+$0x20 ss:$0x1] =	vst.idx.msk $0xffff, v7  }
0x19: {  	v61 =	vld.idx.msk [tilespmem:v1+s20+$0xFFFFFFD0 ss:$0x1], $0xffff;
	[tilespmem:v0+s20+$0x30 ss:$0x1] =	vst.idx.msk $0xffff, v56  }
0x1a: {  	v62 =	vld.idx.msk [tilespmem:v1+s20+$0xFFFFFFE0 ss:$0x1], $0xffff;
	s29 =	sshll.u32 s17, $0x9;
	[tilespmem:v0+s20+$0xFFFFFFC0 ss:$0x1] =	vst.idx.msk $0xffff, v57  }
0x1b: {  	v63 =	vld.idx.msk [tilespmem:v1+s20+$0xFFFFFFF0 ss:$0x1], $0xffff;
	s18 =	sshll.u32 s18, $0x3;
	s22 =	sshll.u32 s17, $0x7;
	s21 =	sand.u32 $0x7F000, s29;
	[tilespmem:v0+s20+$0xFFFFFFD0 ss:$0x1] =	vst.idx.msk $0xffff, v58  }
0x1c: {  	s30 =	sand.u32 $0x200, s22;
	s18 =	sor.u32 s21, s18;
	[tilespmem:v0+s20+$0xFFFFFFE0 ss:$0x1] =	vst.idx.msk $0xffff, v59  }
0x1d: {  	s16 =	sshll.u32 s16, $0x10;
	s31 =	sshll.u32 s17, $0x4;
	s18 =	sor.u32 s30, s18;
	[tilespmem:v0+s20+$0xFFFFFFF0 ss:$0x1] =	vst.idx.msk $0xffff, v60  }
0x1e: {  	s17 =	sand.u32 $0x30, s31;
	s16 =	sadd.s32 s3, s16;
	s18 =	sshrl.u32 s18, $0x3;
	[tilespmem:v0+s20+$0x0 ss:$0x1] =	vst.idx.msk $0xffff, v61  }
0x1f: {  	s16 =	sadd.s32 s17, s16;
	[tilespmem:v0+s20+$0x10 ss:$0x1] =	vst.idx.msk $0xffff, v62;
	s18 =	sand.u32 $0xFFC0, s18  }
0x20: {  	[tilespmem:v0+s20+$0x20 ss:$0x1] =	vst.idx.msk $0xffff, v63;
	s16 =	sadd.s32 s18, s16  }
0x21: {  	[hbm4b:s16+s10] =	stream.strided.scatter [tilespmem:s19], [sflag:$0x2], $0x4000, s11, s10, $0x38;
	[tilespmem:$0x10000] =	vst v63  }
.LBB1_5:
0x22: {  	s19 =	sadd.s32 $0x1, s13  }
0x23: {  	s16 =	sadd.s32 $0x400, s14;
	s20 =	smov.u32 s14;
	p1 =	sgt.s32 s19, $0x31  }
0x24: {  	s20 =	smov.u32 @p1 s16  }
0x25: {  	s19 =	simm.s32 @p1 $0x0;
	p1 =	sgt.s32 s20, $0x3FF  }
0x26: {  	s20 =	smov.u32 @p1 s1;
	p1 =	sne.s32 s15, s9  }
.Ltmp1:
0x27: {  	p0 =	slt.u32 s15, $0x2;
	(pc) =	sbr.rel @!p1 .LBB1_6-.Ltmp1, $4  }
0x28: {  	s17 =	smov.u32 s14;
	s18 =	simm.s32 @!p0 $0x2  }
0x29: {  	s12 =	sadd.s32 $0x4000, s12;
	_ =	swait.ge @!p0 [sflag:s18], $0x4000;
	s16 =	smov.u32 s13  }
0x2a: {  	[sflag:s18] =	ssyncset.done @!p0 $0x0;
	s13 =	smov.u32 s19;
	s15 =	sadd.s32 $0x1, s15  }
0x2b: {  	[sflag:s18] =	ssyncadd.s32 @!p0 $0xFFFFC000;
	s18 =	smov.u32 s2;
	s14 =	smov.u32 s20  }
.LBB1_1:
0x2c: {  	p0 =	sge.u32 s15, s6  }
0x2d: {  	s19 =	sshll.u32 @!p0 s13, $0x9  }
0x2e: {  	s20 =	sshll.u32 @!p0 s13, $0x7;
	s19 =	sand.u32 @!p0 $0xFFFFF000, s19  }
0x2f: {  	s20 =	sand.u32 @!p0 $0x200, s20;
	s19 =	sor.u32 @!p0 s8, s19  }
0x30: {  	s19 =	sor.u32 @!p0 s20, s19  }
0x31: {  	s19 =	sshrl.u32 @!p0 s19, $0x9  }
0x32: {  	s20 =	smulhi.u32 @!p0 $0x4924925, s19;
	_ =	sdelay $0x1  }
0x33: {  	s20 =	smul.u32 @!p0 $0x38, s20  }
0x34: {  	s31 =	sadd.s32 $0xFFFFFFFF, s15;
	s21 =	smul.u32 @!p0 $0xE00, s14  }
0x35: {  	s22 =	sxor.u32 @!p0 $0xFFFFFFFF, s15;
	s19 =	ssub.s32 @!p0 s19, s20;
	s20 =	sshll.u32 @!p0 s13, $0x4  }
0x36: {  	s22 =	sshll.u32 @!p0 s22, $0xE;
	s21 =	sadd.s32 @!p0 s7, s21;
	s20 =	sand.u32 @!p0 $0x30, s20  }
0x37: {  	s22 =	sand.u32 @!p0 $0x4000, s22;
	s19 =	sshll.u32 @!p0 s19, $0x6;
	s20 =	sadd.s32 @!p0 s20, s21  }
0x38: {  	s21 =	simm.s32 @!p0 $0x7000;
	s19 =	sadd.s32 @!p0 s19, s20;
	s20 =	simm.s32 @!p0 $0x80  }
0x39: {  	[tilespmem:s22], [sflag:$0x1] =	stream.strided.gather @!p0 [hbm4b:s19+s20], $0x4000, s21, s20, $0x38;
	[tilespmem:$0x10000] =	vst v63  }
0x3a: {  	p0 =	sge.u32 s31, s6  }
.Ltmp2:
0x3b: {  	_ = 	snop;
	(pc) =	sbr.rel @p0 .LBB1_5-.Ltmp2, $1  }
0x3c: {  	_ =	sdelay $0x3  }
0x3d: {  	s19 =	sand.u32 $0x4000, s12  }
0x3e: {  	s20 =	sor.u32 $0x70, s19  }
0x3f: {  	v1 =	vmov s20;
	_ =	sdelay $0x1  }
0x40: {  	_ =	swait.ge [sflag:s5], $0x4000  }
0x41: {  	[sflag:s5] =	ssyncset.done $0x0  }
0x42: {  	s21 =	simm.s32 $0x0;
	[sflag:s5] =	ssyncadd.s32 $0xFFFFC000  }
0x43: {  	s19 =	sor.u32 $0x8040, s19;
	v7 =	vld.idx.msk [tilespmem:v1+s21+$0x0 ss:$0x1], $0xffff  }
0x44: {  	v0 =	vmov s19;
	v8 =	vld.idx.msk [tilespmem:v1+s21+$0xFFFFFF90 ss:$0x1], $0xffff  }
0x45: {  	v6 =	vld.idx.msk [tilespmem:v1+s21+$0xFFFFFFA0 ss:$0x1], $0xffff  }
0x46: {  	v4 =	vld.idx.msk [tilespmem:v1+s21+$0xFFFFFFB0 ss:$0x1], $0xffff  }
0x47: {  	v2 =	vld.idx.msk [tilespmem:v1+s21+$0xFFFFFFC0 ss:$0x1], $0xffff  }
0x48: {  	s31 =	sshll.u32 s15, $0xE;
	v3 =	vld.idx.msk [tilespmem:v1+s21+$0xFFFFFFD0 ss:$0x1], $0xffff  }
0x49: {  	s19 =	sand.u32 $0x4000, s31;
	v5 =	vld.idx.msk [tilespmem:v1+s21+$0xFFFFFFE0 ss:$0x1], $0xffff;
	[tilespmem:v0+s21+$0x30 ss:$0x1] =	vst.idx.msk $0xffff, v7  }
0x4a: {  	s22 =	simm.s32 $0x400;
	s20 =	simm.s32 $0x80;
	s19 =	sor.u32 $0x8000, s19;
	[tilespmem:v0+s21+$0xFFFFFFC0 ss:$0x1] =	vst.idx.msk $0xffff, v8;
	v7 =	vld.idx.msk [tilespmem:v1+s21+$0xFFFFFFF0 ss:$0x1], $0xffff  }
.LBB1_3:
0x4b: {  	p0 =	sne.s32 s22, $0xFE00;
	v8 =	vld.idx.msk [tilespmem:v1+s20+$0x0 ss:$0x1], $0xffff;
	[tilespmem:v0+s21+$0xFFFFFFD0 ss:$0x1] =	vst.idx.msk $0xffff, v6  }
0x4c: {  	v9 =	vld.idx.msk [tilespmem:v1+s20+$0xFFFFFF90 ss:$0x1], $0xffff;
	[tilespmem:v0+s21+$0xFFFFFFE0 ss:$0x1] =	vst.idx.msk $0xffff, v4  }
0x4d: {  	v6 =	vld.idx.msk [tilespmem:v1+s20+$0xFFFFFFA0 ss:$0x1], $0xffff;
	[tilespmem:v0+s21+$0xFFFFFFF0 ss:$0x1] =	vst.idx.msk $0xffff, v2  }
.Ltmp3:
0x4e: {  	v4 =	vld.idx.msk [tilespmem:v1+s20+$0xFFFFFFB0 ss:$0x1], $0xffff;
	[tilespmem:v0+s21+$0x0 ss:$0x1] =	vst.idx.msk $0xffff, v3;
	(pc) =	sbr.rel @p0 .LBB1_3-.Ltmp3, $4  }
0x4f: {  	v2 =	vld.idx.msk [tilespmem:v1+s20+$0xFFFFFFC0 ss:$0x1], $0xffff;
	[tilespmem:v0+s21+$0x10 ss:$0x1] =	vst.idx.msk $0xffff, v5  }
0x50: {  	v3 =	vld.idx.msk [tilespmem:v1+s20+$0xFFFFFFD0 ss:$0x1], $0xffff;
	[tilespmem:v0+s21+$0x20 ss:$0x1] =	vst.idx.msk $0xffff, v7;
	s21 =	smov.u32 s20  }
0x51: {  	v5 =	vld.idx.msk [tilespmem:v1+s21+$0xFFFFFFE0 ss:$0x1], $0xffff;
	[tilespmem:v0+s21+$0x30 ss:$0x1] =	vst.idx.msk $0xffff, v8  }
0x52: {  	s20 =	sshra.s32 s22, $0x2;
	s22 =	sadd.s32 $0x200, s22;
	[tilespmem:v0+s21+$0xFFFFFFC0 ss:$0x1] =	vst.idx.msk $0xffff, v9;
	v7 =	vld.idx.msk [tilespmem:v1+s21+$0xFFFFFFF0 ss:$0x1], $0xffff  }
.Ltmp4:
0x53: {  	_ = 	snop;
	(pc) =	sbr.rel .LBB1_4-.Ltmp4, $1  }
0x54: {  	_ =	sdelay $0x3  }
.LBB1_6:
0x55: {  	_ =	sfence.sel $0x180000  }
0x56: {  	s1 =	simm.s32 $0x1;
	[bflag:$0x0] =	sbarrier.arrive $0xFFFF  }
0x57: {  	s31 =	simm.s32 $0x2;
	[sflag:s1] =	ssyncpa.u1 $0x1  }
0x58: {  	[sflag:s31] =	ssyncpa.u1 $0x1  }
0x59: {  	p0 =	sne.s32 s0, $0x0;
	_ =	strace $0x9000004A  }
0x5a: {  	s0 =	sadd.s32 @!p0 $0x100000, s4;
	[bflag:$0x2] =	sbarrier.arrive $0xFFFF  }
0x5b: {  	[sflag:s0] =	ssyncadd.tile.s32 @!p0 $0x1;
	_ =	shalt  }
.Lfunc_end1:
_tile_overlayer_lowered:
.L_overlay_start_2:
0x5c: {  	(tag) =	ssettag $0x2  }
0x5d: {  	s0 =	rddreg [dreg:$0x0];
	s2 =	stileid.u32  }
0x5e: {  	s1 =	rddreg [dreg:$0x1];
	p0 =	sne.s32 s2, $0x0  }
0x5f: {  	s3 =	rddreg [dreg:$0x2];
	[bflag:$0x3] =	sbarrier.arrive $0xFFFF;
	s2 =	simm.s32 @!p0 $0x1C01  }
0x60: {  	[timem:s3], [sflag:s2] =	dma.local @!p0 [hbm:s0], s1  }
0x61: {  	s0 =	simm.s32 @!p0 $0x1  }
0x62: {  	_ =	swait.ge @!p0 [sflag:s0], s1  }
0x63: {  	s1 =	ssub.s32 @!p0 $0x0, s1;
	[sflag:s0] =	ssyncset.done @!p0 $0x0  }
0x64: {  	[sflag:s0] =	ssyncadd.s32 @!p0 s1  }
0x65: {  	[bflag:$0x3] =	sbarrier.arrive $0xFFFF  }
0x66: {  	_ =	shalt  }

</sc_bundles>
